<compile_context>
chip_gen: v7x
topology: tpu7x:2x2x1
jax: 0.10.2.dev20260603
libtpu: 0.0.44.dev20260713+nightly
codegen_flags: <defaults>
</compile_context>

<pallas_src>
import jax
import jax.numpy as jnp
from jax import lax
from jax.experimental import pallas as pl
from jax.experimental.pallas import tpu as pltpu
from jax.experimental.pallas import tpu_sc as plsc

D = H = W = 256
N_RAYS, N_BINS = 16384, 128
N = N_RAYS * N_BINS
NC, NS, L = 2, 16, 16
NW = NC * NS
P = N // NW
C = 2048
NCHUNK = P // C


def _floor_i32(x):
    t = x.astype(jnp.int32)
    tf = t.astype(jnp.float32)
    return jnp.where(tf > x, t - 1, t)


def _axis(c, extent):
    x = c * (0.5 * extent) + (0.5 * extent - 0.5)
    i0 = _floor_i32(x)
    i1 = i0 + 1
    w1 = x - i0.astype(jnp.float32)
    w0 = 1.0 - w1
    hi = extent - 1
    v0 = (i0 >= 0) & (i0 <= hi)
    v1 = (i1 >= 0) & (i1 <= hi)
    w0 = jnp.where(v0, w0, 0.0)
    w1 = jnp.where(v1, w1, 0.0)
    c0 = jnp.minimum(jnp.maximum(i0, 0), hi)
    c1 = jnp.minimum(jnp.maximum(i1, 0), hi)
    return i0, c0, c1, w0, w1


def _body(grid_hbm, coords_hbm, out_hbm, coords_v, idx_v, w_v, vals_v,
          out_v, sem_c0, sem_c1, sem_g0, sem_g1, sem_o0, sem_o1):
    wid = lax.axis_index("s") * NC + lax.axis_index("c")
    base_pt = wid * P
    sem_c = (sem_c0, sem_c1)
    sem_g = (sem_g0, sem_g1)
    sem_o = (sem_o0, sem_o1)

    def fire_coords(ci, s):
        pt0 = base_pt + ci * C
        for a in range(3):
            pltpu.async_copy(coords_hbm.at[pl.ds(a * N + pt0, C)],
                             coords_v.at[pl.ds((3 * s + a) * C, C)], sem_c[s])

    def wait_coords(s):
        for a in range(3):
            pltpu.make_async_copy(
                coords_hbm.at[pl.ds(0, C)],
                coords_v.at[pl.ds((3 * s + a) * C, C)], sem_c[s]).wait()

    def pass1(s):
        def grp(g, carry2):
            o = g * L
            cx = coords_v[pl.ds(3 * s * C + o, L)]
            cy = coords_v[pl.ds((3 * s + 1) * C + o, L)]
            cz = coords_v[pl.ds((3 * s + 2) * C + o, L)]
            x0r, xa, _, wx0, wx1 = _axis(cx, W)
            _, y0, y1, wy0, wy1 = _axis(cy, H)
            _, z0, z1, wz0, wz1 = _axis(cz, D)
            wlo = jnp.where(x0r >= 0, wx0, wx1)
            whi = jnp.where(x0r >= 0, wx1, 0.0)
            xa = (xa & 127) + (xa >> 7) * HALF
            iz0 = z0 * (H * 128)
            iz1 = z1 * (H * 128)
            iy0 = y0 * 128
            iy1 = y1 * 128
            corners = (
                (iz0 + iy0 + xa, wz0 * wy0),
                (iz0 + iy1 + xa, wz0 * wy1),
                (iz1 + iy0 + xa, wz1 * wy0),
                (iz1 + iy1 + xa, wz1 * wy1),
            )
            for k, (iv, wv) in enumerate(corners):
                idx_v[pl.ds((4 * s + k) * C + o, L)] = iv
                w_v[pl.ds((6 * s + k) * C + o, L)] = wv
            w_v[pl.ds((6 * s + 4) * C + o, L)] = wlo
            w_v[pl.ds((6 * s + 5) * C + o, L)] = whi
            return carry2

        lax.fori_loop(0, C // L, grp, 0, unroll=2)

    def fire_gather(s):
        pltpu.async_copy(grid_hbm.at[idx_v.at[pl.ds(4 * s * C, 4 * C)]],
                         vals_v.at[pl.ds(4 * s * C, 4 * C)], sem_g[s])

    def wait_gather(s):
        pltpu.make_async_copy(grid_hbm.at[pl.ds(0, 4 * C)],
                              vals_v.at[pl.ds(4 * s * C, 4 * C)],
                              sem_g[s]).wait()

    def pass2(ci, s):
        himask = jnp.uint32(0xFFFF0000)

        def grp2(g, carry2):
            o = g * L
            wlo = w_v[pl.ds((6 * s + 4) * C + o, L)]
            whi = w_v[pl.ds((6 * s + 5) * C + o, L)]
            acc = None
            for k in range(4):
                u = vals_v[pl.ds((4 * s + k) * C + o, L)]
                v0 = plsc.bitcast(u << 16, jnp.float32)
                v1 = plsc.bitcast(u & himask, jnp.float32)
                wzy = w_v[pl.ds((6 * s + k) * C + o, L)]
                term = wzy * (v0 * wlo + v1 * whi)
                acc = term if acc is None else acc + term
            out_v[pl.ds(s * C + o, L)] = acc
            return carry2

        lax.fori_loop(0, C // L, grp2, 0, unroll=2)
        pltpu.async_copy(out_v.at[pl.ds(s * C, C)],
                         out_hbm.at[pl.ds(base_pt + ci * C, C)], sem_o[s])

    def wait_out(s):
        pltpu.make_async_copy(out_v.at[pl.ds(s * C, C)],
                              out_hbm.at[pl.ds(base_pt, C)], sem_o[s]).wait()

    fire_coords(0, 0)

    def chunk_pair(i, carry):
        for s in (0, 1):
            t = 1 - s
            ci = 2 * i + s
            wait_coords(s)
            pass1(s)
            fire_gather(s)

            @pl.when(ci < NCHUNK - 1)
            def _():
                fire_coords(ci + 1, t)

            @pl.when(ci >= 3)
            def _():
                wait_out(t)

            @pl.when(ci >= 1)
            def _():
                wait_gather(t)
                pass2(ci - 1, t)

        return carry

    lax.fori_loop(0, NCHUNK // 2, chunk_pair, 0)
    s_last = (NCHUNK - 1) & 1
    wait_gather(s_last)
    pass2(NCHUNK - 1, s_last)
    wait_out(1 - s_last)
    wait_out(s_last)


R_BLK = 2048
N_RB = D * H // R_BLK
HALF = D * H * 128


def _pack_body(x_ref, b_ref, o_ref):
    x = x_ref[...]
    nxt = jnp.concatenate([x[:, 1:], b_ref[:, :1]], axis=1)
    lo = jax.lax.bitcast_convert_type(x.astype(jnp.bfloat16),
                                      jnp.uint16).astype(jnp.uint32)
    hi = jax.lax.bitcast_convert_type(nxt.astype(jnp.bfloat16),
                                      jnp.uint16).astype(jnp.uint32)
    o_ref[...] = lo | (hi << 16)


def _pack_grid(grid2):
    out = pl.pallas_call(
        _pack_body,
        grid=(N_RB, 2),
        in_specs=[pl.BlockSpec((R_BLK, 128), lambda i, j: (i, j)),
                  pl.BlockSpec((R_BLK, 128), lambda i, j: (i, 1))],
        out_specs=pl.BlockSpec((R_BLK, 128), lambda i, j: (j * N_RB + i, 0)),
        out_shape=jax.ShapeDtypeStruct((2 * D * H, 128), jnp.uint32),
    )(grid2, grid2)
    return out.reshape(D * H * W)


@jax.jit
def kernel(occupancy_grid, ray_bin_centers):
    grid_flat = _pack_grid(occupancy_grid.reshape(D * H, W))
    coords_flat = jnp.moveaxis(ray_bin_centers, -1, 0).reshape(3 * N)
    mesh = plsc.VectorSubcoreMesh(core_axis_name="c", subcore_axis_name="s")
    run = pl.kernel(
        _body,
        out_type=jax.ShapeDtypeStruct((N,), jnp.float32),
        mesh=mesh,
        compiler_params=pltpu.CompilerParams(needs_layout_passes=False),
        scratch_types=[
            pltpu.VMEM((2 * 3 * C,), jnp.float32),
            pltpu.VMEM((2 * 4 * C,), jnp.int32),
            pltpu.VMEM((2 * 6 * C,), jnp.float32),
            pltpu.VMEM((2 * 4 * C,), jnp.uint32),
            pltpu.VMEM((2 * C,), jnp.float32),
            pltpu.SemaphoreType.DMA,
            pltpu.SemaphoreType.DMA,
            pltpu.SemaphoreType.DMA,
            pltpu.SemaphoreType.DMA,
            pltpu.SemaphoreType.DMA,
            pltpu.SemaphoreType.DMA,
        ],
    )
    out = run(grid_flat, coords_flat)
    return out.reshape(N_RAYS, N_BINS)

# --- scband reference (transcript-rebuilt; emitter-appended) ---
"""Pipeline reference for scband-occupancy-grid-model-70076686402222 (READ-ONLY COPY).

The authoritative reference and input builder live on the scoring server;
editing this copy changes nothing except your own understanding.
"""

import jax, jax.numpy as jnp
import numpy as np


def setup_inputs(seed: int = 0) -> dict:
    key = jax.random.key(seed)
    k1, k2 = jax.random.split(key)
    occupancy_grid = jax.random.normal(k1, (1, 1, 256, 256, 256), dtype=jnp.float32)
    # grid_sample coordinates live in [-1, 1]
    ray_bin_centers = jax.random.uniform(k2, (16384, 128, 3), dtype=jnp.float32, minval=-1.0, maxval=1.0)
    return {"occupancy_grid": occupancy_grid, "ray_bin_centers": ray_bin_centers}


def trilinear_grid_sample(grid, coords):
    # grid: [1, 1, D, H, W]; coords: [n_rays, n_bins, 3] with last dim = (x, y, z) -> (W, H, D)
    # Faithful to torch.nn.functional.grid_sample(mode='bilinear', align_corners=False,
    # padding_mode='zeros') on a 5D input (i.e. trilinear interpolation).
    g = grid[0, 0]
    D, H, W = g.shape
    n_rays, n_bins, _ = coords.shape
    c = coords.reshape(-1, 3)
    # align_corners=False unnormalization
    x = ((c[:, 0] + 1.0) * W - 1.0) / 2.0
    y = ((c[:, 1] + 1.0) * H - 1.0) / 2.0
    z = ((c[:, 2] + 1.0) * D - 1.0) / 2.0
    x0 = jnp.floor(x); y0 = jnp.floor(y); z0 = jnp.floor(z)
    x1 = x0 + 1.0; y1 = y0 + 1.0; z1 = z0 + 1.0
    wx1 = x - x0; wx0 = 1.0 - wx1
    wy1 = y - y0; wy0 = 1.0 - wy1
    wz1 = z - z0; wz0 = 1.0 - wz1

    def sample(zi, yi, xi):
        zi_i = zi.astype(jnp.int32)
        yi_i = yi.astype(jnp.int32)
        xi_i = xi.astype(jnp.int32)
        valid = (zi_i >= 0) & (zi_i < D) & (yi_i >= 0) & (yi_i < H) & (xi_i >= 0) & (xi_i < W)
        zc = jnp.clip(zi_i, 0, D - 1)
        yc = jnp.clip(yi_i, 0, H - 1)
        xc = jnp.clip(xi_i, 0, W - 1)
        v = g[zc, yc, xc]
        return jnp.where(valid, v, 0.0)

    out = (sample(z0, y0, x0) * wz0 * wy0 * wx0
         + sample(z0, y0, x1) * wz0 * wy0 * wx1
         + sample(z0, y1, x0) * wz0 * wy1 * wx0
         + sample(z0, y1, x1) * wz0 * wy1 * wx1
         + sample(z1, y0, x0) * wz1 * wy0 * wx0
         + sample(z1, y0, x1) * wz1 * wy0 * wx1
         + sample(z1, y1, x0) * wz1 * wy1 * wx0
         + sample(z1, y1, x1) * wz1 * wy1 * wx1)
    return out.reshape(n_rays, n_bins)


def reference(occupancy_grid, ray_bin_centers):
    # forward() returns the grid parameter; the compute-bearing op is the static
    # interpolate() which grid_samples ray bin centers into the occupancy grid.
    bin_logits = trilinear_grid_sample(occupancy_grid, ray_bin_centers)
    return bin_logits

if __name__ == "__main__":
    import jax
    _d = setup_inputs()
    print(jax.jit(kernel)(*tuple(_d.values())))

</pallas_src>

<mosaic_0001>
#map = affine_map<(d0, d1) -> (0)>
module attributes {stable_mosaic.version = 14 : i64} {
  func.func @_body(%arg0: i32, %arg1: i32, %arg2: memref<16777216xi32, #tpu.memory_space<hbm>>, %arg3: memref<6291456xf32, #tpu.memory_space<hbm>>, %arg4: memref<2097152xf32, #tpu.memory_space<hbm>>, %arg5: memref<12288xf32, #tpu.memory_space<vmem>>, %arg6: memref<16384xi32, #tpu.memory_space<vmem>>, %arg7: memref<24576xf32, #tpu.memory_space<vmem>>, %arg8: memref<16384xi32, #tpu.memory_space<vmem>>, %arg9: memref<4096xf32, #tpu.memory_space<vmem>>, %arg10: memref<!tpu.dma_semaphore, #tpu.memory_space<semaphore_mem>>, %arg11: memref<!tpu.dma_semaphore, #tpu.memory_space<semaphore_mem>>, %arg12: memref<!tpu.dma_semaphore, #tpu.memory_space<semaphore_mem>>, %arg13: memref<!tpu.dma_semaphore, #tpu.memory_space<semaphore_mem>>, %arg14: memref<!tpu.dma_semaphore, #tpu.memory_space<semaphore_mem>>, %arg15: memref<!tpu.dma_semaphore, #tpu.memory_space<semaphore_mem>>) attributes {dimension_semantics = [#tpu.dimension_semantics<core_parallel>, #tpu.dimension_semantics<subcore_parallel>], iteration_bounds = array<i64: 2, 16>, scalar_prefetch = 0 : i64, scratch_operands = 11 : i64, tpu.core_type = #tpu.core_type<sc_vector_subcore>, window_params = [{transform_indices = #map}, {transform_indices = #map}, {transform_indices = #map}]} {
    %mul3A = arith.constant 2 : i32
    %mul3A_0 = arith.muli %arg1, %mul3A : i32
    %add3A = arith.addi %mul3A_0, %arg0 : i32
    %mul3A_1 = arith.constant 65536 : i32
    %mul3A_2 = arith.muli %add3A, %mul3A_1 : i32
    %add3A_3 = arith.constant 0 : i32
    %add3A_4 = arith.addi %mul3A_2, %add3A_3 : i32
    %add3A_5 = arith.constant 0 : i32
    %add3A_6 = arith.addi %add3A_5, %add3A_4 : i32
    %dma_start3A = arith.constant 0 : i32
    %dma_start3A_7 = tpu.memref_slice %arg5[%dma_start3A] : memref<12288xf32, #tpu.memory_space<vmem>> -> memref<2048xf32, #tpu.memory_space<vmem>>
    %dma_start3A_8 = tpu.memref_slice %arg3[%add3A_6] : memref<6291456xf32, #tpu.memory_space<hbm>> -> memref<2048xf32, #tpu.memory_space<hbm>>
    %dma_start3A_9 = arith.constant 0 : i32
    %dma_start3A_10 = tpu.memref_slice %arg5[%dma_start3A_9] : memref<12288xf32, #tpu.memory_space<vmem>> -> memref<2048xf32, #tpu.memory_space<vmem>>
    %dma_start3A_11 = tpu.memref_slice %arg3[%add3A_6] : memref<6291456xf32, #tpu.memory_space<hbm>> -> memref<2048xf32, #tpu.memory_space<hbm>>
    tpu.enqueue_dma source(%dma_start3A_11 : memref<2048xf32, #tpu.memory_space<hbm>>) target(%dma_start3A_10 : memref<2048xf32, #tpu.memory_space<vmem>>) target_semaphore(%arg10 : memref<!tpu.dma_semaphore, #tpu.memory_space<semaphore_mem>>)
    %add3A_12 = arith.constant 2097152 : i32
    %add3A_13 = arith.addi %add3A_12, %add3A_4 : i32
    %dma_start3A_14 = arith.constant 2048 : i32
    %dma_start3A_15 = tpu.memref_slice %arg5[%dma_start3A_14] : memref<12288xf32, #tpu.memory_space<vmem>> -> memref<2048xf32, #tpu.memory_space<vmem>>
    %dma_start3A_16 = tpu.memref_slice %arg3[%add3A_13] : memref<6291456xf32, #tpu.memory_space<hbm>> -> memref<2048xf32, #tpu.memory_space<hbm>>
    %dma_start3A_17 = arith.constant 2048 : i32
    %dma_start3A_18 = tpu.memref_slice %arg5[%dma_start3A_17] : memref<12288xf32, #tpu.memory_space<vmem>> -> memref<2048xf32, #tpu.memory_space<vmem>>
    %dma_start3A_19 = tpu.memref_slice %arg3[%add3A_13] : memref<6291456xf32, #tpu.memory_space<hbm>> -> memref<2048xf32, #tpu.memory_space<hbm>>
    tpu.enqueue_dma source(%dma_start3A_19 : memref<2048xf32, #tpu.memory_space<hbm>>) target(%dma_start3A_18 : memref<2048xf32, #tpu.memory_space<vmem>>) target_semaphore(%arg10 : memref<!tpu.dma_semaphore, #tpu.memory_space<semaphore_mem>>)
    %add3A_20 = arith.constant 4194304 : i32
    %add3A_21 = arith.addi %add3A_20, %add3A_4 : i32
    %dma_start3A_22 = arith.constant 4096 : i32
    %dma_start3A_23 = tpu.memref_slice %arg5[%dma_start3A_22] : memref<12288xf32, #tpu.memory_space<vmem>> -> memref<2048xf32, #tpu.memory_space<vmem>>
    %dma_start3A_24 = tpu.memref_slice %arg3[%add3A_21] : memref<6291456xf32, #tpu.memory_space<hbm>> -> memref<2048xf32, #tpu.memory_space<hbm>>
    %dma_start3A_25 = arith.constant 4096 : i32
    %dma_start3A_26 = tpu.memref_slice %arg5[%dma_start3A_25] : memref<12288xf32, #tpu.memory_space<vmem>> -> memref<2048xf32, #tpu.memory_space<vmem>>
    %dma_start3A_27 = tpu.memref_slice %arg3[%add3A_21] : memref<6291456xf32, #tpu.memory_space<hbm>> -> memref<2048xf32, #tpu.memory_space<hbm>>
    tpu.enqueue_dma source(%dma_start3A_27 : memref<2048xf32, #tpu.memory_space<hbm>>) target(%dma_start3A_26 : memref<2048xf32, #tpu.memory_space<vmem>>) target_semaphore(%arg10 : memref<!tpu.dma_semaphore, #tpu.memory_space<semaphore_mem>>)
    %scan3A = arith.constant 0 : i32
    %scan3A_28 = arith.constant 0 : i32
    %scan3A_29 = arith.constant 16 : i32
    %scan3A_30 = arith.addi %scan3A_28, %scan3A_29 : i32
    %scan3A_31 = arith.constant 1 : i32
    scf.for %scan3A_67 = %scan3A_28 to %scan3A_30 step %scan3A_31  : i32 {
      %mul3A_68 = arith.constant 2 : i32
      %mul3A_69 = arith.muli %mul3A_68, %scan3A_67 : i32
      %add3A_70 = arith.constant 0 : i32
      %add3A_71 = arith.addi %mul3A_69, %add3A_70 : i32
      %dma_wait3A_72 = arith.constant 0 : i32
      %dma_wait3A_73 = tpu.memref_slice %arg5[%dma_wait3A_72] : memref<12288xf32, #tpu.memory_space<vmem>> -> memref<2048xf32, #tpu.memory_space<vmem>>
      %dma_wait3A_74 = arith.constant 0 : i32
      %dma_wait3A_75 = tpu.memref_slice %arg3[%dma_wait3A_74] : memref<6291456xf32, #tpu.memory_space<hbm>> -> memref<2048xf32, #tpu.memory_space<hbm>>
      %dma_wait3A_76 = arith.constant 0 : i32
      %dma_wait3A_77 = tpu.memref_slice %arg5[%dma_wait3A_76] : memref<12288xf32, #tpu.memory_space<vmem>> -> memref<2048xf32, #tpu.memory_space<vmem>>
      %dma_wait3A_78 = arith.constant 0 : i32
      %dma_wait3A_79 = tpu.memref_slice %arg3[%dma_wait3A_78] : memref<6291456xf32, #tpu.memory_space<hbm>> -> memref<2048xf32, #tpu.memory_space<hbm>>
      tpu.wait_dma2 semaphore(%arg10 : memref<!tpu.dma_semaphore, #tpu.memory_space<semaphore_mem>>) src(%dma_wait3A_79 : memref<2048xf32, #tpu.memory_space<hbm>>) dst(%dma_wait3A_77 : memref<2048xf32, #tpu.memory_space<vmem>>)
      %dma_wait3A_80 = arith.constant 2048 : i32
      %dma_wait3A_81 = tpu.memref_slice %arg5[%dma_wait3A_80] : memref<12288xf32, #tpu.memory_space<vmem>> -> memref<2048xf32, #tpu.memory_space<vmem>>
      %dma_wait3A_82 = arith.constant 0 : i32
      %dma_wait3A_83 = tpu.memref_slice %arg3[%dma_wait3A_82] : memref<6291456xf32, #tpu.memory_space<hbm>> -> memref<2048xf32, #tpu.memory_space<hbm>>
      %dma_wait3A_84 = arith.constant 2048 : i32
      %dma_wait3A_85 = tpu.memref_slice %arg5[%dma_wait3A_84] : memref<12288xf32, #tpu.memory_space<vmem>> -> memref<2048xf32, #tpu.memory_space<vmem>>
      %dma_wait3A_86 = arith.constant 0 : i32
      %dma_wait3A_87 = tpu.memref_slice %arg3[%dma_wait3A_86] : memref<6291456xf32, #tpu.memory_space<hbm>> -> memref<2048xf32, #tpu.memory_space<hbm>>
      tpu.wait_dma2 semaphore(%arg10 : memref<!tpu.dma_semaphore, #tpu.memory_space<semaphore_mem>>) src(%dma_wait3A_87 : memref<2048xf32, #tpu.memory_space<hbm>>) dst(%dma_wait3A_85 : memref<2048xf32, #tpu.memory_space<vmem>>)
      %dma_wait3A_88 = arith.constant 4096 : i32
      %dma_wait3A_89 = tpu.memref_slice %arg5[%dma_wait3A_88] : memref<12288xf32, #tpu.memory_space<vmem>> -> memref<2048xf32, #tpu.memory_space<vmem>>
      %dma_wait3A_90 = arith.constant 0 : i32
      %dma_wait3A_91 = tpu.memref_slice %arg3[%dma_wait3A_90] : memref<6291456xf32, #tpu.memory_space<hbm>> -> memref<2048xf32, #tpu.memory_space<hbm>>
      %dma_wait3A_92 = arith.constant 4096 : i32
      %dma_wait3A_93 = tpu.memref_slice %arg5[%dma_wait3A_92] : memref<12288xf32, #tpu.memory_space<vmem>> -> memref<2048xf32, #tpu.memory_space<vmem>>
      %dma_wait3A_94 = arith.constant 0 : i32
      %dma_wait3A_95 = tpu.memref_slice %arg3[%dma_wait3A_94] : memref<6291456xf32, #tpu.memory_space<hbm>> -> memref<2048xf32, #tpu.memory_space<hbm>>
      tpu.wait_dma2 semaphore(%arg10 : memref<!tpu.dma_semaphore, #tpu.memory_space<semaphore_mem>>) src(%dma_wait3A_95 : memref<2048xf32, #tpu.memory_space<hbm>>) dst(%dma_wait3A_93 : memref<2048xf32, #tpu.memory_space<vmem>>)
      %scan3A_96 = arith.constant 0 : i32
      %scan3A_97 = arith.constant 0 : i32
      %scan3A_98 = arith.constant 128 : i32
      %scan3A_99 = arith.addi %scan3A_97, %scan3A_98 : i32
      %scan3A_100 = arith.constant 2 : i32
      scf.for %scan3A_174 = %scan3A_97 to %scan3A_99 step %scan3A_100  : i32 {
        %mul3A_175 = arith.constant 16 : i32
        %mul3A_176 = arith.muli %scan3A_174, %mul3A_175 : i32
        %add3A_177 = arith.constant 0 : i32
        %add3A_178 = arith.addi %add3A_177, %mul3A_176 : i32
        %get3A = arith.index_cast %add3A_178 : i32 to index
        %get3A_179 = tpu.vector_load %arg5[%get3A] {strides = array<i32>} : memref<12288xf32, #tpu.memory_space<vmem>>, vector<16xf32>,
        %add3A_180 = arith.constant 2048 : i32
        %add3A_181 = arith.addi %add3A_180, %mul3A_176 : i32
        %get3A_182 = arith.index_cast %add3A_181 : i32 to index
        %get3A_183 = tpu.vector_load %arg5[%get3A_182] {strides = array<i32>} : memref<12288xf32, #tpu.memory_space<vmem>>, vector<16xf32>,
        %add3A_184 = arith.constant 4096 : i32
        %add3A_185 = arith.addi %add3A_184, %mul3A_176 : i32
        %get3A_186 = arith.index_cast %add3A_185 : i32 to index
        %get3A_187 = tpu.vector_load %arg5[%get3A_186] {strides = array<i32>} : memref<12288xf32, #tpu.memory_space<vmem>>, vector<16xf32>,
        %mul3A_188 = arith.constant 1.280000e+02 : f32
        %mul3A_189 = vector.broadcast %mul3A_188 : f32 to vector<16xf32>
        %mul3A_190 = arith.mulf %get3A_179, %mul3A_189 : vector<16xf32>
        %add3A_191 = arith.constant 1.275000e+02 : f32
        %add3A_192 = vector.broadcast %add3A_191 : f32 to vector<16xf32>
        %add3A_193 = arith.addf %mul3A_190, %add3A_192 : vector<16xf32>
        %convert_element_type3A_194 = arith.fptosi %add3A_193 : vector<16xf32> to vector<16xi32>
        %convert_element_type3A_195 = arith.sitofp %convert_element_type3A_194 : vector<16xi32> to vector<16xf32>
        %gt3A = arith.cmpf ogt, %convert_element_type3A_195, %add3A_193 : vector<16xf32>
        %sub3A = arith.constant 1 : i32
        %sub3A_196 = vector.broadcast %sub3A : i32 to vector<16xi32>
        %sub3A_197 = arith.subi %convert_element_type3A_194, %sub3A_196 : vector<16xi32>
        %select_n3A = arith.select %gt3A, %sub3A_197, %convert_element_type3A_194 : vector<16xi1>, vector<16xi32>
        %add3A_198 = arith.constant 1 : i32
        %add3A_199 = vector.broadcast %add3A_198 : i32 to vector<16xi32>
        %add3A_200 = arith.addi %select_n3A, %add3A_199 : vector<16xi32>
        %convert_element_type3A_201 = arith.sitofp %select_n3A : vector<16xi32> to vector<16xf32>
        %sub3A_202 = arith.subf %add3A_193, %convert_element_type3A_201 : vector<16xf32>
        %sub3A_203 = arith.constant 1.000000e+00 : f32
        %sub3A_204 = vector.broadcast %sub3A_203 : f32 to vector<16xf32>
        %sub3A_205 = arith.subf %sub3A_204, %sub3A_202 : vector<16xf32>
        %ge3A_206 = arith.constant 0 : i32
        %ge3A_207 = vector.broadcast %ge3A_206 : i32 to vector<16xi32>
        %ge3A_208 = arith.cmpi sge, %select_n3A, %ge3A_207 : vector<16xi32>
        %le3A = arith.constant 255 : i32
        %le3A_209 = vector.broadcast %le3A : i32 to vector<16xi32>
        %le3A_210 = arith.cmpi sle, %select_n3A, %le3A_209 : vector<16xi32>
        %and3A = arith.andi %ge3A_208, %le3A_210 : vector<16xi1>
        %ge3A_211 = arith.constant 0 : i32
        %ge3A_212 = vector.broadcast %ge3A_211 : i32 to vector<16xi32>
        %ge3A_213 = arith.cmpi sge, %add3A_200, %ge3A_212 : vector<16xi32>
        %le3A_214 = arith.constant 255 : i32
        %le3A_215 = vector.broadcast %le3A_214 : i32 to vector<16xi32>
        %le3A_216 = arith.cmpi sle, %add3A_200, %le3A_215 : vector<16xi32>
        %and3A_217 = arith.andi %ge3A_213, %le3A_216 : vector<16xi1>
        %jit3A = arith.constant 0.000000e+00 : f32
        %broadcast_in_dim3A = vector.broadcast %jit3A : f32 to vector<16xf32>
        %select_n3A_218 = arith.select %and3A, %sub3A_205, %broadcast_in_dim3A : vector<16xi1>, vector<16xf32>
        %jit3A_219 = arith.constant 0.000000e+00 : f32
        %broadcast_in_dim3A_220 = vector.broadcast %jit3A_219 : f32 to vector<16xf32>
        %select_n3A_221 = arith.select %and3A_217, %sub3A_202, %broadcast_in_dim3A_220 : vector<16xi1>, vector<16xf32>
        %max3A = arith.constant 0 : i32
        %max3A_222 = vector.broadcast %max3A : i32 to vector<16xi32>
        %max3A_223 = arith.maxsi %select_n3A, %max3A_222 : vector<16xi32>
        %min3A = arith.constant 255 : i32
        %min3A_224 = vector.broadcast %min3A : i32 to vector<16xi32>
        %min3A_225 = arith.minsi %max3A_223, %min3A_224 : vector<16xi32>
        %max3A_226 = arith.constant 0 : i32
        %max3A_227 = vector.broadcast %max3A_226 : i32 to vector<16xi32>
        %max3A_228 = arith.maxsi %add3A_200, %max3A_227 : vector<16xi32>
        %min3A_229 = arith.constant 255 : i32
        %min3A_230 = vector.broadcast %min3A_229 : i32 to vector<16xi32>
        %min3A_231 = arith.minsi %max3A_228, %min3A_230 : vector<16xi32>
        %mul3A_232 = arith.constant 1.280000e+02 : f32
        %mul3A_233 = vector.broadcast %mul3A_232 : f32 to vector<16xf32>
        %mul3A_234 = arith.mulf %get3A_183, %mul3A_233 : vector<16xf32>
        %add3A_235 = arith.constant 1.275000e+02 : f32
        %add3A_236 = vector.broadcast %add3A_235 : f32 to vector<16xf32>
        %add3A_237 = arith.addf %mul3A_234, %add3A_236 : vector<16xf32>
        %convert_element_type3A_238 = arith.fptosi %add3A_237 : vector<16xf32> to vector<16xi32>
        %convert_element_type3A_239 = arith.sitofp %convert_element_type3A_238 : vector<16xi32> to vector<16xf32>
        %gt3A_240 = arith.cmpf ogt, %convert_element_type3A_239, %add3A_237 : vector<16xf32>
        %sub3A_241 = arith.constant 1 : i32
        %sub3A_242 = vector.broadcast %sub3A_241 : i32 to vector<16xi32>
        %sub3A_243 = arith.subi %convert_element_type3A_238, %sub3A_242 : vector<16xi32>
        %select_n3A_244 = arith.select %gt3A_240, %sub3A_243, %convert_element_type3A_238 : vector<16xi1>, vector<16xi32>
        %add3A_245 = arith.constant 1 : i32
        %add3A_246 = vector.broadcast %add3A_245 : i32 to vector<16xi32>
        %add3A_247 = arith.addi %select_n3A_244, %add3A_246 : vector<16xi32>
        %convert_element_type3A_248 = arith.sitofp %select_n3A_244 : vector<16xi32> to vector<16xf32>
        %sub3A_249 = arith.subf %add3A_237, %convert_element_type3A_248 : vector<16xf32>
        %sub3A_250 = arith.constant 1.000000e+00 : f32
        %sub3A_251 = vector.broadcast %sub3A_250 : f32 to vector<16xf32>
        %sub3A_252 = arith.subf %sub3A_251, %sub3A_249 : vector<16xf32>
        %ge3A_253 = arith.constant 0 : i32
        %ge3A_254 = vector.broadcast %ge3A_253 : i32 to vector<16xi32>
        %ge3A_255 = arith.cmpi sge, %select_n3A_244, %ge3A_254 : vector<16xi32>
        %le3A_256 = arith.constant 255 : i32
        %le3A_257 = vector.broadcast %le3A_256 : i32 to vector<16xi32>
        %le3A_258 = arith.cmpi sle, %select_n3A_244, %le3A_257 : vector<16xi32>
        %and3A_259 = arith.andi %ge3A_255, %le3A_258 : vector<16xi1>
        %ge3A_260 = arith.constant 0 : i32
        %ge3A_261 = vector.broadcast %ge3A_260 : i32 to vector<16xi32>
        %ge3A_262 = arith.cmpi sge, %add3A_247, %ge3A_261 : vector<16xi32>
        %le3A_263 = arith.constant 255 : i32
        %le3A_264 = vector.broadcast %le3A_263 : i32 to vector<16xi32>
        %le3A_265 = arith.cmpi sle, %add3A_247, %le3A_264 : vector<16xi32>
        %and3A_266 = arith.andi %ge3A_262, %le3A_265 : vector<16xi1>
        %jit3A_267 = arith.constant 0.000000e+00 : f32
        %broadcast_in_dim3A_268 = vector.broadcast %jit3A_267 : f32 to vector<16xf32>
        %select_n3A_269 = arith.select %and3A_259, %sub3A_252, %broadcast_in_dim3A_268 : vector<16xi1>, vector<16xf32>
        %jit3A_270 = arith.constant 0.000000e+00 : f32
        %broadcast_in_dim3A_271 = vector.broadcast %jit3A_270 : f32 to vector<16xf32>
        %select_n3A_272 = arith.select %and3A_266, %sub3A_249, %broadcast_in_dim3A_271 : vector<16xi1>, vector<16xf32>
        %max3A_273 = arith.constant 0 : i32
        %max3A_274 = vector.broadcast %max3A_273 : i32 to vector<16xi32>
        %max3A_275 = arith.maxsi %select_n3A_244, %max3A_274 : vector<16xi32>
        %min3A_276 = arith.constant 255 : i32
        %min3A_277 = vector.broadcast %min3A_276 : i32 to vector<16xi32>
        %min3A_278 = arith.minsi %max3A_275, %min3A_277 : vector<16xi32>
        %max3A_279 = arith.constant 0 : i32
        %max3A_280 = vector.broadcast %max3A_279 : i32 to vector<16xi32>
        %max3A_281 = arith.maxsi %add3A_247, %max3A_280 : vector<16xi32>
        %min3A_282 = arith.constant 255 : i32
        %min3A_283 = vector.broadcast %min3A_282 : i32 to vector<16xi32>
        %min3A_284 = arith.minsi %max3A_281, %min3A_283 : vector<16xi32>
        %mul3A_285 = arith.constant 1.280000e+02 : f32
        %mul3A_286 = vector.broadcast %mul3A_285 : f32 to vector<16xf32>
        %mul3A_287 = arith.mulf %get3A_187, %mul3A_286 : vector<16xf32>
        %add3A_288 = arith.constant 1.275000e+02 : f32
        %add3A_289 = vector.broadcast %add3A_288 : f32 to vector<16xf32>
        %add3A_290 = arith.addf %mul3A_287, %add3A_289 : vector<16xf32>
        %convert_element_type3A_291 = arith.fptosi %add3A_290 : vector<16xf32> to vector<16xi32>
        %convert_element_type3A_292 = arith.sitofp %convert_element_type3A_291 : vector<16xi32> to vector<16xf32>
        %gt3A_293 = arith.cmpf ogt, %convert_element_type3A_292, %add3A_290 : vector<16xf32>
        %sub3A_294 = arith.constant 1 : i32
        %sub3A_295 = vector.broadcast %sub3A_294 : i32 to vector<16xi32>
        %sub3A_296 = arith.subi %convert_element_type3A_291, %sub3A_295 : vector<16xi32>
        %select_n3A_297 = arith.select %gt3A_293, %sub3A_296, %convert_element_type3A_291 : vector<16xi1>, vector<16xi32>
        %add3A_298 = arith.constant 1 : i32
        %add3A_299 = vector.broadcast %add3A_298 : i32 to vector<16xi32>
        %add3A_300 = arith.addi %select_n3A_297, %add3A_299 : vector<16xi32>
        %convert_element_type3A_301 = arith.sitofp %select_n3A_297 : vector<16xi32> to vector<16xf32>
        %sub3A_302 = arith.subf %add3A_290, %convert_element_type3A_301 : vector<16xf32>
        %sub3A_303 = arith.constant 1.000000e+00 : f32
        %sub3A_304 = vector.broadcast %sub3A_303 : f32 to vector<16xf32>
        %sub3A_305 = arith.subf %sub3A_304, %sub3A_302 : vector<16xf32>
        %ge3A_306 = arith.constant 0 : i32
        %ge3A_307 = vector.broadcast %ge3A_306 : i32 to vector<16xi32>
        %ge3A_308 = arith.cmpi sge, %select_n3A_297, %ge3A_307 : vector<16xi32>
        %le3A_309 = arith.constant 255 : i32
        %le3A_310 = vector.broadcast %le3A_309 : i32 to vector<16xi32>
        %le3A_311 = arith.cmpi sle, %select_n3A_297, %le3A_310 : vector<16xi32>
        %and3A_312 = arith.andi %ge3A_308, %le3A_311 : vector<16xi1>
        %ge3A_313 = arith.constant 0 : i32
        %ge3A_314 = vector.broadcast %ge3A_313 : i32 to vector<16xi32>
        %ge3A_315 = arith.cmpi sge, %add3A_300, %ge3A_314 : vector<16xi32>
        %le3A_316 = arith.constant 255 : i32
        %le3A_317 = vector.broadcast %le3A_316 : i32 to vector<16xi32>
        %le3A_318 = arith.cmpi sle, %add3A_300, %le3A_317 : vector<16xi32>
        %and3A_319 = arith.andi %ge3A_315, %le3A_318 : vector<16xi1>
        %jit3A_320 = arith.constant 0.000000e+00 : f32
        %broadcast_in_dim3A_321 = vector.broadcast %jit3A_320 : f32 to vector<16xf32>
        %select_n3A_322 = arith.select %and3A_312, %sub3A_305, %broadcast_in_dim3A_321 : vector<16xi1>, vector<16xf32>
        %jit3A_323 = arith.constant 0.000000e+00 : f32
        %broadcast_in_dim3A_324 = vector.broadcast %jit3A_323 : f32 to vector<16xf32>
        %select_n3A_325 = arith.select %and3A_319, %sub3A_302, %broadcast_in_dim3A_324 : vector<16xi1>, vector<16xf32>
        %max3A_326 = arith.constant 0 : i32
        %max3A_327 = vector.broadcast %max3A_326 : i32 to vector<16xi32>
        %max3A_328 = arith.maxsi %select_n3A_297, %max3A_327 : vector<16xi32>
        %min3A_329 = arith.constant 255 : i32
        %min3A_330 = vector.broadcast %min3A_329 : i32 to vector<16xi32>
        %min3A_331 = arith.minsi %max3A_328, %min3A_330 : vector<16xi32>
        %max3A_332 = arith.constant 0 : i32
        %max3A_333 = vector.broadcast %max3A_332 : i32 to vector<16xi32>
        %max3A_334 = arith.maxsi %add3A_300, %max3A_333 : vector<16xi32>
        %min3A_335 = arith.constant 255 : i32
        %min3A_336 = vector.broadcast %min3A_335 : i32 to vector<16xi32>
        %min3A_337 = arith.minsi %max3A_334, %min3A_336 : vector<16xi32>
        %ge3A_338 = arith.constant 0 : i32
        %ge3A_339 = vector.broadcast %ge3A_338 : i32 to vector<16xi32>
        %ge3A_340 = arith.cmpi sge, %select_n3A, %ge3A_339 : vector<16xi32>
        %select_n3A_341 = arith.select %ge3A_340, %select_n3A_218, %select_n3A_221 : vector<16xi1>, vector<16xf32>
        %ge3A_342 = arith.constant 0 : i32
        %ge3A_343 = vector.broadcast %ge3A_342 : i32 to vector<16xi32>
        %ge3A_344 = arith.cmpi sge, %select_n3A, %ge3A_343 : vector<16xi32>
        %jit3A_345 = arith.constant 0.000000e+00 : f32
        %broadcast_in_dim3A_346 = vector.broadcast %jit3A_345 : f32 to vector<16xf32>
        %select_n3A_347 = arith.select %ge3A_344, %select_n3A_221, %broadcast_in_dim3A_346 : vector<16xi1>, vector<16xf32>
        %and3A_348 = arith.constant 127 : i32
        %and3A_349 = vector.broadcast %and3A_348 : i32 to vector<16xi32>
        %and3A_350 = arith.andi %min3A_225, %and3A_349 : vector<16xi32>
        %shift_right_arithmetic3A = arith.constant 7 : i32
        %shift_right_arithmetic3A_351 = vector.broadcast %shift_right_arithmetic3A : i32 to vector<16xi32>
        %shift_right_arithmetic3A_352 = arith.shrsi %min3A_225, %shift_right_arithmetic3A_351 : vector<16xi32>
        %mul3A_353 = arith.constant 8388608 : i32
        %mul3A_354 = vector.broadcast %mul3A_353 : i32 to vector<16xi32>
        %mul3A_355 = arith.muli %shift_right_arithmetic3A_352, %mul3A_354 : vector<16xi32>
        %add3A_356 = arith.addi %and3A_350, %mul3A_355 : vector<16xi32>
        %mul3A_357 = arith.constant 32768 : i32
        %mul3A_358 = vector.broadcast %mul3A_357 : i32 to vector<16xi32>
        %mul3A_359 = arith.muli %min3A_331, %mul3A_358 : vector<16xi32>
        %mul3A_360 = arith.constant 32768 : i32
        %mul3A_361 = vector.broadcast %mul3A_360 : i32 to vector<16xi32>
        %mul3A_362 = arith.muli %min3A_337, %mul3A_361 : vector<16xi32>
        %mul3A_363 = arith.constant 128 : i32
        %mul3A_364 = vector.broadcast %mul3A_363 : i32 to vector<16xi32>
        %mul3A_365 = arith.muli %min3A_278, %mul3A_364 : vector<16xi32>
        %mul3A_366 = arith.constant 128 : i32
        %mul3A_367 = vector.broadcast %mul3A_366 : i32 to vector<16xi32>
        %mul3A_368 = arith.muli %min3A_284, %mul3A_367 : vector<16xi32>
        %add3A_369 = arith.addi %mul3A_359, %mul3A_365 : vector<16xi32>
        %add3A_370 = arith.addi %add3A_369, %add3A_356 : vector<16xi32>
        %mul3A_371 = arith.mulf %select_n3A_322, %select_n3A_269 : vector<16xf32>
        %add3A_372 = arith.addi %mul3A_359, %mul3A_368 : vector<16xi32>
        %add3A_373 = arith.addi %add3A_372, %add3A_356 : vector<16xi32>
        %mul3A_374 = arith.mulf %select_n3A_322, %select_n3A_272 : vector<16xf32>
        %add3A_375 = arith.addi %mul3A_362, %mul3A_365 : vector<16xi32>
        %add3A_376 = arith.addi %add3A_375, %add3A_356 : vector<16xi32>
        %mul3A_377 = arith.mulf %select_n3A_325, %select_n3A_269 : vector<16xf32>
        %add3A_378 = arith.addi %mul3A_362, %mul3A_368 : vector<16xi32>
        %add3A_379 = arith.addi %add3A_378, %add3A_356 : vector<16xi32>
        %mul3A_380 = arith.mulf %select_n3A_325, %select_n3A_272 : vector<16xf32>
        %add3A_381 = arith.constant 0 : i32
        %add3A_382 = arith.addi %add3A_381, %mul3A_176 : i32
        %swap3A = arith.index_cast %add3A_382 : i32 to index
        %swap3A_383 = tpu.vector_load %arg6[%swap3A] {strides = array<i32>} : memref<16384xi32, #tpu.memory_space<vmem>>, vector<16xi32>,
        tpu.vector_store %arg6[%swap3A], %add3A_370 {strides = array<i32>} : memref<16384xi32, #tpu.memory_space<vmem>>, vector<16xi32>,
        %add3A_384 = arith.constant 0 : i32
        %add3A_385 = arith.addi %add3A_384, %mul3A_176 : i32
        %swap3A_386 = arith.index_cast %add3A_385 : i32 to index
        %swap3A_387 = tpu.vector_load %arg7[%swap3A_386] {strides = array<i32>} : memref<24576xf32, #tpu.memory_space<vmem>>, vector<16xf32>,
        tpu.vector_store %arg7[%swap3A_386], %mul3A_371 {strides = array<i32>} : memref<24576xf32, #tpu.memory_space<vmem>>, vector<16xf32>,
        %add3A_388 = arith.constant 2048 : i32
        %add3A_389 = arith.addi %add3A_388, %mul3A_176 : i32
        %swap3A_390 = arith.index_cast %add3A_389 : i32 to index
        %swap3A_391 = tpu.vector_load %arg6[%swap3A_390] {strides = array<i32>} : memref<16384xi32, #tpu.memory_space<vmem>>, vector<16xi32>,
        tpu.vector_store %arg6[%swap3A_390], %add3A_373 {strides = array<i32>} : memref<16384xi32, #tpu.memory_space<vmem>>, vector<16xi32>,
        %add3A_392 = arith.constant 2048 : i32
        %add3A_393 = arith.addi %add3A_392, %mul3A_176 : i32
        %swap3A_394 = arith.index_cast %add3A_393 : i32 to index
        %swap3A_395 = tpu.vector_load %arg7[%swap3A_394] {strides = array<i32>} : memref<24576xf32, #tpu.memory_space<vmem>>, vector<16xf32>,
        tpu.vector_store %arg7[%swap3A_394], %mul3A_374 {strides = array<i32>} : memref<24576xf32, #tpu.memory_space<vmem>>, vector<16xf32>,
        %add3A_396 = arith.constant 4096 : i32
        %add3A_397 = arith.addi %add3A_396, %mul3A_176 : i32
        %swap3A_398 = arith.index_cast %add3A_397 : i32 to index
        %swap3A_399 = tpu.vector_load %arg6[%swap3A_398] {strides = array<i32>} : memref<16384xi32, #tpu.memory_space<vmem>>, vector<16xi32>,
        tpu.vector_store %arg6[%swap3A_398], %add3A_376 {strides = array<i32>} : memref<16384xi32, #tpu.memory_space<vmem>>, vector<16xi32>,
        %add3A_400 = arith.constant 4096 : i32
        %add3A_401 = arith.addi %add3A_400, %mul3A_176 : i32
        %swap3A_402 = arith.index_cast %add3A_401 : i32 to index
        %swap3A_403 = tpu.vector_load %arg7[%swap3A_402] {strides = array<i32>} : memref<24576xf32, #tpu.memory_space<vmem>>, vector<16xf32>,
        tpu.vector_store %arg7[%swap3A_402], %mul3A_377 {strides = array<i32>} : memref<24576xf32, #tpu.memory_space<vmem>>, vector<16xf32>,
        %add3A_404 = arith.constant 6144 : i32
        %add3A_405 = arith.addi %add3A_404, %mul3A_176 : i32
        %swap3A_406 = arith.index_cast %add3A_405 : i32 to index
        %swap3A_407 = tpu.vector_load %arg6[%swap3A_406] {strides = array<i32>} : memref<16384xi32, #tpu.memory_space<vmem>>, vector<16xi32>,
        tpu.vector_store %arg6[%swap3A_406], %add3A_379 {strides = array<i32>} : memref<16384xi32, #tpu.memory_space<vmem>>, vector<16xi32>,
        %add3A_408 = arith.constant 6144 : i32
        %add3A_409 = arith.addi %add3A_408, %mul3A_176 : i32
        %swap3A_410 = arith.index_cast %add3A_409 : i32 to index
        %swap3A_411 = tpu.vector_load %arg7[%swap3A_410] {strides = array<i32>} : memref<24576xf32, #tpu.memory_space<vmem>>, vector<16xf32>,
        tpu.vector_store %arg7[%swap3A_410], %mul3A_380 {strides = array<i32>} : memref<24576xf32, #tpu.memory_space<vmem>>, vector<16xf32>,
        %add3A_412 = arith.constant 8192 : i32
        %add3A_413 = arith.addi %add3A_412, %mul3A_176 : i32
        %swap3A_414 = arith.index_cast %add3A_413 : i32 to index
        %swap3A_415 = tpu.vector_load %arg7[%swap3A_414] {strides = array<i32>} : memref<24576xf32, #tpu.memory_space<vmem>>, vector<16xf32>,
        tpu.vector_store %arg7[%swap3A_414], %select_n3A_341 {strides = array<i32>} : memref<24576xf32, #tpu.memory_space<vmem>>, vector<16xf32>,
        %add3A_416 = arith.constant 10240 : i32
        %add3A_417 = arith.addi %add3A_416, %mul3A_176 : i32
        %swap3A_418 = arith.index_cast %add3A_417 : i32 to index
        %swap3A_419 = tpu.vector_load %arg7[%swap3A_418] {strides = array<i32>} : memref<24576xf32, #tpu.memory_space<vmem>>, vector<16xf32>,
        tpu.vector_store %arg7[%swap3A_418], %select_n3A_347 {strides = array<i32>} : memref<24576xf32, #tpu.memory_space<vmem>>, vector<16xf32>,
        %scan3A_420 = arith.constant 1 : i32
        %scan3A_421 = arith.addi %scan3A_174, %scan3A_420 : i32
        %mul3A_422 = arith.constant 16 : i32
        %mul3A_423 = arith.muli %scan3A_421, %mul3A_422 : i32
        %add3A_424 = arith.constant 0 : i32
        %add3A_425 = arith.addi %add3A_424, %mul3A_423 : i32
        %get3A_426 = arith.index_cast %add3A_425 : i32 to index
        %get3A_427 = tpu.vector_load %arg5[%get3A_426] {strides = array<i32>} : memref<12288xf32, #tpu.memory_space<vmem>>, vector<16xf32>,
        %add3A_428 = arith.constant 2048 : i32
        %add3A_429 = arith.addi %add3A_428, %mul3A_423 : i32
        %get3A_430 = arith.index_cast %add3A_429 : i32 to index
        %get3A_431 = tpu.vector_load %arg5[%get3A_430] {strides = array<i32>} : memref<12288xf32, #tpu.memory_space<vmem>>, vector<16xf32>,
        %add3A_432 = arith.constant 4096 : i32
        %add3A_433 = arith.addi %add3A_432, %mul3A_423 : i32
        %get3A_434 = arith.index_cast %add3A_433 : i32 to index
        %get3A_435 = tpu.vector_load %arg5[%get3A_434] {strides = array<i32>} : memref<12288xf32, #tpu.memory_space<vmem>>, vector<16xf32>,
        %mul3A_436 = arith.constant 1.280000e+02 : f32
        %mul3A_437 = vector.broadcast %mul3A_436 : f32 to vector<16xf32>
        %mul3A_438 = arith.mulf %get3A_427, %mul3A_437 : vector<16xf32>
        %add3A_439 = arith.constant 1.275000e+02 : f32
        %add3A_440 = vector.broadcast %add3A_439 : f32 to vector<16xf32>
        %add3A_441 = arith.addf %mul3A_438, %add3A_440 : vector<16xf32>
        %convert_element_type3A_442 = arith.fptosi %add3A_441 : vector<16xf32> to vector<16xi32>
        %convert_element_type3A_443 = arith.sitofp %convert_element_type3A_442 : vector<16xi32> to vector<16xf32>
        %gt3A_444 = arith.cmpf ogt, %convert_element_type3A_443, %add3A_441 : vector<16xf32>
        %sub3A_445 = arith.constant 1 : i32
        %sub3A_446 = vector.broadcast %sub3A_445 : i32 to vector<16xi32>
        %sub3A_447 = arith.subi %convert_element_type3A_442, %sub3A_446 : vector<16xi32>
        %select_n3A_448 = arith.select %gt3A_444, %sub3A_447, %convert_element_type3A_442 : vector<16xi1>, vector<16xi32>
        %add3A_449 = arith.constant 1 : i32
        %add3A_450 = vector.broadcast %add3A_449 : i32 to vector<16xi32>
        %add3A_451 = arith.addi %select_n3A_448, %add3A_450 : vector<16xi32>
        %convert_element_type3A_452 = arith.sitofp %select_n3A_448 : vector<16xi32> to vector<16xf32>
        %sub3A_453 = arith.subf %add3A_441, %convert_element_type3A_452 : vector<16xf32>
        %sub3A_454 = arith.constant 1.000000e+00 : f32
        %sub3A_455 = vector.broadcast %sub3A_454 : f32 to vector<16xf32>
        %sub3A_456 = arith.subf %sub3A_455, %sub3A_453 : vector<16xf32>
        %ge3A_457 = arith.constant 0 : i32
        %ge3A_458 = vector.broadcast %ge3A_457 : i32 to vector<16xi32>
        %ge3A_459 = arith.cmpi sge, %select_n3A_448, %ge3A_458 : vector<16xi32>
        %le3A_460 = arith.constant 255 : i32
        %le3A_461 = vector.broadcast %le3A_460 : i32 to vector<16xi32>
        %le3A_462 = arith.cmpi sle, %select_n3A_448, %le3A_461 : vector<16xi32>
        %and3A_463 = arith.andi %ge3A_459, %le3A_462 : vector<16xi1>
        %ge3A_464 = arith.constant 0 : i32
        %ge3A_465 = vector.broadcast %ge3A_464 : i32 to vector<16xi32>
        %ge3A_466 = arith.cmpi sge, %add3A_451, %ge3A_465 : vector<16xi32>
        %le3A_467 = arith.constant 255 : i32
        %le3A_468 = vector.broadcast %le3A_467 : i32 to vector<16xi32>
        %le3A_469 = arith.cmpi sle, %add3A_451, %le3A_468 : vector<16xi32>
        %and3A_470 = arith.andi %ge3A_466, %le3A_469 : vector<16xi1>
        %jit3A_471 = arith.constant 0.000000e+00 : f32
        %broadcast_in_dim3A_472 = vector.broadcast %jit3A_471 : f32 to vector<16xf32>
        %select_n3A_473 = arith.select %and3A_463, %sub3A_456, %broadcast_in_dim3A_472 : vector<16xi1>, vector<16xf32>
        %jit3A_474 = arith.constant 0.000000e+00 : f32
        %broadcast_in_dim3A_475 = vector.broadcast %jit3A_474 : f32 to vector<16xf32>
        %select_n3A_476 = arith.select %and3A_470, %sub3A_453, %broadcast_in_dim3A_475 : vector<16xi1>, vector<16xf32>
        %max3A_477 = arith.constant 0 : i32
        %max3A_478 = vector.broadcast %max3A_477 : i32 to vector<16xi32>
        %max3A_479 = arith.maxsi %select_n3A_448, %max3A_478 : vector<16xi32>
        %min3A_480 = arith.constant 255 : i32
        %min3A_481 = vector.broadcast %min3A_480 : i32 to vector<16xi32>
        %min3A_482 = arith.minsi %max3A_479, %min3A_481 : vector<16xi32>
        %max3A_483 = arith.constant 0 : i32
        %max3A_484 = vector.broadcast %max3A_483 : i32 to vector<16xi32>
        %max3A_485 = arith.maxsi %add3A_451, %max3A_484 : vector<16xi32>
        %min3A_486 = arith.constant 255 : i32
        %min3A_487 = vector.broadcast %min3A_486 : i32 to vector<16xi32>
        %min3A_488 = arith.minsi %max3A_485, %min3A_487 : vector<16xi32>
        %mul3A_489 = arith.constant 1.280000e+02 : f32
        %mul3A_490 = vector.broadcast %mul3A_489 : f32 to vector<16xf32>
        %mul3A_491 = arith.mulf %get3A_431, %mul3A_490 : vector<16xf32>
        %add3A_492 = arith.constant 1.275000e+02 : f32
        %add3A_493 = vector.broadcast %add3A_492 : f32 to vector<16xf32>
        %add3A_494 = arith.addf %mul3A_491, %add3A_493 : vector<16xf32>
        %convert_element_type3A_495 = arith.fptosi %add3A_494 : vector<16xf32> to vector<16xi32>
        %convert_element_type3A_496 = arith.sitofp %convert_element_type3A_495 : vector<16xi32> to vector<16xf32>
        %gt3A_497 = arith.cmpf ogt, %convert_element_type3A_496, %add3A_494 : vector<16xf32>
        %sub3A_498 = arith.constant 1 : i32
        %sub3A_499 = vector.broadcast %sub3A_498 : i32 to vector<16xi32>
        %sub3A_500 = arith.subi %convert_element_type3A_495, %sub3A_499 : vector<16xi32>
        %select_n3A_501 = arith.select %gt3A_497, %sub3A_500, %convert_element_type3A_495 : vector<16xi1>, vector<16xi32>
        %add3A_502 = arith.constant 1 : i32
        %add3A_503 = vector.broadcast %add3A_502 : i32 to vector<16xi32>
        %add3A_504 = arith.addi %select_n3A_501, %add3A_503 : vector<16xi32>
        %convert_element_type3A_505 = arith.sitofp %select_n3A_501 : vector<16xi32> to vector<16xf32>
        %sub3A_506 = arith.subf %add3A_494, %convert_element_type3A_505 : vector<16xf32>
        %sub3A_507 = arith.constant 1.000000e+00 : f32
        %sub3A_508 = vector.broadcast %sub3A_507 : f32 to vector<16xf32>
        %sub3A_509 = arith.subf %sub3A_508, %sub3A_506 : vector<16xf32>
        %ge3A_510 = arith.constant 0 : i32
        %ge3A_511 = vector.broadcast %ge3A_510 : i32 to vector<16xi32>
        %ge3A_512 = arith.cmpi sge, %select_n3A_501, %ge3A_511 : vector<16xi32>
        %le3A_513 = arith.constant 255 : i32
        %le3A_514 = vector.broadcast %le3A_513 : i32 to vector<16xi32>
        %le3A_515 = arith.cmpi sle, %select_n3A_501, %le3A_514 : vector<16xi32>
        %and3A_516 = arith.andi %ge3A_512, %le3A_515 : vector<16xi1>
        %ge3A_517 = arith.constant 0 : i32
        %ge3A_518 = vector.broadcast %ge3A_517 : i32 to vector<16xi32>
        %ge3A_519 = arith.cmpi sge, %add3A_504, %ge3A_518 : vector<16xi32>
        %le3A_520 = arith.constant 255 : i32
        %le3A_521 = vector.broadcast %le3A_520 : i32 to vector<16xi32>
        %le3A_522 = arith.cmpi sle, %add3A_504, %le3A_521 : vector<16xi32>
        %and3A_523 = arith.andi %ge3A_519, %le3A_522 : vector<16xi1>
        %jit3A_524 = arith.constant 0.000000e+00 : f32
        %broadcast_in_dim3A_525 = vector.broadcast %jit3A_524 : f32 to vector<16xf32>
        %select_n3A_526 = arith.select %and3A_516, %sub3A_509, %broadcast_in_dim3A_525 : vector<16xi1>, vector<16xf32>
        %jit3A_527 = arith.constant 0.000000e+00 : f32
        %broadcast_in_dim3A_528 = vector.broadcast %jit3A_527 : f32 to vector<16xf32>
        %select_n3A_529 = arith.select %and3A_523, %sub3A_506, %broadcast_in_dim3A_528 : vector<16xi1>, vector<16xf32>
        %max3A_530 = arith.constant 0 : i32
        %max3A_531 = vector.broadcast %max3A_530 : i32 to vector<16xi32>
        %max3A_532 = arith.maxsi %select_n3A_501, %max3A_531 : vector<16xi32>
        %min3A_533 = arith.constant 255 : i32
        %min3A_534 = vector.broadcast %min3A_533 : i32 to vector<16xi32>
        %min3A_535 = arith.minsi %max3A_532, %min3A_534 : vector<16xi32>
        %max3A_536 = arith.constant 0 : i32
        %max3A_537 = vector.broadcast %max3A_536 : i32 to vector<16xi32>
        %max3A_538 = arith.maxsi %add3A_504, %max3A_537 : vector<16xi32>
        %min3A_539 = arith.constant 255 : i32
        %min3A_540 = vector.broadcast %min3A_539 : i32 to vector<16xi32>
        %min3A_541 = arith.minsi %max3A_538, %min3A_540 : vector<16xi32>
        %mul3A_542 = arith.constant 1.280000e+02 : f32
        %mul3A_543 = vector.broadcast %mul3A_542 : f32 to vector<16xf32>
        %mul3A_544 = arith.mulf %get3A_435, %mul3A_543 : vector<16xf32>
        %add3A_545 = arith.constant 1.275000e+02 : f32
        %add3A_546 = vector.broadcast %add3A_545 : f32 to vector<16xf32>
        %add3A_547 = arith.addf %mul3A_544, %add3A_546 : vector<16xf32>
        %convert_element_type3A_548 = arith.fptosi %add3A_547 : vector<16xf32> to vector<16xi32>
        %convert_element_type3A_549 = arith.sitofp %convert_element_type3A_548 : vector<16xi32> to vector<16xf32>
        %gt3A_550 = arith.cmpf ogt, %convert_element_type3A_549, %add3A_547 : vector<16xf32>
        %sub3A_551 = arith.constant 1 : i32
        %sub3A_552 = vector.broadcast %sub3A_551 : i32 to vector<16xi32>
        %sub3A_553 = arith.subi %convert_element_type3A_548, %sub3A_552 : vector<16xi32>
        %select_n3A_554 = arith.select %gt3A_550, %sub3A_553, %convert_element_type3A_548 : vector<16xi1>, vector<16xi32>
        %add3A_555 = arith.constant 1 : i32
        %add3A_556 = vector.broadcast %add3A_555 : i32 to vector<16xi32>
        %add3A_557 = arith.addi %select_n3A_554, %add3A_556 : vector<16xi32>
        %convert_element_type3A_558 = arith.sitofp %select_n3A_554 : vector<16xi32> to vector<16xf32>
        %sub3A_559 = arith.subf %add3A_547, %convert_element_type3A_558 : vector<16xf32>
        %sub3A_560 = arith.constant 1.000000e+00 : f32
        %sub3A_561 = vector.broadcast %sub3A_560 : f32 to vector<16xf32>
        %sub3A_562 = arith.subf %sub3A_561, %sub3A_559 : vector<16xf32>
        %ge3A_563 = arith.constant 0 : i32
        %ge3A_564 = vector.broadcast %ge3A_563 : i32 to vector<16xi32>
        %ge3A_565 = arith.cmpi sge, %select_n3A_554, %ge3A_564 : vector<16xi32>
        %le3A_566 = arith.constant 255 : i32
        %le3A_567 = vector.broadcast %le3A_566 : i32 to vector<16xi32>
        %le3A_568 = arith.cmpi sle, %select_n3A_554, %le3A_567 : vector<16xi32>
        %and3A_569 = arith.andi %ge3A_565, %le3A_568 : vector<16xi1>
        %ge3A_570 = arith.constant 0 : i32
        %ge3A_571 = vector.broadcast %ge3A_570 : i32 to vector<16xi32>
        %ge3A_572 = arith.cmpi sge, %add3A_557, %ge3A_571 : vector<16xi32>
        %le3A_573 = arith.constant 255 : i32
        %le3A_574 = vector.broadcast %le3A_573 : i32 to vector<16xi32>
        %le3A_575 = arith.cmpi sle, %add3A_557, %le3A_574 : vector<16xi32>
        %and3A_576 = arith.andi %ge3A_572, %le3A_575 : vector<16xi1>
        %jit3A_577 = arith.constant 0.000000e+00 : f32
        %broadcast_in_dim3A_578 = vector.broadcast %jit3A_577 : f32 to vector<16xf32>
        %select_n3A_579 = arith.select %and3A_569, %sub3A_562, %broadcast_in_dim3A_578 : vector<16xi1>, vector<16xf32>
        %jit3A_580 = arith.constant 0.000000e+00 : f32
        %broadcast_in_dim3A_581 = vector.broadcast %jit3A_580 : f32 to vector<16xf32>
        %select_n3A_582 = arith.select %and3A_576, %sub3A_559, %broadcast_in_dim3A_581 : vector<16xi1>, vector<16xf32>
        %max3A_583 = arith.constant 0 : i32
        %max3A_584 = vector.broadcast %max3A_583 : i32 to vector<16xi32>
        %max3A_585 = arith.maxsi %select_n3A_554, %max3A_584 : vector<16xi32>
        %min3A_586 = arith.constant 255 : i32
        %min3A_587 = vector.broadcast %min3A_586 : i32 to vector<16xi32>
        %min3A_588 = arith.minsi %max3A_585, %min3A_587 : vector<16xi32>
        %max3A_589 = arith.constant 0 : i32
        %max3A_590 = vector.broadcast %max3A_589 : i32 to vector<16xi32>
        %max3A_591 = arith.maxsi %add3A_557, %max3A_590 : vector<16xi32>
        %min3A_592 = arith.constant 255 : i32
        %min3A_593 = vector.broadcast %min3A_592 : i32 to vector<16xi32>
        %min3A_594 = arith.minsi %max3A_591, %min3A_593 : vector<16xi32>
        %ge3A_595 = arith.constant 0 : i32
        %ge3A_596 = vector.broadcast %ge3A_595 : i32 to vector<16xi32>
        %ge3A_597 = arith.cmpi sge, %select_n3A_448, %ge3A_596 : vector<16xi32>
        %select_n3A_598 = arith.select %ge3A_597, %select_n3A_473, %select_n3A_476 : vector<16xi1>, vector<16xf32>
        %ge3A_599 = arith.constant 0 : i32
        %ge3A_600 = vector.broadcast %ge3A_599 : i32 to vector<16xi32>
        %ge3A_601 = arith.cmpi sge, %select_n3A_448, %ge3A_600 : vector<16xi32>
        %jit3A_602 = arith.constant 0.000000e+00 : f32
        %broadcast_in_dim3A_603 = vector.broadcast %jit3A_602 : f32 to vector<16xf32>
        %select_n3A_604 = arith.select %ge3A_601, %select_n3A_476, %broadcast_in_dim3A_603 : vector<16xi1>, vector<16xf32>
        %and3A_605 = arith.constant 127 : i32
        %and3A_606 = vector.broadcast %and3A_605 : i32 to vector<16xi32>
        %and3A_607 = arith.andi %min3A_482, %and3A_606 : vector<16xi32>
        %shift_right_arithmetic3A_608 = arith.constant 7 : i32
        %shift_right_arithmetic3A_609 = vector.broadcast %shift_right_arithmetic3A_608 : i32 to vector<16xi32>
        %shift_right_arithmetic3A_610 = arith.shrsi %min3A_482, %shift_right_arithmetic3A_609 : vector<16xi32>
        %mul3A_611 = arith.constant 8388608 : i32
        %mul3A_612 = vector.broadcast %mul3A_611 : i32 to vector<16xi32>
        %mul3A_613 = arith.muli %shift_right_arithmetic3A_610, %mul3A_612 : vector<16xi32>
        %add3A_614 = arith.addi %and3A_607, %mul3A_613 : vector<16xi32>
        %mul3A_615 = arith.constant 32768 : i32
        %mul3A_616 = vector.broadcast %mul3A_615 : i32 to vector<16xi32>
        %mul3A_617 = arith.muli %min3A_588, %mul3A_616 : vector<16xi32>
        %mul3A_618 = arith.constant 32768 : i32
        %mul3A_619 = vector.broadcast %mul3A_618 : i32 to vector<16xi32>
        %mul3A_620 = arith.muli %min3A_594, %mul3A_619 : vector<16xi32>
        %mul3A_621 = arith.constant 128 : i32
        %mul3A_622 = vector.broadcast %mul3A_621 : i32 to vector<16xi32>
        %mul3A_623 = arith.muli %min3A_535, %mul3A_622 : vector<16xi32>
        %mul3A_624 = arith.constant 128 : i32
        %mul3A_625 = vector.broadcast %mul3A_624 : i32 to vector<16xi32>
        %mul3A_626 = arith.muli %min3A_541, %mul3A_625 : vector<16xi32>
        %add3A_627 = arith.addi %mul3A_617, %mul3A_623 : vector<16xi32>
        %add3A_628 = arith.addi %add3A_627, %add3A_614 : vector<16xi32>
        %mul3A_629 = arith.mulf %select_n3A_579, %select_n3A_526 : vector<16xf32>
        %add3A_630 = arith.addi %mul3A_617, %mul3A_626 : vector<16xi32>
        %add3A_631 = arith.addi %add3A_630, %add3A_614 : vector<16xi32>
        %mul3A_632 = arith.mulf %select_n3A_579, %select_n3A_529 : vector<16xf32>
        %add3A_633 = arith.addi %mul3A_620, %mul3A_623 : vector<16xi32>
        %add3A_634 = arith.addi %add3A_633, %add3A_614 : vector<16xi32>
        %mul3A_635 = arith.mulf %select_n3A_582, %select_n3A_526 : vector<16xf32>
        %add3A_636 = arith.addi %mul3A_620, %mul3A_626 : vector<16xi32>
        %add3A_637 = arith.addi %add3A_636, %add3A_614 : vector<16xi32>
        %mul3A_638 = arith.mulf %select_n3A_582, %select_n3A_529 : vector<16xf32>
        %add3A_639 = arith.constant 0 : i32
        %add3A_640 = arith.addi %add3A_639, %mul3A_423 : i32
        %swap3A_641 = arith.index_cast %add3A_640 : i32 to index
        %swap3A_642 = tpu.vector_load %arg6[%swap3A_641] {strides = array<i32>} : memref<16384xi32, #tpu.memory_space<vmem>>, vector<16xi32>,
        tpu.vector_store %arg6[%swap3A_641], %add3A_628 {strides = array<i32>} : memref<16384xi32, #tpu.memory_space<vmem>>, vector<16xi32>,
        %add3A_643 = arith.constant 0 : i32
        %add3A_644 = arith.addi %add3A_643, %mul3A_423 : i32
        %swap3A_645 = arith.index_cast %add3A_644 : i32 to index
        %swap3A_646 = tpu.vector_load %arg7[%swap3A_645] {strides = array<i32>} : memref<24576xf32, #tpu.memory_space<vmem>>, vector<16xf32>,
        tpu.vector_store %arg7[%swap3A_645], %mul3A_629 {strides = array<i32>} : memref<24576xf32, #tpu.memory_space<vmem>>, vector<16xf32>,
        %add3A_647 = arith.constant 2048 : i32
        %add3A_648 = arith.addi %add3A_647, %mul3A_423 : i32
        %swap3A_649 = arith.index_cast %add3A_648 : i32 to index
        %swap3A_650 = tpu.vector_load %arg6[%swap3A_649] {strides = array<i32>} : memref<16384xi32, #tpu.memory_space<vmem>>, vector<16xi32>,
        tpu.vector_store %arg6[%swap3A_649], %add3A_631 {strides = array<i32>} : memref<16384xi32, #tpu.memory_space<vmem>>, vector<16xi32>,
        %add3A_651 = arith.constant 2048 : i32
        %add3A_652 = arith.addi %add3A_651, %mul3A_423 : i32
        %swap3A_653 = arith.index_cast %add3A_652 : i32 to index
        %swap3A_654 = tpu.vector_load %arg7[%swap3A_653] {strides = array<i32>} : memref<24576xf32, #tpu.memory_space<vmem>>, vector<16xf32>,
        tpu.vector_store %arg7[%swap3A_653], %mul3A_632 {strides = array<i32>} : memref<24576xf32, #tpu.memory_space<vmem>>, vector<16xf32>,
        %add3A_655 = arith.constant 4096 : i32
        %add3A_656 = arith.addi %add3A_655, %mul3A_423 : i32
        %swap3A_657 = arith.index_cast %add3A_656 : i32 to index
        %swap3A_658 = tpu.vector_load %arg6[%swap3A_657] {strides = array<i32>} : memref<16384xi32, #tpu.memory_space<vmem>>, vector<16xi32>,
        tpu.vector_store %arg6[%swap3A_657], %add3A_634 {strides = array<i32>} : memref<16384xi32, #tpu.memory_space<vmem>>, vector<16xi32>,
        %add3A_659 = arith.constant 4096 : i32
        %add3A_660 = arith.addi %add3A_659, %mul3A_423 : i32
        %swap3A_661 = arith.index_cast %add3A_660 : i32 to index
        %swap3A_662 = tpu.vector_load %arg7[%swap3A_661] {strides = array<i32>} : memref<24576xf32, #tpu.memory_space<vmem>>, vector<16xf32>,
        tpu.vector_store %arg7[%swap3A_661], %mul3A_635 {strides = array<i32>} : memref<24576xf32, #tpu.memory_space<vmem>>, vector<16xf32>,
        %add3A_663 = arith.constant 6144 : i32
        %add3A_664 = arith.addi %add3A_663, %mul3A_423 : i32
        %swap3A_665 = arith.index_cast %add3A_664 : i32 to index
        %swap3A_666 = tpu.vector_load %arg6[%swap3A_665] {strides = array<i32>} : memref<16384xi32, #tpu.memory_space<vmem>>, vector<16xi32>,
        tpu.vector_store %arg6[%swap3A_665], %add3A_637 {strides = array<i32>} : memref<16384xi32, #tpu.memory_space<vmem>>, vector<16xi32>,
        %add3A_667 = arith.constant 6144 : i32
        %add3A_668 = arith.addi %add3A_667, %mul3A_423 : i32
        %swap3A_669 = arith.index_cast %add3A_668 : i32 to index
        %swap3A_670 = tpu.vector_load %arg7[%swap3A_669] {strides = array<i32>} : memref<24576xf32, #tpu.memory_space<vmem>>, vector<16xf32>,
        tpu.vector_store %arg7[%swap3A_669], %mul3A_638 {strides = array<i32>} : memref<24576xf32, #tpu.memory_space<vmem>>, vector<16xf32>,
        %add3A_671 = arith.constant 8192 : i32
        %add3A_672 = arith.addi %add3A_671, %mul3A_423 : i32
        %swap3A_673 = arith.index_cast %add3A_672 : i32 to index
        %swap3A_674 = tpu.vector_load %arg7[%swap3A_673] {strides = array<i32>} : memref<24576xf32, #tpu.memory_space<vmem>>, vector<16xf32>,
        tpu.vector_store %arg7[%swap3A_673], %select_n3A_598 {strides = array<i32>} : memref<24576xf32, #tpu.memory_space<vmem>>, vector<16xf32>,
        %add3A_675 = arith.constant 10240 : i32
        %add3A_676 = arith.addi %add3A_675, %mul3A_423 : i32
        %swap3A_677 = arith.index_cast %add3A_676 : i32 to index
        %swap3A_678 = tpu.vector_load %arg7[%swap3A_677] {strides = array<i32>} : memref<24576xf32, #tpu.memory_space<vmem>>, vector<16xf32>,
        tpu.vector_store %arg7[%swap3A_677], %select_n3A_604 {strides = array<i32>} : memref<24576xf32, #tpu.memory_space<vmem>>, vector<16xf32>,
      }
      %scan3A_101 = arith.constant 128 : i32
      %dma_start3A_102 = arith.constant 0 : i32
      %dma_start3A_103 = tpu.memref_slice %arg8[%dma_start3A_102] : memref<16384xi32, #tpu.memory_space<vmem>> -> memref<8192xi32, #tpu.memory_space<vmem>>
      %dma_start3A_104 = arith.constant 0 : i32
      %dma_start3A_105 = tpu.memref_slice %arg6[%dma_start3A_104] : memref<16384xi32, #tpu.memory_space<vmem>> -> memref<8192xi32, #tpu.memory_space<vmem>>
      %dma_start3A_106 = arith.constant 0 : i32
      %dma_start3A_107 = tpu.memref_slice %arg2[%dma_start3A_106] : memref<16777216xi32, #tpu.memory_space<hbm>> -> memref<16777216xi32, #tpu.memory_space<hbm>>
      tpu.enqueue_indirect_dma source(%dma_start3A_107 : memref<16777216xi32, #tpu.memory_space<hbm>>) target(%dma_start3A_103 : memref<8192xi32, #tpu.memory_space<vmem>>) offsets(%dma_start3A_105 : memref<8192xi32, #tpu.memory_space<vmem>>) semaphore(%arg12 : memref<!tpu.dma_semaphore, #tpu.memory_space<semaphore_mem>>)
      %lt3A = arith.constant 31 : i32
      %lt3A_108 = arith.cmpi slt, %add3A_71, %lt3A : i32
      %convert_element_type3A = arith.extui %lt3A_108 : i1 to i32
      %cond3A = arith.constant 0 : i32
      %cond3A_109 = arith.cmpi ne, %convert_element_type3A, %cond3A : i32
      scf.if %cond3A_109 {
        %add3A_174 = arith.constant 1 : i32
        %add3A_175 = arith.addi %add3A_71, %add3A_174 : i32
        %mul3A_176 = arith.constant 2048 : i32
        %mul3A_177 = arith.muli %add3A_175, %mul3A_176 : i32
        %add3A_178 = arith.addi %mul3A_2, %mul3A_177 : i32
        %add3A_179 = arith.constant 0 : i32
        %add3A_180 = arith.addi %add3A_179, %add3A_178 : i32
        %dma_start3A_181 = arith.constant 6144 : i32
        %dma_start3A_182 = tpu.memref_slice %arg5[%dma_start3A_181] : memref<12288xf32, #tpu.memory_space<vmem>> -> memref<2048xf32, #tpu.memory_space<vmem>>
        %dma_start3A_183 = tpu.memref_slice %arg3[%add3A_180] : memref<6291456xf32, #tpu.memory_space<hbm>> -> memref<2048xf32, #tpu.memory_space<hbm>>
        %dma_start3A_184 = arith.constant 6144 : i32
        %dma_start3A_185 = tpu.memref_slice %arg5[%dma_start3A_184] : memref<12288xf32, #tpu.memory_space<vmem>> -> memref<2048xf32, #tpu.memory_space<vmem>>
        %dma_start3A_186 = tpu.memref_slice %arg3[%add3A_180] : memref<6291456xf32, #tpu.memory_space<hbm>> -> memref<2048xf32, #tpu.memory_space<hbm>>
        tpu.enqueue_dma source(%dma_start3A_186 : memref<2048xf32, #tpu.memory_space<hbm>>) target(%dma_start3A_185 : memref<2048xf32, #tpu.memory_space<vmem>>) target_semaphore(%arg11 : memref<!tpu.dma_semaphore, #tpu.memory_space<semaphore_mem>>)
        %add3A_187 = arith.constant 2097152 : i32
        %add3A_188 = arith.addi %add3A_187, %add3A_178 : i32
        %dma_start3A_189 = arith.constant 8192 : i32
        %dma_start3A_190 = tpu.memref_slice %arg5[%dma_start3A_189] : memref<12288xf32, #tpu.memory_space<vmem>> -> memref<2048xf32, #tpu.memory_space<vmem>>
        %dma_start3A_191 = tpu.memref_slice %arg3[%add3A_188] : memref<6291456xf32, #tpu.memory_space<hbm>> -> memref<2048xf32, #tpu.memory_space<hbm>>
        %dma_start3A_192 = arith.constant 8192 : i32
        %dma_start3A_193 = tpu.memref_slice %arg5[%dma_start3A_192] : memref<12288xf32, #tpu.memory_space<vmem>> -> memref<2048xf32, #tpu.memory_space<vmem>>
        %dma_start3A_194 = tpu.memref_slice %arg3[%add3A_188] : memref<6291456xf32, #tpu.memory_space<hbm>> -> memref<2048xf32, #tpu.memory_space<hbm>>
        tpu.enqueue_dma source(%dma_start3A_194 : memref<2048xf32, #tpu.memory_space<hbm>>) target(%dma_start3A_193 : memref<2048xf32, #tpu.memory_space<vmem>>) target_semaphore(%arg11 : memref<!tpu.dma_semaphore, #tpu.memory_space<semaphore_mem>>)
        %add3A_195 = arith.constant 4194304 : i32
        %add3A_196 = arith.addi %add3A_195, %add3A_178 : i32
        %dma_start3A_197 = arith.constant 10240 : i32
        %dma_start3A_198 = tpu.memref_slice %arg5[%dma_start3A_197] : memref<12288xf32, #tpu.memory_space<vmem>> -> memref<2048xf32, #tpu.memory_space<vmem>>
        %dma_start3A_199 = tpu.memref_slice %arg3[%add3A_196] : memref<6291456xf32, #tpu.memory_space<hbm>> -> memref<2048xf32, #tpu.memory_space<hbm>>
        %dma_start3A_200 = arith.constant 10240 : i32
        %dma_start3A_201 = tpu.memref_slice %arg5[%dma_start3A_200] : memref<12288xf32, #tpu.memory_space<vmem>> -> memref<2048xf32, #tpu.memory_space<vmem>>
        %dma_start3A_202 = tpu.memref_slice %arg3[%add3A_196] : memref<6291456xf32, #tpu.memory_space<hbm>> -> memref<2048xf32, #tpu.memory_space<hbm>>
        tpu.enqueue_dma source(%dma_start3A_202 : memref<2048xf32, #tpu.memory_space<hbm>>) target(%dma_start3A_201 : memref<2048xf32, #tpu.memory_space<vmem>>) target_semaphore(%arg11 : memref<!tpu.dma_semaphore, #tpu.memory_space<semaphore_mem>>)
      } else {
      }
      %ge3A = arith.constant 3 : i32
      %ge3A_110 = arith.cmpi sge, %add3A_71, %ge3A : i32
      %convert_element_type3A_111 = arith.extui %ge3A_110 : i1 to i32
      %cond3A_112 = arith.constant 0 : i32
      %cond3A_113 = arith.cmpi ne, %convert_element_type3A_111, %cond3A_112 : i32
      scf.if %cond3A_113 {
        %dma_wait3A_174 = arith.constant 2048 : i32
        %dma_wait3A_175 = tpu.memref_slice %arg9[%dma_wait3A_174] : memref<4096xf32, #tpu.memory_space<vmem>> -> memref<2048xf32, #tpu.memory_space<vmem>>
        %dma_wait3A_176 = tpu.memref_slice %arg4[%mul3A_2] : memref<2097152xf32, #tpu.memory_space<hbm>> -> memref<2048xf32, #tpu.memory_space<hbm>>
        %dma_wait3A_177 = tpu.memref_slice %arg4[%mul3A_2] : memref<2097152xf32, #tpu.memory_space<hbm>> -> memref<2048xf32, #tpu.memory_space<hbm>>
        %dma_wait3A_178 = arith.constant 2048 : i32
        %dma_wait3A_179 = tpu.memref_slice %arg9[%dma_wait3A_178] : memref<4096xf32, #tpu.memory_space<vmem>> -> memref<2048xf32, #tpu.memory_space<vmem>>
        tpu.wait_dma2 semaphore(%arg15 : memref<!tpu.dma_semaphore, #tpu.memory_space<semaphore_mem>>) src(%dma_wait3A_179 : memref<2048xf32, #tpu.memory_space<vmem>>) dst(%dma_wait3A_177 : memref<2048xf32, #tpu.memory_space<hbm>>)
      } else {
      }
      %ge3A_114 = arith.constant 1 : i32
      %ge3A_115 = arith.cmpi sge, %add3A_71, %ge3A_114 : i32
      %convert_element_type3A_116 = arith.extui %ge3A_115 : i1 to i32
      %cond3A_117 = arith.constant 0 : i32
      %cond3A_118 = arith.cmpi ne, %convert_element_type3A_116, %cond3A_117 : i32
      scf.if %cond3A_118 {
        %dma_wait3A_174 = arith.constant 8192 : i32
        %dma_wait3A_175 = tpu.memref_slice %arg8[%dma_wait3A_174] : memref<16384xi32, #tpu.memory_space<vmem>> -> memref<8192xi32, #tpu.memory_space<vmem>>
        %dma_wait3A_176 = arith.constant 0 : i32
        %dma_wait3A_177 = tpu.memref_slice %arg2[%dma_wait3A_176] : memref<16777216xi32, #tpu.memory_space<hbm>> -> memref<8192xi32, #tpu.memory_space<hbm>>
        %dma_wait3A_178 = arith.constant 8192 : i32
        %dma_wait3A_179 = tpu.memref_slice %arg8[%dma_wait3A_178] : memref<16384xi32, #tpu.memory_space<vmem>> -> memref<8192xi32, #tpu.memory_space<vmem>>
        %dma_wait3A_180 = arith.constant 0 : i32
        %dma_wait3A_181 = tpu.memref_slice %arg2[%dma_wait3A_180] : memref<16777216xi32, #tpu.memory_space<hbm>> -> memref<8192xi32, #tpu.memory_space<hbm>>
        tpu.wait_dma2 semaphore(%arg13 : memref<!tpu.dma_semaphore, #tpu.memory_space<semaphore_mem>>) src(%dma_wait3A_181 : memref<8192xi32, #tpu.memory_space<hbm>>) dst(%dma_wait3A_179 : memref<8192xi32, #tpu.memory_space<vmem>>)
        %sub3A = arith.constant 1 : i32
        %sub3A_182 = arith.subi %add3A_71, %sub3A : i32
        %scan3A_183 = arith.constant 0 : i32
        %scan3A_184 = arith.constant -65536 : i32
        %scan3A_185 = arith.constant 0 : i32
        %scan3A_186 = arith.constant 128 : i32
        %scan3A_187 = arith.addi %scan3A_185, %scan3A_186 : i32
        %scan3A_188 = arith.constant 2 : i32
        scf.for %scan3A_199 = %scan3A_185 to %scan3A_187 step %scan3A_188  : i32 {
          %mul3A_200 = arith.constant 16 : i32
          %mul3A_201 = arith.muli %scan3A_199, %mul3A_200 : i32
          %add3A_202 = arith.constant 20480 : i32
          %add3A_203 = arith.addi %add3A_202, %mul3A_201 : i32
          %get3A = arith.index_cast %add3A_203 : i32 to index
          %get3A_204 = tpu.vector_load %arg7[%get3A] {strides = array<i32>} : memref<24576xf32, #tpu.memory_space<vmem>>, vector<16xf32>,
          %add3A_205 = arith.constant 22528 : i32
          %add3A_206 = arith.addi %add3A_205, %mul3A_201 : i32
          %get3A_207 = arith.index_cast %add3A_206 : i32 to index
          %get3A_208 = tpu.vector_load %arg7[%get3A_207] {strides = array<i32>} : memref<24576xf32, #tpu.memory_space<vmem>>, vector<16xf32>,
          %add3A_209 = arith.constant 8192 : i32
          %add3A_210 = arith.addi %add3A_209, %mul3A_201 : i32
          %get3A_211 = arith.index_cast %add3A_210 : i32 to index
          %get3A_212 = tpu.vector_load %arg8[%get3A_211] {strides = array<i32>} : memref<16384xi32, #tpu.memory_space<vmem>>, vector<16xi32>,
          %shift_left3A = arith.constant 16 : i32
          %shift_left3A_213 = vector.broadcast %shift_left3A : i32 to vector<16xi32>
          %shift_left3A_214 = arith.shli %get3A_212, %shift_left3A_213 : vector<16xi32>
          %bitcast3A = vector.bitcast %shift_left3A_214 : vector<16xi32> to vector<16xf32>
          %and3A = vector.broadcast %scan3A_184 : i32 to vector<16xi32>
          %and3A_215 = arith.andi %get3A_212, %and3A : vector<16xi32>
          %bitcast3A_216 = vector.bitcast %and3A_215 : vector<16xi32> to vector<16xf32>
          %add3A_217 = arith.constant 12288 : i32
          %add3A_218 = arith.addi %add3A_217, %mul3A_201 : i32
          %get3A_219 = arith.index_cast %add3A_218 : i32 to index
          %get3A_220 = tpu.vector_load %arg7[%get3A_219] {strides = array<i32>} : memref<24576xf32, #tpu.memory_space<vmem>>, vector<16xf32>,
          %mul3A_221 = arith.mulf %bitcast3A, %get3A_204 : vector<16xf32>
          %mul3A_222 = arith.mulf %bitcast3A_216, %get3A_208 : vector<16xf32>
          %add3A_223 = arith.addf %mul3A_221, %mul3A_222 : vector<16xf32>
          %mul3A_224 = arith.mulf %get3A_220, %add3A_223 : vector<16xf32>
          %add3A_225 = arith.constant 10240 : i32
          %add3A_226 = arith.addi %add3A_225, %mul3A_201 : i32
          %get3A_227 = arith.index_cast %add3A_226 : i32 to index
          %get3A_228 = tpu.vector_load %arg8[%get3A_227] {strides = array<i32>} : memref<16384xi32, #tpu.memory_space<vmem>>, vector<16xi32>,
          %shift_left3A_229 = arith.constant 16 : i32
          %shift_left3A_230 = vector.broadcast %shift_left3A_229 : i32 to vector<16xi32>
          %shift_left3A_231 = arith.shli %get3A_228, %shift_left3A_230 : vector<16xi32>
          %bitcast3A_232 = vector.bitcast %shift_left3A_231 : vector<16xi32> to vector<16xf32>
          %and3A_233 = vector.broadcast %scan3A_184 : i32 to vector<16xi32>
          %and3A_234 = arith.andi %get3A_228, %and3A_233 : vector<16xi32>
          %bitcast3A_235 = vector.bitcast %and3A_234 : vector<16xi32> to vector<16xf32>
          %add3A_236 = arith.constant 14336 : i32
          %add3A_237 = arith.addi %add3A_236, %mul3A_201 : i32
          %get3A_238 = arith.index_cast %add3A_237 : i32 to index
          %get3A_239 = tpu.vector_load %arg7[%get3A_238] {strides = array<i32>} : memref<24576xf32, #tpu.memory_space<vmem>>, vector<16xf32>,
          %mul3A_240 = arith.mulf %bitcast3A_232, %get3A_204 : vector<16xf32>
          %mul3A_241 = arith.mulf %bitcast3A_235, %get3A_208 : vector<16xf32>
          %add3A_242 = arith.addf %mul3A_240, %mul3A_241 : vector<16xf32>
          %mul3A_243 = arith.mulf %get3A_239, %add3A_242 : vector<16xf32>
          %add3A_244 = arith.addf %mul3A_224, %mul3A_243 : vector<16xf32>
          %add3A_245 = arith.constant 12288 : i32
          %add3A_246 = arith.addi %add3A_245, %mul3A_201 : i32
          %get3A_247 = arith.index_cast %add3A_246 : i32 to index
          %get3A_248 = tpu.vector_load %arg8[%get3A_247] {strides = array<i32>} : memref<16384xi32, #tpu.memory_space<vmem>>, vector<16xi32>,
          %shift_left3A_249 = arith.constant 16 : i32
          %shift_left3A_250 = vector.broadcast %shift_left3A_249 : i32 to vector<16xi32>
          %shift_left3A_251 = arith.shli %get3A_248, %shift_left3A_250 : vector<16xi32>
          %bitcast3A_252 = vector.bitcast %shift_left3A_251 : vector<16xi32> to vector<16xf32>
          %and3A_253 = vector.broadcast %scan3A_184 : i32 to vector<16xi32>
          %and3A_254 = arith.andi %get3A_248, %and3A_253 : vector<16xi32>
          %bitcast3A_255 = vector.bitcast %and3A_254 : vector<16xi32> to vector<16xf32>
          %add3A_256 = arith.constant 16384 : i32
          %add3A_257 = arith.addi %add3A_256, %mul3A_201 : i32
          %get3A_258 = arith.index_cast %add3A_257 : i32 to index
          %get3A_259 = tpu.vector_load %arg7[%get3A_258] {strides = array<i32>} : memref<24576xf32, #tpu.memory_space<vmem>>, vector<16xf32>,
          %mul3A_260 = arith.mulf %bitcast3A_252, %get3A_204 : vector<16xf32>
          %mul3A_261 = arith.mulf %bitcast3A_255, %get3A_208 : vector<16xf32>
          %add3A_262 = arith.addf %mul3A_260, %mul3A_261 : vector<16xf32>
          %mul3A_263 = arith.mulf %get3A_259, %add3A_262 : vector<16xf32>
          %add3A_264 = arith.addf %add3A_244, %mul3A_263 : vector<16xf32>
          %add3A_265 = arith.constant 14336 : i32
          %add3A_266 = arith.addi %add3A_265, %mul3A_201 : i32
          %get3A_267 = arith.index_cast %add3A_266 : i32 to index
          %get3A_268 = tpu.vector_load %arg8[%get3A_267] {strides = array<i32>} : memref<16384xi32, #tpu.memory_space<vmem>>, vector<16xi32>,
          %shift_left3A_269 = arith.constant 16 : i32
          %shift_left3A_270 = vector.broadcast %shift_left3A_269 : i32 to vector<16xi32>
          %shift_left3A_271 = arith.shli %get3A_268, %shift_left3A_270 : vector<16xi32>
          %bitcast3A_272 = vector.bitcast %shift_left3A_271 : vector<16xi32> to vector<16xf32>
          %and3A_273 = vector.broadcast %scan3A_184 : i32 to vector<16xi32>
          %and3A_274 = arith.andi %get3A_268, %and3A_273 : vector<16xi32>
          %bitcast3A_275 = vector.bitcast %and3A_274 : vector<16xi32> to vector<16xf32>
          %add3A_276 = arith.constant 18432 : i32
          %add3A_277 = arith.addi %add3A_276, %mul3A_201 : i32
          %get3A_278 = arith.index_cast %add3A_277 : i32 to index
          %get3A_279 = tpu.vector_load %arg7[%get3A_278] {strides = array<i32>} : memref<24576xf32, #tpu.memory_space<vmem>>, vector<16xf32>,
          %mul3A_280 = arith.mulf %bitcast3A_272, %get3A_204 : vector<16xf32>
          %mul3A_281 = arith.mulf %bitcast3A_275, %get3A_208 : vector<16xf32>
          %add3A_282 = arith.addf %mul3A_280, %mul3A_281 : vector<16xf32>
          %mul3A_283 = arith.mulf %get3A_279, %add3A_282 : vector<16xf32>
          %add3A_284 = arith.addf %add3A_264, %mul3A_283 : vector<16xf32>
          %add3A_285 = arith.constant 2048 : i32
          %add3A_286 = arith.addi %add3A_285, %mul3A_201 : i32
          %swap3A = arith.index_cast %add3A_286 : i32 to index
          %swap3A_287 = tpu.vector_load %arg9[%swap3A] {strides = array<i32>} : memref<4096xf32, #tpu.memory_space<vmem>>, vector<16xf32>,
          tpu.vector_store %arg9[%swap3A], %add3A_284 {strides = array<i32>} : memref<4096xf32, #tpu.memory_space<vmem>>, vector<16xf32>,
          %scan3A_288 = arith.constant 1 : i32
          %scan3A_289 = arith.addi %scan3A_199, %scan3A_288 : i32
          %mul3A_290 = arith.constant 16 : i32
          %mul3A_291 = arith.muli %scan3A_289, %mul3A_290 : i32
          %add3A_292 = arith.constant 20480 : i32
          %add3A_293 = arith.addi %add3A_292, %mul3A_291 : i32
          %get3A_294 = arith.index_cast %add3A_293 : i32 to index
          %get3A_295 = tpu.vector_load %arg7[%get3A_294] {strides = array<i32>} : memref<24576xf32, #tpu.memory_space<vmem>>, vector<16xf32>,
          %add3A_296 = arith.constant 22528 : i32
          %add3A_297 = arith.addi %add3A_296, %mul3A_291 : i32
          %get3A_298 = arith.index_cast %add3A_297 : i32 to index
          %get3A_299 = tpu.vector_load %arg7[%get3A_298] {strides = array<i32>} : memref<24576xf32, #tpu.memory_space<vmem>>, vector<16xf32>,
          %add3A_300 = arith.constant 8192 : i32
          %add3A_301 = arith.addi %add3A_300, %mul3A_291 : i32
          %get3A_302 = arith.index_cast %add3A_301 : i32 to index
          %get3A_303 = tpu.vector_load %arg8[%get3A_302] {strides = array<i32>} : memref<16384xi32, #tpu.memory_space<vmem>>, vector<16xi32>,
          %shift_left3A_304 = arith.constant 16 : i32
          %shift_left3A_305 = vector.broadcast %shift_left3A_304 : i32 to vector<16xi32>
          %shift_left3A_306 = arith.shli %get3A_303, %shift_left3A_305 : vector<16xi32>
          %bitcast3A_307 = vector.bitcast %shift_left3A_306 : vector<16xi32> to vector<16xf32>
          %and3A_308 = vector.broadcast %scan3A_184 : i32 to vector<16xi32>
          %and3A_309 = arith.andi %get3A_303, %and3A_308 : vector<16xi32>
          %bitcast3A_310 = vector.bitcast %and3A_309 : vector<16xi32> to vector<16xf32>
          %add3A_311 = arith.constant 12288 : i32
          %add3A_312 = arith.addi %add3A_311, %mul3A_291 : i32
          %get3A_313 = arith.index_cast %add3A_312 : i32 to index
          %get3A_314 = tpu.vector_load %arg7[%get3A_313] {strides = array<i32>} : memref<24576xf32, #tpu.memory_space<vmem>>, vector<16xf32>,
          %mul3A_315 = arith.mulf %bitcast3A_307, %get3A_295 : vector<16xf32>
          %mul3A_316 = arith.mulf %bitcast3A_310, %get3A_299 : vector<16xf32>
          %add3A_317 = arith.addf %mul3A_315, %mul3A_316 : vector<16xf32>
          %mul3A_318 = arith.mulf %get3A_314, %add3A_317 : vector<16xf32>
          %add3A_319 = arith.constant 10240 : i32
          %add3A_320 = arith.addi %add3A_319, %mul3A_291 : i32
          %get3A_321 = arith.index_cast %add3A_320 : i32 to index
          %get3A_322 = tpu.vector_load %arg8[%get3A_321] {strides = array<i32>} : memref<16384xi32, #tpu.memory_space<vmem>>, vector<16xi32>,
          %shift_left3A_323 = arith.constant 16 : i32
          %shift_left3A_324 = vector.broadcast %shift_left3A_323 : i32 to vector<16xi32>
          %shift_left3A_325 = arith.shli %get3A_322, %shift_left3A_324 : vector<16xi32>
          %bitcast3A_326 = vector.bitcast %shift_left3A_325 : vector<16xi32> to vector<16xf32>
          %and3A_327 = vector.broadcast %scan3A_184 : i32 to vector<16xi32>
          %and3A_328 = arith.andi %get3A_322, %and3A_327 : vector<16xi32>
          %bitcast3A_329 = vector.bitcast %and3A_328 : vector<16xi32> to vector<16xf32>
          %add3A_330 = arith.constant 14336 : i32
          %add3A_331 = arith.addi %add3A_330, %mul3A_291 : i32
          %get3A_332 = arith.index_cast %add3A_331 : i32 to index
          %get3A_333 = tpu.vector_load %arg7[%get3A_332] {strides = array<i32>} : memref<24576xf32, #tpu.memory_space<vmem>>, vector<16xf32>,
          %mul3A_334 = arith.mulf %bitcast3A_326, %get3A_295 : vector<16xf32>
          %mul3A_335 = arith.mulf %bitcast3A_329, %get3A_299 : vector<16xf32>
          %add3A_336 = arith.addf %mul3A_334, %mul3A_335 : vector<16xf32>
          %mul3A_337 = arith.mulf %get3A_333, %add3A_336 : vector<16xf32>
          %add3A_338 = arith.addf %mul3A_318, %mul3A_337 : vector<16xf32>
          %add3A_339 = arith.constant 12288 : i32
          %add3A_340 = arith.addi %add3A_339, %mul3A_291 : i32
          %get3A_341 = arith.index_cast %add3A_340 : i32 to index
          %get3A_342 = tpu.vector_load %arg8[%get3A_341] {strides = array<i32>} : memref<16384xi32, #tpu.memory_space<vmem>>, vector<16xi32>,
          %shift_left3A_343 = arith.constant 16 : i32
          %shift_left3A_344 = vector.broadcast %shift_left3A_343 : i32 to vector<16xi32>
          %shift_left3A_345 = arith.shli %get3A_342, %shift_left3A_344 : vector<16xi32>
          %bitcast3A_346 = vector.bitcast %shift_left3A_345 : vector<16xi32> to vector<16xf32>
          %and3A_347 = vector.broadcast %scan3A_184 : i32 to vector<16xi32>
          %and3A_348 = arith.andi %get3A_342, %and3A_347 : vector<16xi32>
          %bitcast3A_349 = vector.bitcast %and3A_348 : vector<16xi32> to vector<16xf32>
          %add3A_350 = arith.constant 16384 : i32
          %add3A_351 = arith.addi %add3A_350, %mul3A_291 : i32
          %get3A_352 = arith.index_cast %add3A_351 : i32 to index
          %get3A_353 = tpu.vector_load %arg7[%get3A_352] {strides = array<i32>} : memref<24576xf32, #tpu.memory_space<vmem>>, vector<16xf32>,
          %mul3A_354 = arith.mulf %bitcast3A_346, %get3A_295 : vector<16xf32>
          %mul3A_355 = arith.mulf %bitcast3A_349, %get3A_299 : vector<16xf32>
          %add3A_356 = arith.addf %mul3A_354, %mul3A_355 : vector<16xf32>
          %mul3A_357 = arith.mulf %get3A_353, %add3A_356 : vector<16xf32>
          %add3A_358 = arith.addf %add3A_338, %mul3A_357 : vector<16xf32>
          %add3A_359 = arith.constant 14336 : i32
          %add3A_360 = arith.addi %add3A_359, %mul3A_291 : i32
          %get3A_361 = arith.index_cast %add3A_360 : i32 to index
          %get3A_362 = tpu.vector_load %arg8[%get3A_361] {strides = array<i32>} : memref<16384xi32, #tpu.memory_space<vmem>>, vector<16xi32>,
          %shift_left3A_363 = arith.constant 16 : i32
          %shift_left3A_364 = vector.broadcast %shift_left3A_363 : i32 to vector<16xi32>
          %shift_left3A_365 = arith.shli %get3A_362, %shift_left3A_364 : vector<16xi32>
          %bitcast3A_366 = vector.bitcast %shift_left3A_365 : vector<16xi32> to vector<16xf32>
          %and3A_367 = vector.broadcast %scan3A_184 : i32 to vector<16xi32>
          %and3A_368 = arith.andi %get3A_362, %and3A_367 : vector<16xi32>
          %bitcast3A_369 = vector.bitcast %and3A_368 : vector<16xi32> to vector<16xf32>
          %add3A_370 = arith.constant 18432 : i32
          %add3A_371 = arith.addi %add3A_370, %mul3A_291 : i32
          %get3A_372 = arith.index_cast %add3A_371 : i32 to index
          %get3A_373 = tpu.vector_load %arg7[%get3A_372] {strides = array<i32>} : memref<24576xf32, #tpu.memory_space<vmem>>, vector<16xf32>,
          %mul3A_374 = arith.mulf %bitcast3A_366, %get3A_295 : vector<16xf32>
          %mul3A_375 = arith.mulf %bitcast3A_369, %get3A_299 : vector<16xf32>
          %add3A_376 = arith.addf %mul3A_374, %mul3A_375 : vector<16xf32>
          %mul3A_377 = arith.mulf %get3A_373, %add3A_376 : vector<16xf32>
          %add3A_378 = arith.addf %add3A_358, %mul3A_377 : vector<16xf32>
          %add3A_379 = arith.constant 2048 : i32
          %add3A_380 = arith.addi %add3A_379, %mul3A_291 : i32
          %swap3A_381 = arith.index_cast %add3A_380 : i32 to index
          %swap3A_382 = tpu.vector_load %arg9[%swap3A_381] {strides = array<i32>} : memref<4096xf32, #tpu.memory_space<vmem>>, vector<16xf32>,
          tpu.vector_store %arg9[%swap3A_381], %add3A_378 {strides = array<i32>} : memref<4096xf32, #tpu.memory_space<vmem>>, vector<16xf32>,
        }
        %scan3A_189 = arith.constant 128 : i32
        %mul3A_190 = arith.constant 2048 : i32
        %mul3A_191 = arith.muli %sub3A_182, %mul3A_190 : i32
        %add3A_192 = arith.addi %mul3A_2, %mul3A_191 : i32
        %dma_start3A_193 = arith.constant 2048 : i32
        %dma_start3A_194 = tpu.memref_slice %arg9[%dma_start3A_193] : memref<4096xf32, #tpu.memory_space<vmem>> -> memref<2048xf32, #tpu.memory_space<vmem>>
        %dma_start3A_195 = tpu.memref_slice %arg4[%add3A_192] : memref<2097152xf32, #tpu.memory_space<hbm>> -> memref<2048xf32, #tpu.memory_space<hbm>>
        %dma_start3A_196 = tpu.memref_slice %arg4[%add3A_192] : memref<2097152xf32, #tpu.memory_space<hbm>> -> memref<2048xf32, #tpu.memory_space<hbm>>
        %dma_start3A_197 = arith.constant 2048 : i32
        %dma_start3A_198 = tpu.memref_slice %arg9[%dma_start3A_197] : memref<4096xf32, #tpu.memory_space<vmem>> -> memref<2048xf32, #tpu.memory_space<vmem>>
        tpu.enqueue_dma source(%dma_start3A_198 : memref<2048xf32, #tpu.memory_space<vmem>>) target(%dma_start3A_196 : memref<2048xf32, #tpu.memory_space<hbm>>) target_semaphore(%arg15 : memref<!tpu.dma_semaphore, #tpu.memory_space<semaphore_mem>>)
      } else {
      }
      %mul3A_119 = arith.constant 2 : i32
      %mul3A_120 = arith.muli %mul3A_119, %scan3A_67 : i32
      %add3A_121 = arith.constant 1 : i32
      %add3A_122 = arith.addi %mul3A_120, %add3A_121 : i32
      %dma_wait3A_123 = arith.constant 6144 : i32
      %dma_wait3A_124 = tpu.memref_slice %arg5[%dma_wait3A_123] : memref<12288xf32, #tpu.memory_space<vmem>> -> memref<2048xf32, #tpu.memory_space<vmem>>
      %dma_wait3A_125 = arith.constant 0 : i32
      %dma_wait3A_126 = tpu.memref_slice %arg3[%dma_wait3A_125] : memref<6291456xf32, #tpu.memory_space<hbm>> -> memref<2048xf32, #tpu.memory_space<hbm>>
      %dma_wait3A_127 = arith.constant 6144 : i32
      %dma_wait3A_128 = tpu.memref_slice %arg5[%dma_wait3A_127] : memref<12288xf32, #tpu.memory_space<vmem>> -> memref<2048xf32, #tpu.memory_space<vmem>>
      %dma_wait3A_129 = arith.constant 0 : i32
      %dma_wait3A_130 = tpu.memref_slice %arg3[%dma_wait3A_129] : memref<6291456xf32, #tpu.memory_space<hbm>> -> memref<2048xf32, #tpu.memory_space<hbm>>
      tpu.wait_dma2 semaphore(%arg11 : memref<!tpu.dma_semaphore, #tpu.memory_space<semaphore_mem>>) src(%dma_wait3A_130 : memref<2048xf32, #tpu.memory_space<hbm>>) dst(%dma_wait3A_128 : memref<2048xf32, #tpu.memory_space<vmem>>)
      %dma_wait3A_131 = arith.constant 8192 : i32
      %dma_wait3A_132 = tpu.memref_slice %arg5[%dma_wait3A_131] : memref<12288xf32, #tpu.memory_space<vmem>> -> memref<2048xf32, #tpu.memory_space<vmem>>
      %dma_wait3A_133 = arith.constant 0 : i32
      %dma_wait3A_134 = tpu.memref_slice %arg3[%dma_wait3A_133] : memref<6291456xf32, #tpu.memory_space<hbm>> -> memref<2048xf32, #tpu.memory_space<hbm>>
      %dma_wait3A_135 = arith.constant 8192 : i32
      %dma_wait3A_136 = tpu.memref_slice %arg5[%dma_wait3A_135] : memref<12288xf32, #tpu.memory_space<vmem>> -> memref<2048xf32, #tpu.memory_space<vmem>>
      %dma_wait3A_137 = arith.constant 0 : i32
      %dma_wait3A_138 = tpu.memref_slice %arg3[%dma_wait3A_137] : memref<6291456xf32, #tpu.memory_space<hbm>> -> memref<2048xf32, #tpu.memory_space<hbm>>
      tpu.wait_dma2 semaphore(%arg11 : memref<!tpu.dma_semaphore, #tpu.memory_space<semaphore_mem>>) src(%dma_wait3A_138 : memref<2048xf32, #tpu.memory_space<hbm>>) dst(%dma_wait3A_136 : memref<2048xf32, #tpu.memory_space<vmem>>)
      %dma_wait3A_139 = arith.constant 10240 : i32
      %dma_wait3A_140 = tpu.memref_slice %arg5[%dma_wait3A_139] : memref<12288xf32, #tpu.memory_space<vmem>> -> memref<2048xf32, #tpu.memory_space<vmem>>
      %dma_wait3A_141 = arith.constant 0 : i32
      %dma_wait3A_142 = tpu.memref_slice %arg3[%dma_wait3A_141] : memref<6291456xf32, #tpu.memory_space<hbm>> -> memref<2048xf32, #tpu.memory_space<hbm>>
      %dma_wait3A_143 = arith.constant 10240 : i32
      %dma_wait3A_144 = tpu.memref_slice %arg5[%dma_wait3A_143] : memref<12288xf32, #tpu.memory_space<vmem>> -> memref<2048xf32, #tpu.memory_space<vmem>>
      %dma_wait3A_145 = arith.constant 0 : i32
      %dma_wait3A_146 = tpu.memref_slice %arg3[%dma_wait3A_145] : memref<6291456xf32, #tpu.memory_space<hbm>> -> memref<2048xf32, #tpu.memory_space<hbm>>
      tpu.wait_dma2 semaphore(%arg11 : memref<!tpu.dma_semaphore, #tpu.memory_space<semaphore_mem>>) src(%dma_wait3A_146 : memref<2048xf32, #tpu.memory_space<hbm>>) dst(%dma_wait3A_144 : memref<2048xf32, #tpu.memory_space<vmem>>)
      %scan3A_147 = arith.constant 0 : i32
      %scan3A_148 = arith.constant 0 : i32
      %scan3A_149 = arith.constant 128 : i32
      %scan3A_150 = arith.addi %scan3A_148, %scan3A_149 : i32
      %scan3A_151 = arith.constant 2 : i32
      scf.for %scan3A_174 = %scan3A_148 to %scan3A_150 step %scan3A_151  : i32 {
        %mul3A_175 = arith.constant 16 : i32
        %mul3A_176 = arith.muli %scan3A_174, %mul3A_175 : i32
        %add3A_177 = arith.constant 6144 : i32
        %add3A_178 = arith.addi %add3A_177, %mul3A_176 : i32
        %get3A = arith.index_cast %add3A_178 : i32 to index
        %get3A_179 = tpu.vector_load %arg5[%get3A] {strides = array<i32>} : memref<12288xf32, #tpu.memory_space<vmem>>, vector<16xf32>,
        %add3A_180 = arith.constant 8192 : i32
        %add3A_181 = arith.addi %add3A_180, %mul3A_176 : i32
        %get3A_182 = arith.index_cast %add3A_181 : i32 to index
        %get3A_183 = tpu.vector_load %arg5[%get3A_182] {strides = array<i32>} : memref<12288xf32, #tpu.memory_space<vmem>>, vector<16xf32>,
        %add3A_184 = arith.constant 10240 : i32
        %add3A_185 = arith.addi %add3A_184, %mul3A_176 : i32
        %get3A_186 = arith.index_cast %add3A_185 : i32 to index
        %get3A_187 = tpu.vector_load %arg5[%get3A_186] {strides = array<i32>} : memref<12288xf32, #tpu.memory_space<vmem>>, vector<16xf32>,
        %mul3A_188 = arith.constant 1.280000e+02 : f32
        %mul3A_189 = vector.broadcast %mul3A_188 : f32 to vector<16xf32>
        %mul3A_190 = arith.mulf %get3A_179, %mul3A_189 : vector<16xf32>
        %add3A_191 = arith.constant 1.275000e+02 : f32
        %add3A_192 = vector.broadcast %add3A_191 : f32 to vector<16xf32>
        %add3A_193 = arith.addf %mul3A_190, %add3A_192 : vector<16xf32>
        %convert_element_type3A_194 = arith.fptosi %add3A_193 : vector<16xf32> to vector<16xi32>
        %convert_element_type3A_195 = arith.sitofp %convert_element_type3A_194 : vector<16xi32> to vector<16xf32>
        %gt3A = arith.cmpf ogt, %convert_element_type3A_195, %add3A_193 : vector<16xf32>
        %sub3A = arith.constant 1 : i32
        %sub3A_196 = vector.broadcast %sub3A : i32 to vector<16xi32>
        %sub3A_197 = arith.subi %convert_element_type3A_194, %sub3A_196 : vector<16xi32>
        %select_n3A = arith.select %gt3A, %sub3A_197, %convert_element_type3A_194 : vector<16xi1>, vector<16xi32>
        %add3A_198 = arith.constant 1 : i32
        %add3A_199 = vector.broadcast %add3A_198 : i32 to vector<16xi32>
        %add3A_200 = arith.addi %select_n3A, %add3A_199 : vector<16xi32>
        %convert_element_type3A_201 = arith.sitofp %select_n3A : vector<16xi32> to vector<16xf32>
        %sub3A_202 = arith.subf %add3A_193, %convert_element_type3A_201 : vector<16xf32>
        %sub3A_203 = arith.constant 1.000000e+00 : f32
        %sub3A_204 = vector.broadcast %sub3A_203 : f32 to vector<16xf32>
        %sub3A_205 = arith.subf %sub3A_204, %sub3A_202 : vector<16xf32>
        %ge3A_206 = arith.constant 0 : i32
        %ge3A_207 = vector.broadcast %ge3A_206 : i32 to vector<16xi32>
        %ge3A_208 = arith.cmpi sge, %select_n3A, %ge3A_207 : vector<16xi32>
        %le3A = arith.constant 255 : i32
        %le3A_209 = vector.broadcast %le3A : i32 to vector<16xi32>
        %le3A_210 = arith.cmpi sle, %select_n3A, %le3A_209 : vector<16xi32>
        %and3A = arith.andi %ge3A_208, %le3A_210 : vector<16xi1>
        %ge3A_211 = arith.constant 0 : i32
        %ge3A_212 = vector.broadcast %ge3A_211 : i32 to vector<16xi32>
        %ge3A_213 = arith.cmpi sge, %add3A_200, %ge3A_212 : vector<16xi32>
        %le3A_214 = arith.constant 255 : i32
        %le3A_215 = vector.broadcast %le3A_214 : i32 to vector<16xi32>
        %le3A_216 = arith.cmpi sle, %add3A_200, %le3A_215 : vector<16xi32>
        %and3A_217 = arith.andi %ge3A_213, %le3A_216 : vector<16xi1>
        %jit3A = arith.constant 0.000000e+00 : f32
        %broadcast_in_dim3A = vector.broadcast %jit3A : f32 to vector<16xf32>
        %select_n3A_218 = arith.select %and3A, %sub3A_205, %broadcast_in_dim3A : vector<16xi1>, vector<16xf32>
        %jit3A_219 = arith.constant 0.000000e+00 : f32
        %broadcast_in_dim3A_220 = vector.broadcast %jit3A_219 : f32 to vector<16xf32>
        %select_n3A_221 = arith.select %and3A_217, %sub3A_202, %broadcast_in_dim3A_220 : vector<16xi1>, vector<16xf32>
        %max3A = arith.constant 0 : i32
        %max3A_222 = vector.broadcast %max3A : i32 to vector<16xi32>
        %max3A_223 = arith.maxsi %select_n3A, %max3A_222 : vector<16xi32>
        %min3A = arith.constant 255 : i32
        %min3A_224 = vector.broadcast %min3A : i32 to vector<16xi32>
        %min3A_225 = arith.minsi %max3A_223, %min3A_224 : vector<16xi32>
        %max3A_226 = arith.constant 0 : i32
        %max3A_227 = vector.broadcast %max3A_226 : i32 to vector<16xi32>
        %max3A_228 = arith.maxsi %add3A_200, %max3A_227 : vector<16xi32>
        %min3A_229 = arith.constant 255 : i32
        %min3A_230 = vector.broadcast %min3A_229 : i32 to vector<16xi32>
        %min3A_231 = arith.minsi %max3A_228, %min3A_230 : vector<16xi32>
        %mul3A_232 = arith.constant 1.280000e+02 : f32
        %mul3A_233 = vector.broadcast %mul3A_232 : f32 to vector<16xf32>
        %mul3A_234 = arith.mulf %get3A_183, %mul3A_233 : vector<16xf32>
        %add3A_235 = arith.constant 1.275000e+02 : f32
        %add3A_236 = vector.broadcast %add3A_235 : f32 to vector<16xf32>
        %add3A_237 = arith.addf %mul3A_234, %add3A_236 : vector<16xf32>
        %convert_element_type3A_238 = arith.fptosi %add3A_237 : vector<16xf32> to vector<16xi32>
        %convert_element_type3A_239 = arith.sitofp %convert_element_type3A_238 : vector<16xi32> to vector<16xf32>
        %gt3A_240 = arith.cmpf ogt, %convert_element_type3A_239, %add3A_237 : vector<16xf32>
        %sub3A_241 = arith.constant 1 : i32
        %sub3A_242 = vector.broadcast %sub3A_241 : i32 to vector<16xi32>
        %sub3A_243 = arith.subi %convert_element_type3A_238, %sub3A_242 : vector<16xi32>
        %select_n3A_244 = arith.select %gt3A_240, %sub3A_243, %convert_element_type3A_238 : vector<16xi1>, vector<16xi32>
        %add3A_245 = arith.constant 1 : i32
        %add3A_246 = vector.broadcast %add3A_245 : i32 to vector<16xi32>
        %add3A_247 = arith.addi %select_n3A_244, %add3A_246 : vector<16xi32>
        %convert_element_type3A_248 = arith.sitofp %select_n3A_244 : vector<16xi32> to vector<16xf32>
        %sub3A_249 = arith.subf %add3A_237, %convert_element_type3A_248 : vector<16xf32>
        %sub3A_250 = arith.constant 1.000000e+00 : f32
        %sub3A_251 = vector.broadcast %sub3A_250 : f32 to vector<16xf32>
        %sub3A_252 = arith.subf %sub3A_251, %sub3A_249 : vector<16xf32>
        %ge3A_253 = arith.constant 0 : i32
        %ge3A_254 = vector.broadcast %ge3A_253 : i32 to vector<16xi32>
        %ge3A_255 = arith.cmpi sge, %select_n3A_244, %ge3A_254 : vector<16xi32>
        %le3A_256 = arith.constant 255 : i32
        %le3A_257 = vector.broadcast %le3A_256 : i32 to vector<16xi32>
        %le3A_258 = arith.cmpi sle, %select_n3A_244, %le3A_257 : vector<16xi32>
        %and3A_259 = arith.andi %ge3A_255, %le3A_258 : vector<16xi1>
        %ge3A_260 = arith.constant 0 : i32
        %ge3A_261 = vector.broadcast %ge3A_260 : i32 to vector<16xi32>
        %ge3A_262 = arith.cmpi sge, %add3A_247, %ge3A_261 : vector<16xi32>
        %le3A_263 = arith.constant 255 : i32
        %le3A_264 = vector.broadcast %le3A_263 : i32 to vector<16xi32>
        %le3A_265 = arith.cmpi sle, %add3A_247, %le3A_264 : vector<16xi32>
        %and3A_266 = arith.andi %ge3A_262, %le3A_265 : vector<16xi1>
        %jit3A_267 = arith.constant 0.000000e+00 : f32
        %broadcast_in_dim3A_268 = vector.broadcast %jit3A_267 : f32 to vector<16xf32>
        %select_n3A_269 = arith.select %and3A_259, %sub3A_252, %broadcast_in_dim3A_268 : vector<16xi1>, vector<16xf32>
        %jit3A_270 = arith.constant 0.000000e+00 : f32
        %broadcast_in_dim3A_271 = vector.broadcast %jit3A_270 : f32 to vector<16xf32>
        %select_n3A_272 = arith.select %and3A_266, %sub3A_249, %broadcast_in_dim3A_271 : vector<16xi1>, vector<16xf32>
        %max3A_273 = arith.constant 0 : i32
        %max3A_274 = vector.broadcast %max3A_273 : i32 to vector<16xi32>
        %max3A_275 = arith.maxsi %select_n3A_244, %max3A_274 : vector<16xi32>
        %min3A_276 = arith.constant 255 : i32
        %min3A_277 = vector.broadcast %min3A_276 : i32 to vector<16xi32>
        %min3A_278 = arith.minsi %max3A_275, %min3A_277 : vector<16xi32>
        %max3A_279 = arith.constant 0 : i32
        %max3A_280 = vector.broadcast %max3A_279 : i32 to vector<16xi32>
        %max3A_281 = arith.maxsi %add3A_247, %max3A_280 : vector<16xi32>
        %min3A_282 = arith.constant 255 : i32
        %min3A_283 = vector.broadcast %min3A_282 : i32 to vector<16xi32>
        %min3A_284 = arith.minsi %max3A_281, %min3A_283 : vector<16xi32>
        %mul3A_285 = arith.constant 1.280000e+02 : f32
        %mul3A_286 = vector.broadcast %mul3A_285 : f32 to vector<16xf32>
        %mul3A_287 = arith.mulf %get3A_187, %mul3A_286 : vector<16xf32>
        %add3A_288 = arith.constant 1.275000e+02 : f32
        %add3A_289 = vector.broadcast %add3A_288 : f32 to vector<16xf32>
        %add3A_290 = arith.addf %mul3A_287, %add3A_289 : vector<16xf32>
        %convert_element_type3A_291 = arith.fptosi %add3A_290 : vector<16xf32> to vector<16xi32>
        %convert_element_type3A_292 = arith.sitofp %convert_element_type3A_291 : vector<16xi32> to vector<16xf32>
        %gt3A_293 = arith.cmpf ogt, %convert_element_type3A_292, %add3A_290 : vector<16xf32>
        %sub3A_294 = arith.constant 1 : i32
        %sub3A_295 = vector.broadcast %sub3A_294 : i32 to vector<16xi32>
        %sub3A_296 = arith.subi %convert_element_type3A_291, %sub3A_295 : vector<16xi32>
        %select_n3A_297 = arith.select %gt3A_293, %sub3A_296, %convert_element_type3A_291 : vector<16xi1>, vector<16xi32>
        %add3A_298 = arith.constant 1 : i32
        %add3A_299 = vector.broadcast %add3A_298 : i32 to vector<16xi32>
        %add3A_300 = arith.addi %select_n3A_297, %add3A_299 : vector<16xi32>
        %convert_element_type3A_301 = arith.sitofp %select_n3A_297 : vector<16xi32> to vector<16xf32>
        %sub3A_302 = arith.subf %add3A_290, %convert_element_type3A_301 : vector<16xf32>
        %sub3A_303 = arith.constant 1.000000e+00 : f32
        %sub3A_304 = vector.broadcast %sub3A_303 : f32 to vector<16xf32>
        %sub3A_305 = arith.subf %sub3A_304, %sub3A_302 : vector<16xf32>
        %ge3A_306 = arith.constant 0 : i32
        %ge3A_307 = vector.broadcast %ge3A_306 : i32 to vector<16xi32>
        %ge3A_308 = arith.cmpi sge, %select_n3A_297, %ge3A_307 : vector<16xi32>
        %le3A_309 = arith.constant 255 : i32
        %le3A_310 = vector.broadcast %le3A_309 : i32 to vector<16xi32>
        %le3A_311 = arith.cmpi sle, %select_n3A_297, %le3A_310 : vector<16xi32>
        %and3A_312 = arith.andi %ge3A_308, %le3A_311 : vector<16xi1>
        %ge3A_313 = arith.constant 0 : i32
        %ge3A_314 = vector.broadcast %ge3A_313 : i32 to vector<16xi32>
        %ge3A_315 = arith.cmpi sge, %add3A_300, %ge3A_314 : vector<16xi32>
        %le3A_316 = arith.constant 255 : i32
        %le3A_317 = vector.broadcast %le3A_316 : i32 to vector<16xi32>
        %le3A_318 = arith.cmpi sle, %add3A_300, %le3A_317 : vector<16xi32>
        %and3A_319 = arith.andi %ge3A_315, %le3A_318 : vector<16xi1>
        %jit3A_320 = arith.constant 0.000000e+00 : f32
        %broadcast_in_dim3A_321 = vector.broadcast %jit3A_320 : f32 to vector<16xf32>
        %select_n3A_322 = arith.select %and3A_312, %sub3A_305, %broadcast_in_dim3A_321 : vector<16xi1>, vector<16xf32>
        %jit3A_323 = arith.constant 0.000000e+00 : f32
        %broadcast_in_dim3A_324 = vector.broadcast %jit3A_323 : f32 to vector<16xf32>
        %select_n3A_325 = arith.select %and3A_319, %sub3A_302, %broadcast_in_dim3A_324 : vector<16xi1>, vector<16xf32>
        %max3A_326 = arith.constant 0 : i32
        %max3A_327 = vector.broadcast %max3A_326 : i32 to vector<16xi32>
        %max3A_328 = arith.maxsi %select_n3A_297, %max3A_327 : vector<16xi32>
        %min3A_329 = arith.constant 255 : i32
        %min3A_330 = vector.broadcast %min3A_329 : i32 to vector<16xi32>
        %min3A_331 = arith.minsi %max3A_328, %min3A_330 : vector<16xi32>
        %max3A_332 = arith.constant 0 : i32
        %max3A_333 = vector.broadcast %max3A_332 : i32 to vector<16xi32>
        %max3A_334 = arith.maxsi %add3A_300, %max3A_333 : vector<16xi32>
        %min3A_335 = arith.constant 255 : i32
        %min3A_336 = vector.broadcast %min3A_335 : i32 to vector<16xi32>
        %min3A_337 = arith.minsi %max3A_334, %min3A_336 : vector<16xi32>
        %ge3A_338 = arith.constant 0 : i32
        %ge3A_339 = vector.broadcast %ge3A_338 : i32 to vector<16xi32>
        %ge3A_340 = arith.cmpi sge, %select_n3A, %ge3A_339 : vector<16xi32>
        %select_n3A_341 = arith.select %ge3A_340, %select_n3A_218, %select_n3A_221 : vector<16xi1>, vector<16xf32>
        %ge3A_342 = arith.constant 0 : i32
        %ge3A_343 = vector.broadcast %ge3A_342 : i32 to vector<16xi32>
        %ge3A_344 = arith.cmpi sge, %select_n3A, %ge3A_343 : vector<16xi32>
        %jit3A_345 = arith.constant 0.000000e+00 : f32
        %broadcast_in_dim3A_346 = vector.broadcast %jit3A_345 : f32 to vector<16xf32>
        %select_n3A_347 = arith.select %ge3A_344, %select_n3A_221, %broadcast_in_dim3A_346 : vector<16xi1>, vector<16xf32>
        %and3A_348 = arith.constant 127 : i32
        %and3A_349 = vector.broadcast %and3A_348 : i32 to vector<16xi32>
        %and3A_350 = arith.andi %min3A_225, %and3A_349 : vector<16xi32>
        %shift_right_arithmetic3A = arith.constant 7 : i32
        %shift_right_arithmetic3A_351 = vector.broadcast %shift_right_arithmetic3A : i32 to vector<16xi32>
        %shift_right_arithmetic3A_352 = arith.shrsi %min3A_225, %shift_right_arithmetic3A_351 : vector<16xi32>
        %mul3A_353 = arith.constant 8388608 : i32
        %mul3A_354 = vector.broadcast %mul3A_353 : i32 to vector<16xi32>
        %mul3A_355 = arith.muli %shift_right_arithmetic3A_352, %mul3A_354 : vector<16xi32>
        %add3A_356 = arith.addi %and3A_350, %mul3A_355 : vector<16xi32>
        %mul3A_357 = arith.constant 32768 : i32
        %mul3A_358 = vector.broadcast %mul3A_357 : i32 to vector<16xi32>
        %mul3A_359 = arith.muli %min3A_331, %mul3A_358 : vector<16xi32>
        %mul3A_360 = arith.constant 32768 : i32
        %mul3A_361 = vector.broadcast %mul3A_360 : i32 to vector<16xi32>
        %mul3A_362 = arith.muli %min3A_337, %mul3A_361 : vector<16xi32>
        %mul3A_363 = arith.constant 128 : i32
        %mul3A_364 = vector.broadcast %mul3A_363 : i32 to vector<16xi32>
        %mul3A_365 = arith.muli %min3A_278, %mul3A_364 : vector<16xi32>
        %mul3A_366 = arith.constant 128 : i32
        %mul3A_367 = vector.broadcast %mul3A_366 : i32 to vector<16xi32>
        %mul3A_368 = arith.muli %min3A_284, %mul3A_367 : vector<16xi32>
        %add3A_369 = arith.addi %mul3A_359, %mul3A_365 : vector<16xi32>
        %add3A_370 = arith.addi %add3A_369, %add3A_356 : vector<16xi32>
        %mul3A_371 = arith.mulf %select_n3A_322, %select_n3A_269 : vector<16xf32>
        %add3A_372 = arith.addi %mul3A_359, %mul3A_368 : vector<16xi32>
        %add3A_373 = arith.addi %add3A_372, %add3A_356 : vector<16xi32>
        %mul3A_374 = arith.mulf %select_n3A_322, %select_n3A_272 : vector<16xf32>
        %add3A_375 = arith.addi %mul3A_362, %mul3A_365 : vector<16xi32>
        %add3A_376 = arith.addi %add3A_375, %add3A_356 : vector<16xi32>
        %mul3A_377 = arith.mulf %select_n3A_325, %select_n3A_269 : vector<16xf32>
        %add3A_378 = arith.addi %mul3A_362, %mul3A_368 : vector<16xi32>
        %add3A_379 = arith.addi %add3A_378, %add3A_356 : vector<16xi32>
        %mul3A_380 = arith.mulf %select_n3A_325, %select_n3A_272 : vector<16xf32>
        %add3A_381 = arith.constant 8192 : i32
        %add3A_382 = arith.addi %add3A_381, %mul3A_176 : i32
        %swap3A = arith.index_cast %add3A_382 : i32 to index
        %swap3A_383 = tpu.vector_load %arg6[%swap3A] {strides = array<i32>} : memref<16384xi32, #tpu.memory_space<vmem>>, vector<16xi32>,
        tpu.vector_store %arg6[%swap3A], %add3A_370 {strides = array<i32>} : memref<16384xi32, #tpu.memory_space<vmem>>, vector<16xi32>,
        %add3A_384 = arith.constant 12288 : i32
        %add3A_385 = arith.addi %add3A_384, %mul3A_176 : i32
        %swap3A_386 = arith.index_cast %add3A_385 : i32 to index
        %swap3A_387 = tpu.vector_load %arg7[%swap3A_386] {strides = array<i32>} : memref<24576xf32, #tpu.memory_space<vmem>>, vector<16xf32>,
        tpu.vector_store %arg7[%swap3A_386], %mul3A_371 {strides = array<i32>} : memref<24576xf32, #tpu.memory_space<vmem>>, vector<16xf32>,
        %add3A_388 = arith.constant 10240 : i32
        %add3A_389 = arith.addi %add3A_388, %mul3A_176 : i32
        %swap3A_390 = arith.index_cast %add3A_389 : i32 to index
        %swap3A_391 = tpu.vector_load %arg6[%swap3A_390] {strides = array<i32>} : memref<16384xi32, #tpu.memory_space<vmem>>, vector<16xi32>,
        tpu.vector_store %arg6[%swap3A_390], %add3A_373 {strides = array<i32>} : memref<16384xi32, #tpu.memory_space<vmem>>, vector<16xi32>,
        %add3A_392 = arith.constant 14336 : i32
        %add3A_393 = arith.addi %add3A_392, %mul3A_176 : i32
        %swap3A_394 = arith.index_cast %add3A_393 : i32 to index
        %swap3A_395 = tpu.vector_load %arg7[%swap3A_394] {strides = array<i32>} : memref<24576xf32, #tpu.memory_space<vmem>>, vector<16xf32>,
        tpu.vector_store %arg7[%swap3A_394], %mul3A_374 {strides = array<i32>} : memref<24576xf32, #tpu.memory_space<vmem>>, vector<16xf32>,
        %add3A_396 = arith.constant 12288 : i32
        %add3A_397 = arith.addi %add3A_396, %mul3A_176 : i32
        %swap3A_398 = arith.index_cast %add3A_397 : i32 to index
        %swap3A_399 = tpu.vector_load %arg6[%swap3A_398] {strides = array<i32>} : memref<16384xi32, #tpu.memory_space<vmem>>, vector<16xi32>,
        tpu.vector_store %arg6[%swap3A_398], %add3A_376 {strides = array<i32>} : memref<16384xi32, #tpu.memory_space<vmem>>, vector<16xi32>,
        %add3A_400 = arith.constant 16384 : i32
        %add3A_401 = arith.addi %add3A_400, %mul3A_176 : i32
        %swap3A_402 = arith.index_cast %add3A_401 : i32 to index
        %swap3A_403 = tpu.vector_load %arg7[%swap3A_402] {strides = array<i32>} : memref<24576xf32, #tpu.memory_space<vmem>>, vector<16xf32>,
        tpu.vector_store %arg7[%swap3A_402], %mul3A_377 {strides = array<i32>} : memref<24576xf32, #tpu.memory_space<vmem>>, vector<16xf32>,
        %add3A_404 = arith.constant 14336 : i32
        %add3A_405 = arith.addi %add3A_404, %mul3A_176 : i32
        %swap3A_406 = arith.index_cast %add3A_405 : i32 to index
        %swap3A_407 = tpu.vector_load %arg6[%swap3A_406] {strides = array<i32>} : memref<16384xi32, #tpu.memory_space<vmem>>, vector<16xi32>,
        tpu.vector_store %arg6[%swap3A_406], %add3A_379 {strides = array<i32>} : memref<16384xi32, #tpu.memory_space<vmem>>, vector<16xi32>,
        %add3A_408 = arith.constant 18432 : i32
        %add3A_409 = arith.addi %add3A_408, %mul3A_176 : i32
        %swap3A_410 = arith.index_cast %add3A_409 : i32 to index
        %swap3A_411 = tpu.vector_load %arg7[%swap3A_410] {strides = array<i32>} : memref<24576xf32, #tpu.memory_space<vmem>>, vector<16xf32>,
        tpu.vector_store %arg7[%swap3A_410], %mul3A_380 {strides = array<i32>} : memref<24576xf32, #tpu.memory_space<vmem>>, vector<16xf32>,
        %add3A_412 = arith.constant 20480 : i32
        %add3A_413 = arith.addi %add3A_412, %mul3A_176 : i32
        %swap3A_414 = arith.index_cast %add3A_413 : i32 to index
        %swap3A_415 = tpu.vector_load %arg7[%swap3A_414] {strides = array<i32>} : memref<24576xf32, #tpu.memory_space<vmem>>, vector<16xf32>,
        tpu.vector_store %arg7[%swap3A_414], %select_n3A_341 {strides = array<i32>} : memref<24576xf32, #tpu.memory_space<vmem>>, vector<16xf32>,
        %add3A_416 = arith.constant 22528 : i32
        %add3A_417 = arith.addi %add3A_416, %mul3A_176 : i32
        %swap3A_418 = arith.index_cast %add3A_417 : i32 to index
        %swap3A_419 = tpu.vector_load %arg7[%swap3A_418] {strides = array<i32>} : memref<24576xf32, #tpu.memory_space<vmem>>, vector<16xf32>,
        tpu.vector_store %arg7[%swap3A_418], %select_n3A_347 {strides = array<i32>} : memref<24576xf32, #tpu.memory_space<vmem>>, vector<16xf32>,
        %scan3A_420 = arith.constant 1 : i32
        %scan3A_421 = arith.addi %scan3A_174, %scan3A_420 : i32
        %mul3A_422 = arith.constant 16 : i32
        %mul3A_423 = arith.muli %scan3A_421, %mul3A_422 : i32
        %add3A_424 = arith.constant 6144 : i32
        %add3A_425 = arith.addi %add3A_424, %mul3A_423 : i32
        %get3A_426 = arith.index_cast %add3A_425 : i32 to index
        %get3A_427 = tpu.vector_load %arg5[%get3A_426] {strides = array<i32>} : memref<12288xf32, #tpu.memory_space<vmem>>, vector<16xf32>,
        %add3A_428 = arith.constant 8192 : i32
        %add3A_429 = arith.addi %add3A_428, %mul3A_423 : i32
        %get3A_430 = arith.index_cast %add3A_429 : i32 to index
        %get3A_431 = tpu.vector_load %arg5[%get3A_430] {strides = array<i32>} : memref<12288xf32, #tpu.memory_space<vmem>>, vector<16xf32>,
        %add3A_432 = arith.constant 10240 : i32
        %add3A_433 = arith.addi %add3A_432, %mul3A_423 : i32
        %get3A_434 = arith.index_cast %add3A_433 : i32 to index
        %get3A_435 = tpu.vector_load %arg5[%get3A_434] {strides = array<i32>} : memref<12288xf32, #tpu.memory_space<vmem>>, vector<16xf32>,
        %mul3A_436 = arith.constant 1.280000e+02 : f32
        %mul3A_437 = vector.broadcast %mul3A_436 : f32 to vector<16xf32>
        %mul3A_438 = arith.mulf %get3A_427, %mul3A_437 : vector<16xf32>
        %add3A_439 = arith.constant 1.275000e+02 : f32
        %add3A_440 = vector.broadcast %add3A_439 : f32 to vector<16xf32>
        %add3A_441 = arith.addf %mul3A_438, %add3A_440 : vector<16xf32>
        %convert_element_type3A_442 = arith.fptosi %add3A_441 : vector<16xf32> to vector<16xi32>
        %convert_element_type3A_443 = arith.sitofp %convert_element_type3A_442 : vector<16xi32> to vector<16xf32>
        %gt3A_444 = arith.cmpf ogt, %convert_element_type3A_443, %add3A_441 : vector<16xf32>
        %sub3A_445 = arith.constant 1 : i32
        %sub3A_446 = vector.broadcast %sub3A_445 : i32 to vector<16xi32>
        %sub3A_447 = arith.subi %convert_element_type3A_442, %sub3A_446 : vector<16xi32>
        %select_n3A_448 = arith.select %gt3A_444, %sub3A_447, %convert_element_type3A_442 : vector<16xi1>, vector<16xi32>
        %add3A_449 = arith.constant 1 : i32
        %add3A_450 = vector.broadcast %add3A_449 : i32 to vector<16xi32>
        %add3A_451 = arith.addi %select_n3A_448, %add3A_450 : vector<16xi32>
        %convert_element_type3A_452 = arith.sitofp %select_n3A_448 : vector<16xi32> to vector<16xf32>
        %sub3A_453 = arith.subf %add3A_441, %convert_element_type3A_452 : vector<16xf32>
        %sub3A_454 = arith.constant 1.000000e+00 : f32
        %sub3A_455 = vector.broadcast %sub3A_454 : f32 to vector<16xf32>
        %sub3A_456 = arith.subf %sub3A_455, %sub3A_453 : vector<16xf32>
        %ge3A_457 = arith.constant 0 : i32
        %ge3A_458 = vector.broadcast %ge3A_457 : i32 to vector<16xi32>
        %ge3A_459 = arith.cmpi sge, %select_n3A_448, %ge3A_458 : vector<16xi32>
        %le3A_460 = arith.constant 255 : i32
        %le3A_461 = vector.broadcast %le3A_460 : i32 to vector<16xi32>
        %le3A_462 = arith.cmpi sle, %select_n3A_448, %le3A_461 : vector<16xi32>
        %and3A_463 = arith.andi %ge3A_459, %le3A_462 : vector<16xi1>
        %ge3A_464 = arith.constant 0 : i32
        %ge3A_465 = vector.broadcast %ge3A_464 : i32 to vector<16xi32>
        %ge3A_466 = arith.cmpi sge, %add3A_451, %ge3A_465 : vector<16xi32>
        %le3A_467 = arith.constant 255 : i32
        %le3A_468 = vector.broadcast %le3A_467 : i32 to vector<16xi32>
        %le3A_469 = arith.cmpi sle, %add3A_451, %le3A_468 : vector<16xi32>
        %and3A_470 = arith.andi %ge3A_466, %le3A_469 : vector<16xi1>
        %jit3A_471 = arith.constant 0.000000e+00 : f32
        %broadcast_in_dim3A_472 = vector.broadcast %jit3A_471 : f32 to vector<16xf32>
        %select_n3A_473 = arith.select %and3A_463, %sub3A_456, %broadcast_in_dim3A_472 : vector<16xi1>, vector<16xf32>
        %jit3A_474 = arith.constant 0.000000e+00 : f32
        %broadcast_in_dim3A_475 = vector.broadcast %jit3A_474 : f32 to vector<16xf32>
        %select_n3A_476 = arith.select %and3A_470, %sub3A_453, %broadcast_in_dim3A_475 : vector<16xi1>, vector<16xf32>
        %max3A_477 = arith.constant 0 : i32
        %max3A_478 = vector.broadcast %max3A_477 : i32 to vector<16xi32>
        %max3A_479 = arith.maxsi %select_n3A_448, %max3A_478 : vector<16xi32>
        %min3A_480 = arith.constant 255 : i32
        %min3A_481 = vector.broadcast %min3A_480 : i32 to vector<16xi32>
        %min3A_482 = arith.minsi %max3A_479, %min3A_481 : vector<16xi32>
        %max3A_483 = arith.constant 0 : i32
        %max3A_484 = vector.broadcast %max3A_483 : i32 to vector<16xi32>
        %max3A_485 = arith.maxsi %add3A_451, %max3A_484 : vector<16xi32>
        %min3A_486 = arith.constant 255 : i32
        %min3A_487 = vector.broadcast %min3A_486 : i32 to vector<16xi32>
        %min3A_488 = arith.minsi %max3A_485, %min3A_487 : vector<16xi32>
        %mul3A_489 = arith.constant 1.280000e+02 : f32
        %mul3A_490 = vector.broadcast %mul3A_489 : f32 to vector<16xf32>
        %mul3A_491 = arith.mulf %get3A_431, %mul3A_490 : vector<16xf32>
        %add3A_492 = arith.constant 1.275000e+02 : f32
        %add3A_493 = vector.broadcast %add3A_492 : f32 to vector<16xf32>
        %add3A_494 = arith.addf %mul3A_491, %add3A_493 : vector<16xf32>
        %convert_element_type3A_495 = arith.fptosi %add3A_494 : vector<16xf32> to vector<16xi32>
        %convert_element_type3A_496 = arith.sitofp %convert_element_type3A_495 : vector<16xi32> to vector<16xf32>
        %gt3A_497 = arith.cmpf ogt, %convert_element_type3A_496, %add3A_494 : vector<16xf32>
        %sub3A_498 = arith.constant 1 : i32
        %sub3A_499 = vector.broadcast %sub3A_498 : i32 to vector<16xi32>
        %sub3A_500 = arith.subi %convert_element_type3A_495, %sub3A_499 : vector<16xi32>
        %select_n3A_501 = arith.select %gt3A_497, %sub3A_500, %convert_element_type3A_495 : vector<16xi1>, vector<16xi32>
        %add3A_502 = arith.constant 1 : i32
        %add3A_503 = vector.broadcast %add3A_502 : i32 to vector<16xi32>
        %add3A_504 = arith.addi %select_n3A_501, %add3A_503 : vector<16xi32>
        %convert_element_type3A_505 = arith.sitofp %select_n3A_501 : vector<16xi32> to vector<16xf32>
        %sub3A_506 = arith.subf %add3A_494, %convert_element_type3A_505 : vector<16xf32>
        %sub3A_507 = arith.constant 1.000000e+00 : f32
        %sub3A_508 = vector.broadcast %sub3A_507 : f32 to vector<16xf32>
        %sub3A_509 = arith.subf %sub3A_508, %sub3A_506 : vector<16xf32>
        %ge3A_510 = arith.constant 0 : i32
        %ge3A_511 = vector.broadcast %ge3A_510 : i32 to vector<16xi32>
        %ge3A_512 = arith.cmpi sge, %select_n3A_501, %ge3A_511 : vector<16xi32>
        %le3A_513 = arith.constant 255 : i32
        %le3A_514 = vector.broadcast %le3A_513 : i32 to vector<16xi32>
        %le3A_515 = arith.cmpi sle, %select_n3A_501, %le3A_514 : vector<16xi32>
        %and3A_516 = arith.andi %ge3A_512, %le3A_515 : vector<16xi1>
        %ge3A_517 = arith.constant 0 : i32
        %ge3A_518 = vector.broadcast %ge3A_517 : i32 to vector<16xi32>
        %ge3A_519 = arith.cmpi sge, %add3A_504, %ge3A_518 : vector<16xi32>
        %le3A_520 = arith.constant 255 : i32
        %le3A_521 = vector.broadcast %le3A_520 : i32 to vector<16xi32>
        %le3A_522 = arith.cmpi sle, %add3A_504, %le3A_521 : vector<16xi32>
        %and3A_523 = arith.andi %ge3A_519, %le3A_522 : vector<16xi1>
        %jit3A_524 = arith.constant 0.000000e+00 : f32
        %broadcast_in_dim3A_525 = vector.broadcast %jit3A_524 : f32 to vector<16xf32>
        %select_n3A_526 = arith.select %and3A_516, %sub3A_509, %broadcast_in_dim3A_525 : vector<16xi1>, vector<16xf32>
        %jit3A_527 = arith.constant 0.000000e+00 : f32
        %broadcast_in_dim3A_528 = vector.broadcast %jit3A_527 : f32 to vector<16xf32>
        %select_n3A_529 = arith.select %and3A_523, %sub3A_506, %broadcast_in_dim3A_528 : vector<16xi1>, vector<16xf32>
        %max3A_530 = arith.constant 0 : i32
        %max3A_531 = vector.broadcast %max3A_530 : i32 to vector<16xi32>
        %max3A_532 = arith.maxsi %select_n3A_501, %max3A_531 : vector<16xi32>
        %min3A_533 = arith.constant 255 : i32
        %min3A_534 = vector.broadcast %min3A_533 : i32 to vector<16xi32>
        %min3A_535 = arith.minsi %max3A_532, %min3A_534 : vector<16xi32>
        %max3A_536 = arith.constant 0 : i32
        %max3A_537 = vector.broadcast %max3A_536 : i32 to vector<16xi32>
        %max3A_538 = arith.maxsi %add3A_504, %max3A_537 : vector<16xi32>
        %min3A_539 = arith.constant 255 : i32
        %min3A_540 = vector.broadcast %min3A_539 : i32 to vector<16xi32>
        %min3A_541 = arith.minsi %max3A_538, %min3A_540 : vector<16xi32>
        %mul3A_542 = arith.constant 1.280000e+02 : f32
        %mul3A_543 = vector.broadcast %mul3A_542 : f32 to vector<16xf32>
        %mul3A_544 = arith.mulf %get3A_435, %mul3A_543 : vector<16xf32>
        %add3A_545 = arith.constant 1.275000e+02 : f32
        %add3A_546 = vector.broadcast %add3A_545 : f32 to vector<16xf32>
        %add3A_547 = arith.addf %mul3A_544, %add3A_546 : vector<16xf32>
        %convert_element_type3A_548 = arith.fptosi %add3A_547 : vector<16xf32> to vector<16xi32>
        %convert_element_type3A_549 = arith.sitofp %convert_element_type3A_548 : vector<16xi32> to vector<16xf32>
        %gt3A_550 = arith.cmpf ogt, %convert_element_type3A_549, %add3A_547 : vector<16xf32>
        %sub3A_551 = arith.constant 1 : i32
        %sub3A_552 = vector.broadcast %sub3A_551 : i32 to vector<16xi32>
        %sub3A_553 = arith.subi %convert_element_type3A_548, %sub3A_552 : vector<16xi32>
        %select_n3A_554 = arith.select %gt3A_550, %sub3A_553, %convert_element_type3A_548 : vector<16xi1>, vector<16xi32>
        %add3A_555 = arith.constant 1 : i32
        %add3A_556 = vector.broadcast %add3A_555 : i32 to vector<16xi32>
        %add3A_557 = arith.addi %select_n3A_554, %add3A_556 : vector<16xi32>
        %convert_element_type3A_558 = arith.sitofp %select_n3A_554 : vector<16xi32> to vector<16xf32>
        %sub3A_559 = arith.subf %add3A_547, %convert_element_type3A_558 : vector<16xf32>
        %sub3A_560 = arith.constant 1.000000e+00 : f32
        %sub3A_561 = vector.broadcast %sub3A_560 : f32 to vector<16xf32>
        %sub3A_562 = arith.subf %sub3A_561, %sub3A_559 : vector<16xf32>
        %ge3A_563 = arith.constant 0 : i32
        %ge3A_564 = vector.broadcast %ge3A_563 : i32 to vector<16xi32>
        %ge3A_565 = arith.cmpi sge, %select_n3A_554, %ge3A_564 : vector<16xi32>
        %le3A_566 = arith.constant 255 : i32
        %le3A_567 = vector.broadcast %le3A_566 : i32 to vector<16xi32>
        %le3A_568 = arith.cmpi sle, %select_n3A_554, %le3A_567 : vector<16xi32>
        %and3A_569 = arith.andi %ge3A_565, %le3A_568 : vector<16xi1>
        %ge3A_570 = arith.constant 0 : i32
        %ge3A_571 = vector.broadcast %ge3A_570 : i32 to vector<16xi32>
        %ge3A_572 = arith.cmpi sge, %add3A_557, %ge3A_571 : vector<16xi32>
        %le3A_573 = arith.constant 255 : i32
        %le3A_574 = vector.broadcast %le3A_573 : i32 to vector<16xi32>
        %le3A_575 = arith.cmpi sle, %add3A_557, %le3A_574 : vector<16xi32>
        %and3A_576 = arith.andi %ge3A_572, %le3A_575 : vector<16xi1>
        %jit3A_577 = arith.constant 0.000000e+00 : f32
        %broadcast_in_dim3A_578 = vector.broadcast %jit3A_577 : f32 to vector<16xf32>
        %select_n3A_579 = arith.select %and3A_569, %sub3A_562, %broadcast_in_dim3A_578 : vector<16xi1>, vector<16xf32>
        %jit3A_580 = arith.constant 0.000000e+00 : f32
        %broadcast_in_dim3A_581 = vector.broadcast %jit3A_580 : f32 to vector<16xf32>
        %select_n3A_582 = arith.select %and3A_576, %sub3A_559, %broadcast_in_dim3A_581 : vector<16xi1>, vector<16xf32>
        %max3A_583 = arith.constant 0 : i32
        %max3A_584 = vector.broadcast %max3A_583 : i32 to vector<16xi32>
        %max3A_585 = arith.maxsi %select_n3A_554, %max3A_584 : vector<16xi32>
        %min3A_586 = arith.constant 255 : i32
        %min3A_587 = vector.broadcast %min3A_586 : i32 to vector<16xi32>
        %min3A_588 = arith.minsi %max3A_585, %min3A_587 : vector<16xi32>
        %max3A_589 = arith.constant 0 : i32
        %max3A_590 = vector.broadcast %max3A_589 : i32 to vector<16xi32>
        %max3A_591 = arith.maxsi %add3A_557, %max3A_590 : vector<16xi32>
        %min3A_592 = arith.constant 255 : i32
        %min3A_593 = vector.broadcast %min3A_592 : i32 to vector<16xi32>
        %min3A_594 = arith.minsi %max3A_591, %min3A_593 : vector<16xi32>
        %ge3A_595 = arith.constant 0 : i32
        %ge3A_596 = vector.broadcast %ge3A_595 : i32 to vector<16xi32>
        %ge3A_597 = arith.cmpi sge, %select_n3A_448, %ge3A_596 : vector<16xi32>
        %select_n3A_598 = arith.select %ge3A_597, %select_n3A_473, %select_n3A_476 : vector<16xi1>, vector<16xf32>
        %ge3A_599 = arith.constant 0 : i32
        %ge3A_600 = vector.broadcast %ge3A_599 : i32 to vector<16xi32>
        %ge3A_601 = arith.cmpi sge, %select_n3A_448, %ge3A_600 : vector<16xi32>
        %jit3A_602 = arith.constant 0.000000e+00 : f32
        %broadcast_in_dim3A_603 = vector.broadcast %jit3A_602 : f32 to vector<16xf32>
        %select_n3A_604 = arith.select %ge3A_601, %select_n3A_476, %broadcast_in_dim3A_603 : vector<16xi1>, vector<16xf32>
        %and3A_605 = arith.constant 127 : i32
        %and3A_606 = vector.broadcast %and3A_605 : i32 to vector<16xi32>
        %and3A_607 = arith.andi %min3A_482, %and3A_606 : vector<16xi32>
        %shift_right_arithmetic3A_608 = arith.constant 7 : i32
        %shift_right_arithmetic3A_609 = vector.broadcast %shift_right_arithmetic3A_608 : i32 to vector<16xi32>
        %shift_right_arithmetic3A_610 = arith.shrsi %min3A_482, %shift_right_arithmetic3A_609 : vector<16xi32>
        %mul3A_611 = arith.constant 8388608 : i32
        %mul3A_612 = vector.broadcast %mul3A_611 : i32 to vector<16xi32>
        %mul3A_613 = arith.muli %shift_right_arithmetic3A_610, %mul3A_612 : vector<16xi32>
        %add3A_614 = arith.addi %and3A_607, %mul3A_613 : vector<16xi32>
        %mul3A_615 = arith.constant 32768 : i32
        %mul3A_616 = vector.broadcast %mul3A_615 : i32 to vector<16xi32>
        %mul3A_617 = arith.muli %min3A_588, %mul3A_616 : vector<16xi32>
        %mul3A_618 = arith.constant 32768 : i32
        %mul3A_619 = vector.broadcast %mul3A_618 : i32 to vector<16xi32>
        %mul3A_620 = arith.muli %min3A_594, %mul3A_619 : vector<16xi32>
        %mul3A_621 = arith.constant 128 : i32
        %mul3A_622 = vector.broadcast %mul3A_621 : i32 to vector<16xi32>
        %mul3A_623 = arith.muli %min3A_535, %mul3A_622 : vector<16xi32>
        %mul3A_624 = arith.constant 128 : i32
        %mul3A_625 = vector.broadcast %mul3A_624 : i32 to vector<16xi32>
        %mul3A_626 = arith.muli %min3A_541, %mul3A_625 : vector<16xi32>
        %add3A_627 = arith.addi %mul3A_617, %mul3A_623 : vector<16xi32>
        %add3A_628 = arith.addi %add3A_627, %add3A_614 : vector<16xi32>
        %mul3A_629 = arith.mulf %select_n3A_579, %select_n3A_526 : vector<16xf32>
        %add3A_630 = arith.addi %mul3A_617, %mul3A_626 : vector<16xi32>
        %add3A_631 = arith.addi %add3A_630, %add3A_614 : vector<16xi32>
        %mul3A_632 = arith.mulf %select_n3A_579, %select_n3A_529 : vector<16xf32>
        %add3A_633 = arith.addi %mul3A_620, %mul3A_623 : vector<16xi32>
        %add3A_634 = arith.addi %add3A_633, %add3A_614 : vector<16xi32>
        %mul3A_635 = arith.mulf %select_n3A_582, %select_n3A_526 : vector<16xf32>
        %add3A_636 = arith.addi %mul3A_620, %mul3A_626 : vector<16xi32>
        %add3A_637 = arith.addi %add3A_636, %add3A_614 : vector<16xi32>
        %mul3A_638 = arith.mulf %select_n3A_582, %select_n3A_529 : vector<16xf32>
        %add3A_639 = arith.constant 8192 : i32
        %add3A_640 = arith.addi %add3A_639, %mul3A_423 : i32
        %swap3A_641 = arith.index_cast %add3A_640 : i32 to index
        %swap3A_642 = tpu.vector_load %arg6[%swap3A_641] {strides = array<i32>} : memref<16384xi32, #tpu.memory_space<vmem>>, vector<16xi32>,
        tpu.vector_store %arg6[%swap3A_641], %add3A_628 {strides = array<i32>} : memref<16384xi32, #tpu.memory_space<vmem>>, vector<16xi32>,
        %add3A_643 = arith.constant 12288 : i32
        %add3A_644 = arith.addi %add3A_643, %mul3A_423 : i32
        %swap3A_645 = arith.index_cast %add3A_644 : i32 to index
        %swap3A_646 = tpu.vector_load %arg7[%swap3A_645] {strides = array<i32>} : memref<24576xf32, #tpu.memory_space<vmem>>, vector<16xf32>,
        tpu.vector_store %arg7[%swap3A_645], %mul3A_629 {strides = array<i32>} : memref<24576xf32, #tpu.memory_space<vmem>>, vector<16xf32>,
        %add3A_647 = arith.constant 10240 : i32
        %add3A_648 = arith.addi %add3A_647, %mul3A_423 : i32
        %swap3A_649 = arith.index_cast %add3A_648 : i32 to index
        %swap3A_650 = tpu.vector_load %arg6[%swap3A_649] {strides = array<i32>} : memref<16384xi32, #tpu.memory_space<vmem>>, vector<16xi32>,
        tpu.vector_store %arg6[%swap3A_649], %add3A_631 {strides = array<i32>} : memref<16384xi32, #tpu.memory_space<vmem>>, vector<16xi32>,
        %add3A_651 = arith.constant 14336 : i32
        %add3A_652 = arith.addi %add3A_651, %mul3A_423 : i32
        %swap3A_653 = arith.index_cast %add3A_652 : i32 to index
        %swap3A_654 = tpu.vector_load %arg7[%swap3A_653] {strides = array<i32>} : memref<24576xf32, #tpu.memory_space<vmem>>, vector<16xf32>,
        tpu.vector_store %arg7[%swap3A_653], %mul3A_632 {strides = array<i32>} : memref<24576xf32, #tpu.memory_space<vmem>>, vector<16xf32>,
        %add3A_655 = arith.constant 12288 : i32
        %add3A_656 = arith.addi %add3A_655, %mul3A_423 : i32
        %swap3A_657 = arith.index_cast %add3A_656 : i32 to index
        %swap3A_658 = tpu.vector_load %arg6[%swap3A_657] {strides = array<i32>} : memref<16384xi32, #tpu.memory_space<vmem>>, vector<16xi32>,
        tpu.vector_store %arg6[%swap3A_657], %add3A_634 {strides = array<i32>} : memref<16384xi32, #tpu.memory_space<vmem>>, vector<16xi32>,
        %add3A_659 = arith.constant 16384 : i32
        %add3A_660 = arith.addi %add3A_659, %mul3A_423 : i32
        %swap3A_661 = arith.index_cast %add3A_660 : i32 to index
        %swap3A_662 = tpu.vector_load %arg7[%swap3A_661] {strides = array<i32>} : memref<24576xf32, #tpu.memory_space<vmem>>, vector<16xf32>,
        tpu.vector_store %arg7[%swap3A_661], %mul3A_635 {strides = array<i32>} : memref<24576xf32, #tpu.memory_space<vmem>>, vector<16xf32>,
        %add3A_663 = arith.constant 14336 : i32
        %add3A_664 = arith.addi %add3A_663, %mul3A_423 : i32
        %swap3A_665 = arith.index_cast %add3A_664 : i32 to index
        %swap3A_666 = tpu.vector_load %arg6[%swap3A_665] {strides = array<i32>} : memref<16384xi32, #tpu.memory_space<vmem>>, vector<16xi32>,
        tpu.vector_store %arg6[%swap3A_665], %add3A_637 {strides = array<i32>} : memref<16384xi32, #tpu.memory_space<vmem>>, vector<16xi32>,
        %add3A_667 = arith.constant 18432 : i32
        %add3A_668 = arith.addi %add3A_667, %mul3A_423 : i32
        %swap3A_669 = arith.index_cast %add3A_668 : i32 to index
        %swap3A_670 = tpu.vector_load %arg7[%swap3A_669] {strides = array<i32>} : memref<24576xf32, #tpu.memory_space<vmem>>, vector<16xf32>,
        tpu.vector_store %arg7[%swap3A_669], %mul3A_638 {strides = array<i32>} : memref<24576xf32, #tpu.memory_space<vmem>>, vector<16xf32>,
        %add3A_671 = arith.constant 20480 : i32
        %add3A_672 = arith.addi %add3A_671, %mul3A_423 : i32
        %swap3A_673 = arith.index_cast %add3A_672 : i32 to index
        %swap3A_674 = tpu.vector_load %arg7[%swap3A_673] {strides = array<i32>} : memref<24576xf32, #tpu.memory_space<vmem>>, vector<16xf32>,
        tpu.vector_store %arg7[%swap3A_673], %select_n3A_598 {strides = array<i32>} : memref<24576xf32, #tpu.memory_space<vmem>>, vector<16xf32>,
        %add3A_675 = arith.constant 22528 : i32
        %add3A_676 = arith.addi %add3A_675, %mul3A_423 : i32
        %swap3A_677 = arith.index_cast %add3A_676 : i32 to index
        %swap3A_678 = tpu.vector_load %arg7[%swap3A_677] {strides = array<i32>} : memref<24576xf32, #tpu.memory_space<vmem>>, vector<16xf32>,
        tpu.vector_store %arg7[%swap3A_677], %select_n3A_604 {strides = array<i32>} : memref<24576xf32, #tpu.memory_space<vmem>>, vector<16xf32>,
      }
      %scan3A_152 = arith.constant 128 : i32
      %dma_start3A_153 = arith.constant 8192 : i32
      %dma_start3A_154 = tpu.memref_slice %arg8[%dma_start3A_153] : memref<16384xi32, #tpu.memory_space<vmem>> -> memref<8192xi32, #tpu.memory_space<vmem>>
      %dma_start3A_155 = arith.constant 8192 : i32
      %dma_start3A_156 = tpu.memref_slice %arg6[%dma_start3A_155] : memref<16384xi32, #tpu.memory_space<vmem>> -> memref<8192xi32, #tpu.memory_space<vmem>>
      %dma_start3A_157 = arith.constant 0 : i32
      %dma_start3A_158 = tpu.memref_slice %arg2[%dma_start3A_157] : memref<16777216xi32, #tpu.memory_space<hbm>> -> memref<16777216xi32, #tpu.memory_space<hbm>>
      tpu.enqueue_indirect_dma source(%dma_start3A_158 : memref<16777216xi32, #tpu.memory_space<hbm>>) target(%dma_start3A_154 : memref<8192xi32, #tpu.memory_space<vmem>>) offsets(%dma_start3A_156 : memref<8192xi32, #tpu.memory_space<vmem>>) semaphore(%arg13 : memref<!tpu.dma_semaphore, #tpu.memory_space<semaphore_mem>>)
      %lt3A_159 = arith.constant 31 : i32
      %lt3A_160 = arith.cmpi slt, %add3A_122, %lt3A_159 : i32
      %convert_element_type3A_161 = arith.extui %lt3A_160 : i1 to i32
      %cond3A_162 = arith.constant 0 : i32
      %cond3A_163 = arith.cmpi ne, %convert_element_type3A_161, %cond3A_162 : i32
      scf.if %cond3A_163 {
        %add3A_174 = arith.constant 1 : i32
        %add3A_175 = arith.addi %add3A_122, %add3A_174 : i32
        %mul3A_176 = arith.constant 2048 : i32
        %mul3A_177 = arith.muli %add3A_175, %mul3A_176 : i32
        %add3A_178 = arith.addi %mul3A_2, %mul3A_177 : i32
        %add3A_179 = arith.constant 0 : i32
        %add3A_180 = arith.addi %add3A_179, %add3A_178 : i32
        %dma_start3A_181 = arith.constant 0 : i32
        %dma_start3A_182 = tpu.memref_slice %arg5[%dma_start3A_181] : memref<12288xf32, #tpu.memory_space<vmem>> -> memref<2048xf32, #tpu.memory_space<vmem>>
        %dma_start3A_183 = tpu.memref_slice %arg3[%add3A_180] : memref<6291456xf32, #tpu.memory_space<hbm>> -> memref<2048xf32, #tpu.memory_space<hbm>>
        %dma_start3A_184 = arith.constant 0 : i32
        %dma_start3A_185 = tpu.memref_slice %arg5[%dma_start3A_184] : memref<12288xf32, #tpu.memory_space<vmem>> -> memref<2048xf32, #tpu.memory_space<vmem>>
        %dma_start3A_186 = tpu.memref_slice %arg3[%add3A_180] : memref<6291456xf32, #tpu.memory_space<hbm>> -> memref<2048xf32, #tpu.memory_space<hbm>>
        tpu.enqueue_dma source(%dma_start3A_186 : memref<2048xf32, #tpu.memory_space<hbm>>) target(%dma_start3A_185 : memref<2048xf32, #tpu.memory_space<vmem>>) target_semaphore(%arg10 : memref<!tpu.dma_semaphore, #tpu.memory_space<semaphore_mem>>)
        %add3A_187 = arith.constant 2097152 : i32
        %add3A_188 = arith.addi %add3A_187, %add3A_178 : i32
        %dma_start3A_189 = arith.constant 2048 : i32
        %dma_start3A_190 = tpu.memref_slice %arg5[%dma_start3A_189] : memref<12288xf32, #tpu.memory_space<vmem>> -> memref<2048xf32, #tpu.memory_space<vmem>>
        %dma_start3A_191 = tpu.memref_slice %arg3[%add3A_188] : memref<6291456xf32, #tpu.memory_space<hbm>> -> memref<2048xf32, #tpu.memory_space<hbm>>
        %dma_start3A_192 = arith.constant 2048 : i32
        %dma_start3A_193 = tpu.memref_slice %arg5[%dma_start3A_192] : memref<12288xf32, #tpu.memory_space<vmem>> -> memref<2048xf32, #tpu.memory_space<vmem>>
        %dma_start3A_194 = tpu.memref_slice %arg3[%add3A_188] : memref<6291456xf32, #tpu.memory_space<hbm>> -> memref<2048xf32, #tpu.memory_space<hbm>>
        tpu.enqueue_dma source(%dma_start3A_194 : memref<2048xf32, #tpu.memory_space<hbm>>) target(%dma_start3A_193 : memref<2048xf32, #tpu.memory_space<vmem>>) target_semaphore(%arg10 : memref<!tpu.dma_semaphore, #tpu.memory_space<semaphore_mem>>)
        %add3A_195 = arith.constant 4194304 : i32
        %add3A_196 = arith.addi %add3A_195, %add3A_178 : i32
        %dma_start3A_197 = arith.constant 4096 : i32
        %dma_start3A_198 = tpu.memref_slice %arg5[%dma_start3A_197] : memref<12288xf32, #tpu.memory_space<vmem>> -> memref<2048xf32, #tpu.memory_space<vmem>>
        %dma_start3A_199 = tpu.memref_slice %arg3[%add3A_196] : memref<6291456xf32, #tpu.memory_space<hbm>> -> memref<2048xf32, #tpu.memory_space<hbm>>
        %dma_start3A_200 = arith.constant 4096 : i32
        %dma_start3A_201 = tpu.memref_slice %arg5[%dma_start3A_200] : memref<12288xf32, #tpu.memory_space<vmem>> -> memref<2048xf32, #tpu.memory_space<vmem>>
        %dma_start3A_202 = tpu.memref_slice %arg3[%add3A_196] : memref<6291456xf32, #tpu.memory_space<hbm>> -> memref<2048xf32, #tpu.memory_space<hbm>>
        tpu.enqueue_dma source(%dma_start3A_202 : memref<2048xf32, #tpu.memory_space<hbm>>) target(%dma_start3A_201 : memref<2048xf32, #tpu.memory_space<vmem>>) target_semaphore(%arg10 : memref<!tpu.dma_semaphore, #tpu.memory_space<semaphore_mem>>)
      } else {
      }
      %ge3A_164 = arith.constant 3 : i32
      %ge3A_165 = arith.cmpi sge, %add3A_122, %ge3A_164 : i32
      %convert_element_type3A_166 = arith.extui %ge3A_165 : i1 to i32
      %cond3A_167 = arith.constant 0 : i32
      %cond3A_168 = arith.cmpi ne, %convert_element_type3A_166, %cond3A_167 : i32
      scf.if %cond3A_168 {
        %dma_wait3A_174 = arith.constant 0 : i32
        %dma_wait3A_175 = tpu.memref_slice %arg9[%dma_wait3A_174] : memref<4096xf32, #tpu.memory_space<vmem>> -> memref<2048xf32, #tpu.memory_space<vmem>>
        %dma_wait3A_176 = tpu.memref_slice %arg4[%mul3A_2] : memref<2097152xf32, #tpu.memory_space<hbm>> -> memref<2048xf32, #tpu.memory_space<hbm>>
        %dma_wait3A_177 = tpu.memref_slice %arg4[%mul3A_2] : memref<2097152xf32, #tpu.memory_space<hbm>> -> memref<2048xf32, #tpu.memory_space<hbm>>
        %dma_wait3A_178 = arith.constant 0 : i32
        %dma_wait3A_179 = tpu.memref_slice %arg9[%dma_wait3A_178] : memref<4096xf32, #tpu.memory_space<vmem>> -> memref<2048xf32, #tpu.memory_space<vmem>>
        tpu.wait_dma2 semaphore(%arg14 : memref<!tpu.dma_semaphore, #tpu.memory_space<semaphore_mem>>) src(%dma_wait3A_179 : memref<2048xf32, #tpu.memory_space<vmem>>) dst(%dma_wait3A_177 : memref<2048xf32, #tpu.memory_space<hbm>>)
      } else {
      }
      %ge3A_169 = arith.constant 1 : i32
      %ge3A_170 = arith.cmpi sge, %add3A_122, %ge3A_169 : i32
      %convert_element_type3A_171 = arith.extui %ge3A_170 : i1 to i32
      %cond3A_172 = arith.constant 0 : i32
      %cond3A_173 = arith.cmpi ne, %convert_element_type3A_171, %cond3A_172 : i32
      scf.if %cond3A_173 {
        %dma_wait3A_174 = arith.constant 0 : i32
        %dma_wait3A_175 = tpu.memref_slice %arg8[%dma_wait3A_174] : memref<16384xi32, #tpu.memory_space<vmem>> -> memref<8192xi32, #tpu.memory_space<vmem>>
        %dma_wait3A_176 = arith.constant 0 : i32
        %dma_wait3A_177 = tpu.memref_slice %arg2[%dma_wait3A_176] : memref<16777216xi32, #tpu.memory_space<hbm>> -> memref<8192xi32, #tpu.memory_space<hbm>>
        %dma_wait3A_178 = arith.constant 0 : i32
        %dma_wait3A_179 = tpu.memref_slice %arg8[%dma_wait3A_178] : memref<16384xi32, #tpu.memory_space<vmem>> -> memref<8192xi32, #tpu.memory_space<vmem>>
        %dma_wait3A_180 = arith.constant 0 : i32
        %dma_wait3A_181 = tpu.memref_slice %arg2[%dma_wait3A_180] : memref<16777216xi32, #tpu.memory_space<hbm>> -> memref<8192xi32, #tpu.memory_space<hbm>>
        tpu.wait_dma2 semaphore(%arg12 : memref<!tpu.dma_semaphore, #tpu.memory_space<semaphore_mem>>) src(%dma_wait3A_181 : memref<8192xi32, #tpu.memory_space<hbm>>) dst(%dma_wait3A_179 : memref<8192xi32, #tpu.memory_space<vmem>>)
        %sub3A = arith.constant 1 : i32
        %sub3A_182 = arith.subi %add3A_122, %sub3A : i32
        %scan3A_183 = arith.constant 0 : i32
        %scan3A_184 = arith.constant -65536 : i32
        %scan3A_185 = arith.constant 0 : i32
        %scan3A_186 = arith.constant 128 : i32
        %scan3A_187 = arith.addi %scan3A_185, %scan3A_186 : i32
        %scan3A_188 = arith.constant 2 : i32
        scf.for %scan3A_199 = %scan3A_185 to %scan3A_187 step %scan3A_188  : i32 {
          %mul3A_200 = arith.constant 16 : i32
          %mul3A_201 = arith.muli %scan3A_199, %mul3A_200 : i32
          %add3A_202 = arith.constant 8192 : i32
          %add3A_203 = arith.addi %add3A_202, %mul3A_201 : i32
          %get3A = arith.index_cast %add3A_203 : i32 to index
          %get3A_204 = tpu.vector_load %arg7[%get3A] {strides = array<i32>} : memref<24576xf32, #tpu.memory_space<vmem>>, vector<16xf32>,
          %add3A_205 = arith.constant 10240 : i32
          %add3A_206 = arith.addi %add3A_205, %mul3A_201 : i32
          %get3A_207 = arith.index_cast %add3A_206 : i32 to index
          %get3A_208 = tpu.vector_load %arg7[%get3A_207] {strides = array<i32>} : memref<24576xf32, #tpu.memory_space<vmem>>, vector<16xf32>,
          %add3A_209 = arith.constant 0 : i32
          %add3A_210 = arith.addi %add3A_209, %mul3A_201 : i32
          %get3A_211 = arith.index_cast %add3A_210 : i32 to index
          %get3A_212 = tpu.vector_load %arg8[%get3A_211] {strides = array<i32>} : memref<16384xi32, #tpu.memory_space<vmem>>, vector<16xi32>,
          %shift_left3A = arith.constant 16 : i32
          %shift_left3A_213 = vector.broadcast %shift_left3A : i32 to vector<16xi32>
          %shift_left3A_214 = arith.shli %get3A_212, %shift_left3A_213 : vector<16xi32>
          %bitcast3A = vector.bitcast %shift_left3A_214 : vector<16xi32> to vector<16xf32>
          %and3A = vector.broadcast %scan3A_184 : i32 to vector<16xi32>
          %and3A_215 = arith.andi %get3A_212, %and3A : vector<16xi32>
          %bitcast3A_216 = vector.bitcast %and3A_215 : vector<16xi32> to vector<16xf32>
          %add3A_217 = arith.constant 0 : i32
          %add3A_218 = arith.addi %add3A_217, %mul3A_201 : i32
          %get3A_219 = arith.index_cast %add3A_218 : i32 to index
          %get3A_220 = tpu.vector_load %arg7[%get3A_219] {strides = array<i32>} : memref<24576xf32, #tpu.memory_space<vmem>>, vector<16xf32>,
          %mul3A_221 = arith.mulf %bitcast3A, %get3A_204 : vector<16xf32>
          %mul3A_222 = arith.mulf %bitcast3A_216, %get3A_208 : vector<16xf32>
          %add3A_223 = arith.addf %mul3A_221, %mul3A_222 : vector<16xf32>
          %mul3A_224 = arith.mulf %get3A_220, %add3A_223 : vector<16xf32>
          %add3A_225 = arith.constant 2048 : i32
          %add3A_226 = arith.addi %add3A_225, %mul3A_201 : i32
          %get3A_227 = arith.index_cast %add3A_226 : i32 to index
          %get3A_228 = tpu.vector_load %arg8[%get3A_227] {strides = array<i32>} : memref<16384xi32, #tpu.memory_space<vmem>>, vector<16xi32>,
          %shift_left3A_229 = arith.constant 16 : i32
          %shift_left3A_230 = vector.broadcast %shift_left3A_229 : i32 to vector<16xi32>
          %shift_left3A_231 = arith.shli %get3A_228, %shift_left3A_230 : vector<16xi32>
          %bitcast3A_232 = vector.bitcast %shift_left3A_231 : vector<16xi32> to vector<16xf32>
          %and3A_233 = vector.broadcast %scan3A_184 : i32 to vector<16xi32>
          %and3A_234 = arith.andi %get3A_228, %and3A_233 : vector<16xi32>
          %bitcast3A_235 = vector.bitcast %and3A_234 : vector<16xi32> to vector<16xf32>
          %add3A_236 = arith.constant 2048 : i32
          %add3A_237 = arith.addi %add3A_236, %mul3A_201 : i32
          %get3A_238 = arith.index_cast %add3A_237 : i32 to index
          %get3A_239 = tpu.vector_load %arg7[%get3A_238] {strides = array<i32>} : memref<24576xf32, #tpu.memory_space<vmem>>, vector<16xf32>,
          %mul3A_240 = arith.mulf %bitcast3A_232, %get3A_204 : vector<16xf32>
          %mul3A_241 = arith.mulf %bitcast3A_235, %get3A_208 : vector<16xf32>
          %add3A_242 = arith.addf %mul3A_240, %mul3A_241 : vector<16xf32>
          %mul3A_243 = arith.mulf %get3A_239, %add3A_242 : vector<16xf32>
          %add3A_244 = arith.addf %mul3A_224, %mul3A_243 : vector<16xf32>
          %add3A_245 = arith.constant 4096 : i32
          %add3A_246 = arith.addi %add3A_245, %mul3A_201 : i32
          %get3A_247 = arith.index_cast %add3A_246 : i32 to index
          %get3A_248 = tpu.vector_load %arg8[%get3A_247] {strides = array<i32>} : memref<16384xi32, #tpu.memory_space<vmem>>, vector<16xi32>,
          %shift_left3A_249 = arith.constant 16 : i32
          %shift_left3A_250 = vector.broadcast %shift_left3A_249 : i32 to vector<16xi32>
          %shift_left3A_251 = arith.shli %get3A_248, %shift_left3A_250 : vector<16xi32>
          %bitcast3A_252 = vector.bitcast %shift_left3A_251 : vector<16xi32> to vector<16xf32>
          %and3A_253 = vector.broadcast %scan3A_184 : i32 to vector<16xi32>
          %and3A_254 = arith.andi %get3A_248, %and3A_253 : vector<16xi32>
          %bitcast3A_255 = vector.bitcast %and3A_254 : vector<16xi32> to vector<16xf32>
          %add3A_256 = arith.constant 4096 : i32
          %add3A_257 = arith.addi %add3A_256, %mul3A_201 : i32
          %get3A_258 = arith.index_cast %add3A_257 : i32 to index
          %get3A_259 = tpu.vector_load %arg7[%get3A_258] {strides = array<i32>} : memref<24576xf32, #tpu.memory_space<vmem>>, vector<16xf32>,
          %mul3A_260 = arith.mulf %bitcast3A_252, %get3A_204 : vector<16xf32>
          %mul3A_261 = arith.mulf %bitcast3A_255, %get3A_208 : vector<16xf32>
          %add3A_262 = arith.addf %mul3A_260, %mul3A_261 : vector<16xf32>
          %mul3A_263 = arith.mulf %get3A_259, %add3A_262 : vector<16xf32>
          %add3A_264 = arith.addf %add3A_244, %mul3A_263 : vector<16xf32>
          %add3A_265 = arith.constant 6144 : i32
          %add3A_266 = arith.addi %add3A_265, %mul3A_201 : i32
          %get3A_267 = arith.index_cast %add3A_266 : i32 to index
          %get3A_268 = tpu.vector_load %arg8[%get3A_267] {strides = array<i32>} : memref<16384xi32, #tpu.memory_space<vmem>>, vector<16xi32>,
          %shift_left3A_269 = arith.constant 16 : i32
          %shift_left3A_270 = vector.broadcast %shift_left3A_269 : i32 to vector<16xi32>
          %shift_left3A_271 = arith.shli %get3A_268, %shift_left3A_270 : vector<16xi32>
          %bitcast3A_272 = vector.bitcast %shift_left3A_271 : vector<16xi32> to vector<16xf32>
          %and3A_273 = vector.broadcast %scan3A_184 : i32 to vector<16xi32>
          %and3A_274 = arith.andi %get3A_268, %and3A_273 : vector<16xi32>
          %bitcast3A_275 = vector.bitcast %and3A_274 : vector<16xi32> to vector<16xf32>
          %add3A_276 = arith.constant 6144 : i32
          %add3A_277 = arith.addi %add3A_276, %mul3A_201 : i32
          %get3A_278 = arith.index_cast %add3A_277 : i32 to index
          %get3A_279 = tpu.vector_load %arg7[%get3A_278] {strides = array<i32>} : memref<24576xf32, #tpu.memory_space<vmem>>, vector<16xf32>,
          %mul3A_280 = arith.mulf %bitcast3A_272, %get3A_204 : vector<16xf32>
          %mul3A_281 = arith.mulf %bitcast3A_275, %get3A_208 : vector<16xf32>
          %add3A_282 = arith.addf %mul3A_280, %mul3A_281 : vector<16xf32>
          %mul3A_283 = arith.mulf %get3A_279, %add3A_282 : vector<16xf32>
          %add3A_284 = arith.addf %add3A_264, %mul3A_283 : vector<16xf32>
          %add3A_285 = arith.constant 0 : i32
          %add3A_286 = arith.addi %add3A_285, %mul3A_201 : i32
          %swap3A = arith.index_cast %add3A_286 : i32 to index
          %swap3A_287 = tpu.vector_load %arg9[%swap3A] {strides = array<i32>} : memref<4096xf32, #tpu.memory_space<vmem>>, vector<16xf32>,
          tpu.vector_store %arg9[%swap3A], %add3A_284 {strides = array<i32>} : memref<4096xf32, #tpu.memory_space<vmem>>, vector<16xf32>,
          %scan3A_288 = arith.constant 1 : i32
          %scan3A_289 = arith.addi %scan3A_199, %scan3A_288 : i32
          %mul3A_290 = arith.constant 16 : i32
          %mul3A_291 = arith.muli %scan3A_289, %mul3A_290 : i32
          %add3A_292 = arith.constant 8192 : i32
          %add3A_293 = arith.addi %add3A_292, %mul3A_291 : i32
          %get3A_294 = arith.index_cast %add3A_293 : i32 to index
          %get3A_295 = tpu.vector_load %arg7[%get3A_294] {strides = array<i32>} : memref<24576xf32, #tpu.memory_space<vmem>>, vector<16xf32>,
          %add3A_296 = arith.constant 10240 : i32
          %add3A_297 = arith.addi %add3A_296, %mul3A_291 : i32
          %get3A_298 = arith.index_cast %add3A_297 : i32 to index
          %get3A_299 = tpu.vector_load %arg7[%get3A_298] {strides = array<i32>} : memref<24576xf32, #tpu.memory_space<vmem>>, vector<16xf32>,
          %add3A_300 = arith.constant 0 : i32
          %add3A_301 = arith.addi %add3A_300, %mul3A_291 : i32
          %get3A_302 = arith.index_cast %add3A_301 : i32 to index
          %get3A_303 = tpu.vector_load %arg8[%get3A_302] {strides = array<i32>} : memref<16384xi32, #tpu.memory_space<vmem>>, vector<16xi32>,
          %shift_left3A_304 = arith.constant 16 : i32
          %shift_left3A_305 = vector.broadcast %shift_left3A_304 : i32 to vector<16xi32>
          %shift_left3A_306 = arith.shli %get3A_303, %shift_left3A_305 : vector<16xi32>
          %bitcast3A_307 = vector.bitcast %shift_left3A_306 : vector<16xi32> to vector<16xf32>
          %and3A_308 = vector.broadcast %scan3A_184 : i32 to vector<16xi32>
          %and3A_309 = arith.andi %get3A_303, %and3A_308 : vector<16xi32>
          %bitcast3A_310 = vector.bitcast %and3A_309 : vector<16xi32> to vector<16xf32>
          %add3A_311 = arith.constant 0 : i32
          %add3A_312 = arith.addi %add3A_311, %mul3A_291 : i32
          %get3A_313 = arith.index_cast %add3A_312 : i32 to index
          %get3A_314 = tpu.vector_load %arg7[%get3A_313] {strides = array<i32>} : memref<24576xf32, #tpu.memory_space<vmem>>, vector<16xf32>,
          %mul3A_315 = arith.mulf %bitcast3A_307, %get3A_295 : vector<16xf32>
          %mul3A_316 = arith.mulf %bitcast3A_310, %get3A_299 : vector<16xf32>
          %add3A_317 = arith.addf %mul3A_315, %mul3A_316 : vector<16xf32>
          %mul3A_318 = arith.mulf %get3A_314, %add3A_317 : vector<16xf32>
          %add3A_319 = arith.constant 2048 : i32
          %add3A_320 = arith.addi %add3A_319, %mul3A_291 : i32
          %get3A_321 = arith.index_cast %add3A_320 : i32 to index
          %get3A_322 = tpu.vector_load %arg8[%get3A_321] {strides = array<i32>} : memref<16384xi32, #tpu.memory_space<vmem>>, vector<16xi32>,
          %shift_left3A_323 = arith.constant 16 : i32
          %shift_left3A_324 = vector.broadcast %shift_left3A_323 : i32 to vector<16xi32>
          %shift_left3A_325 = arith.shli %get3A_322, %shift_left3A_324 : vector<16xi32>
          %bitcast3A_326 = vector.bitcast %shift_left3A_325 : vector<16xi32> to vector<16xf32>
          %and3A_327 = vector.broadcast %scan3A_184 : i32 to vector<16xi32>
          %and3A_328 = arith.andi %get3A_322, %and3A_327 : vector<16xi32>
          %bitcast3A_329 = vector.bitcast %and3A_328 : vector<16xi32> to vector<16xf32>
          %add3A_330 = arith.constant 2048 : i32
          %add3A_331 = arith.addi %add3A_330, %mul3A_291 : i32
          %get3A_332 = arith.index_cast %add3A_331 : i32 to index
          %get3A_333 = tpu.vector_load %arg7[%get3A_332] {strides = array<i32>} : memref<24576xf32, #tpu.memory_space<vmem>>, vector<16xf32>,
          %mul3A_334 = arith.mulf %bitcast3A_326, %get3A_295 : vector<16xf32>
          %mul3A_335 = arith.mulf %bitcast3A_329, %get3A_299 : vector<16xf32>
          %add3A_336 = arith.addf %mul3A_334, %mul3A_335 : vector<16xf32>
          %mul3A_337 = arith.mulf %get3A_333, %add3A_336 : vector<16xf32>
          %add3A_338 = arith.addf %mul3A_318, %mul3A_337 : vector<16xf32>
          %add3A_339 = arith.constant 4096 : i32
          %add3A_340 = arith.addi %add3A_339, %mul3A_291 : i32
          %get3A_341 = arith.index_cast %add3A_340 : i32 to index
          %get3A_342 = tpu.vector_load %arg8[%get3A_341] {strides = array<i32>} : memref<16384xi32, #tpu.memory_space<vmem>>, vector<16xi32>,
          %shift_left3A_343 = arith.constant 16 : i32
          %shift_left3A_344 = vector.broadcast %shift_left3A_343 : i32 to vector<16xi32>
          %shift_left3A_345 = arith.shli %get3A_342, %shift_left3A_344 : vector<16xi32>
          %bitcast3A_346 = vector.bitcast %shift_left3A_345 : vector<16xi32> to vector<16xf32>
          %and3A_347 = vector.broadcast %scan3A_184 : i32 to vector<16xi32>
          %and3A_348 = arith.andi %get3A_342, %and3A_347 : vector<16xi32>
          %bitcast3A_349 = vector.bitcast %and3A_348 : vector<16xi32> to vector<16xf32>
          %add3A_350 = arith.constant 4096 : i32
          %add3A_351 = arith.addi %add3A_350, %mul3A_291 : i32
          %get3A_352 = arith.index_cast %add3A_351 : i32 to index
          %get3A_353 = tpu.vector_load %arg7[%get3A_352] {strides = array<i32>} : memref<24576xf32, #tpu.memory_space<vmem>>, vector<16xf32>,
          %mul3A_354 = arith.mulf %bitcast3A_346, %get3A_295 : vector<16xf32>
          %mul3A_355 = arith.mulf %bitcast3A_349, %get3A_299 : vector<16xf32>
          %add3A_356 = arith.addf %mul3A_354, %mul3A_355 : vector<16xf32>
          %mul3A_357 = arith.mulf %get3A_353, %add3A_356 : vector<16xf32>
          %add3A_358 = arith.addf %add3A_338, %mul3A_357 : vector<16xf32>
          %add3A_359 = arith.constant 6144 : i32
          %add3A_360 = arith.addi %add3A_359, %mul3A_291 : i32
          %get3A_361 = arith.index_cast %add3A_360 : i32 to index
          %get3A_362 = tpu.vector_load %arg8[%get3A_361] {strides = array<i32>} : memref<16384xi32, #tpu.memory_space<vmem>>, vector<16xi32>,
          %shift_left3A_363 = arith.constant 16 : i32
          %shift_left3A_364 = vector.broadcast %shift_left3A_363 : i32 to vector<16xi32>
          %shift_left3A_365 = arith.shli %get3A_362, %shift_left3A_364 : vector<16xi32>
          %bitcast3A_366 = vector.bitcast %shift_left3A_365 : vector<16xi32> to vector<16xf32>
          %and3A_367 = vector.broadcast %scan3A_184 : i32 to vector<16xi32>
          %and3A_368 = arith.andi %get3A_362, %and3A_367 : vector<16xi32>
          %bitcast3A_369 = vector.bitcast %and3A_368 : vector<16xi32> to vector<16xf32>
          %add3A_370 = arith.constant 6144 : i32
          %add3A_371 = arith.addi %add3A_370, %mul3A_291 : i32
          %get3A_372 = arith.index_cast %add3A_371 : i32 to index
          %get3A_373 = tpu.vector_load %arg7[%get3A_372] {strides = array<i32>} : memref<24576xf32, #tpu.memory_space<vmem>>, vector<16xf32>,
          %mul3A_374 = arith.mulf %bitcast3A_366, %get3A_295 : vector<16xf32>
          %mul3A_375 = arith.mulf %bitcast3A_369, %get3A_299 : vector<16xf32>
          %add3A_376 = arith.addf %mul3A_374, %mul3A_375 : vector<16xf32>
          %mul3A_377 = arith.mulf %get3A_373, %add3A_376 : vector<16xf32>
          %add3A_378 = arith.addf %add3A_358, %mul3A_377 : vector<16xf32>
          %add3A_379 = arith.constant 0 : i32
          %add3A_380 = arith.addi %add3A_379, %mul3A_291 : i32
          %swap3A_381 = arith.index_cast %add3A_380 : i32 to index
          %swap3A_382 = tpu.vector_load %arg9[%swap3A_381] {strides = array<i32>} : memref<4096xf32, #tpu.memory_space<vmem>>, vector<16xf32>,
          tpu.vector_store %arg9[%swap3A_381], %add3A_378 {strides = array<i32>} : memref<4096xf32, #tpu.memory_space<vmem>>, vector<16xf32>,
        }
        %scan3A_189 = arith.constant 128 : i32
        %mul3A_190 = arith.constant 2048 : i32
        %mul3A_191 = arith.muli %sub3A_182, %mul3A_190 : i32
        %add3A_192 = arith.addi %mul3A_2, %mul3A_191 : i32
        %dma_start3A_193 = arith.constant 0 : i32
        %dma_start3A_194 = tpu.memref_slice %arg9[%dma_start3A_193] : memref<4096xf32, #tpu.memory_space<vmem>> -> memref<2048xf32, #tpu.memory_space<vmem>>
        %dma_start3A_195 = tpu.memref_slice %arg4[%add3A_192] : memref<2097152xf32, #tpu.memory_space<hbm>> -> memref<2048xf32, #tpu.memory_space<hbm>>
        %dma_start3A_196 = tpu.memref_slice %arg4[%add3A_192] : memref<2097152xf32, #tpu.memory_space<hbm>> -> memref<2048xf32, #tpu.memory_space<hbm>>
        %dma_start3A_197 = arith.constant 0 : i32
        %dma_start3A_198 = tpu.memref_slice %arg9[%dma_start3A_197] : memref<4096xf32, #tpu.memory_space<vmem>> -> memref<2048xf32, #tpu.memory_space<vmem>>
        tpu.enqueue_dma source(%dma_start3A_198 : memref<2048xf32, #tpu.memory_space<vmem>>) target(%dma_start3A_196 : memref<2048xf32, #tpu.memory_space<hbm>>) target_semaphore(%arg14 : memref<!tpu.dma_semaphore, #tpu.memory_space<semaphore_mem>>)
      } else {
      }
    }
    %scan3A_32 = arith.constant 16 : i32
    %dma_wait3A = arith.constant 8192 : i32
    %dma_wait3A_33 = tpu.memref_slice %arg8[%dma_wait3A] : memref<16384xi32, #tpu.memory_space<vmem>> -> memref<8192xi32, #tpu.memory_space<vmem>>
    %dma_wait3A_34 = arith.constant 0 : i32
    %dma_wait3A_35 = tpu.memref_slice %arg2[%dma_wait3A_34] : memref<16777216xi32, #tpu.memory_space<hbm>> -> memref<8192xi32, #tpu.memory_space<hbm>>
    %dma_wait3A_36 = arith.constant 8192 : i32
    %dma_wait3A_37 = tpu.memref_slice %arg8[%dma_wait3A_36] : memref<16384xi32, #tpu.memory_space<vmem>> -> memref<8192xi32, #tpu.memory_space<vmem>>
    %dma_wait3A_38 = arith.constant 0 : i32
    %dma_wait3A_39 = tpu.memref_slice %arg2[%dma_wait3A_38] : memref<16777216xi32, #tpu.memory_space<hbm>> -> memref<8192xi32, #tpu.memory_space<hbm>>
    tpu.wait_dma2 semaphore(%arg13 : memref<!tpu.dma_semaphore, #tpu.memory_space<semaphore_mem>>) src(%dma_wait3A_39 : memref<8192xi32, #tpu.memory_space<hbm>>) dst(%dma_wait3A_37 : memref<8192xi32, #tpu.memory_space<vmem>>)
    %scan3A_40 = arith.constant 0 : i32
    %scan3A_41 = arith.constant -65536 : i32
    %scan3A_42 = arith.constant 0 : i32
    %scan3A_43 = arith.constant 128 : i32
    %scan3A_44 = arith.addi %scan3A_42, %scan3A_43 : i32
    %scan3A_45 = arith.constant 2 : i32
    scf.for %scan3A_67 = %scan3A_42 to %scan3A_44 step %scan3A_45  : i32 {
      %mul3A_68 = arith.constant 16 : i32
      %mul3A_69 = arith.muli %scan3A_67, %mul3A_68 : i32
      %add3A_70 = arith.constant 20480 : i32
      %add3A_71 = arith.addi %add3A_70, %mul3A_69 : i32
      %get3A = arith.index_cast %add3A_71 : i32 to index
      %get3A_72 = tpu.vector_load %arg7[%get3A] {strides = array<i32>} : memref<24576xf32, #tpu.memory_space<vmem>>, vector<16xf32>,
      %add3A_73 = arith.constant 22528 : i32
      %add3A_74 = arith.addi %add3A_73, %mul3A_69 : i32
      %get3A_75 = arith.index_cast %add3A_74 : i32 to index
      %get3A_76 = tpu.vector_load %arg7[%get3A_75] {strides = array<i32>} : memref<24576xf32, #tpu.memory_space<vmem>>, vector<16xf32>,
      %add3A_77 = arith.constant 8192 : i32
      %add3A_78 = arith.addi %add3A_77, %mul3A_69 : i32
      %get3A_79 = arith.index_cast %add3A_78 : i32 to index
      %get3A_80 = tpu.vector_load %arg8[%get3A_79] {strides = array<i32>} : memref<16384xi32, #tpu.memory_space<vmem>>, vector<16xi32>,
      %shift_left3A = arith.constant 16 : i32
      %shift_left3A_81 = vector.broadcast %shift_left3A : i32 to vector<16xi32>
      %shift_left3A_82 = arith.shli %get3A_80, %shift_left3A_81 : vector<16xi32>
      %bitcast3A = vector.bitcast %shift_left3A_82 : vector<16xi32> to vector<16xf32>
      %and3A = vector.broadcast %scan3A_41 : i32 to vector<16xi32>
      %and3A_83 = arith.andi %get3A_80, %and3A : vector<16xi32>
      %bitcast3A_84 = vector.bitcast %and3A_83 : vector<16xi32> to vector<16xf32>
      %add3A_85 = arith.constant 12288 : i32
      %add3A_86 = arith.addi %add3A_85, %mul3A_69 : i32
      %get3A_87 = arith.index_cast %add3A_86 : i32 to index
      %get3A_88 = tpu.vector_load %arg7[%get3A_87] {strides = array<i32>} : memref<24576xf32, #tpu.memory_space<vmem>>, vector<16xf32>,
      %mul3A_89 = arith.mulf %bitcast3A, %get3A_72 : vector<16xf32>
      %mul3A_90 = arith.mulf %bitcast3A_84, %get3A_76 : vector<16xf32>
      %add3A_91 = arith.addf %mul3A_89, %mul3A_90 : vector<16xf32>
      %mul3A_92 = arith.mulf %get3A_88, %add3A_91 : vector<16xf32>
      %add3A_93 = arith.constant 10240 : i32
      %add3A_94 = arith.addi %add3A_93, %mul3A_69 : i32
      %get3A_95 = arith.index_cast %add3A_94 : i32 to index
      %get3A_96 = tpu.vector_load %arg8[%get3A_95] {strides = array<i32>} : memref<16384xi32, #tpu.memory_space<vmem>>, vector<16xi32>,
      %shift_left3A_97 = arith.constant 16 : i32
      %shift_left3A_98 = vector.broadcast %shift_left3A_97 : i32 to vector<16xi32>
      %shift_left3A_99 = arith.shli %get3A_96, %shift_left3A_98 : vector<16xi32>
      %bitcast3A_100 = vector.bitcast %shift_left3A_99 : vector<16xi32> to vector<16xf32>
      %and3A_101 = vector.broadcast %scan3A_41 : i32 to vector<16xi32>
      %and3A_102 = arith.andi %get3A_96, %and3A_101 : vector<16xi32>
      %bitcast3A_103 = vector.bitcast %and3A_102 : vector<16xi32> to vector<16xf32>
      %add3A_104 = arith.constant 14336 : i32
      %add3A_105 = arith.addi %add3A_104, %mul3A_69 : i32
      %get3A_106 = arith.index_cast %add3A_105 : i32 to index
      %get3A_107 = tpu.vector_load %arg7[%get3A_106] {strides = array<i32>} : memref<24576xf32, #tpu.memory_space<vmem>>, vector<16xf32>,
      %mul3A_108 = arith.mulf %bitcast3A_100, %get3A_72 : vector<16xf32>
      %mul3A_109 = arith.mulf %bitcast3A_103, %get3A_76 : vector<16xf32>
      %add3A_110 = arith.addf %mul3A_108, %mul3A_109 : vector<16xf32>
      %mul3A_111 = arith.mulf %get3A_107, %add3A_110 : vector<16xf32>
      %add3A_112 = arith.addf %mul3A_92, %mul3A_111 : vector<16xf32>
      %add3A_113 = arith.constant 12288 : i32
      %add3A_114 = arith.addi %add3A_113, %mul3A_69 : i32
      %get3A_115 = arith.index_cast %add3A_114 : i32 to index
      %get3A_116 = tpu.vector_load %arg8[%get3A_115] {strides = array<i32>} : memref<16384xi32, #tpu.memory_space<vmem>>, vector<16xi32>,
      %shift_left3A_117 = arith.constant 16 : i32
      %shift_left3A_118 = vector.broadcast %shift_left3A_117 : i32 to vector<16xi32>
      %shift_left3A_119 = arith.shli %get3A_116, %shift_left3A_118 : vector<16xi32>
      %bitcast3A_120 = vector.bitcast %shift_left3A_119 : vector<16xi32> to vector<16xf32>
      %and3A_121 = vector.broadcast %scan3A_41 : i32 to vector<16xi32>
      %and3A_122 = arith.andi %get3A_116, %and3A_121 : vector<16xi32>
      %bitcast3A_123 = vector.bitcast %and3A_122 : vector<16xi32> to vector<16xf32>
      %add3A_124 = arith.constant 16384 : i32
      %add3A_125 = arith.addi %add3A_124, %mul3A_69 : i32
      %get3A_126 = arith.index_cast %add3A_125 : i32 to index
      %get3A_127 = tpu.vector_load %arg7[%get3A_126] {strides = array<i32>} : memref<24576xf32, #tpu.memory_space<vmem>>, vector<16xf32>,
      %mul3A_128 = arith.mulf %bitcast3A_120, %get3A_72 : vector<16xf32>
      %mul3A_129 = arith.mulf %bitcast3A_123, %get3A_76 : vector<16xf32>
      %add3A_130 = arith.addf %mul3A_128, %mul3A_129 : vector<16xf32>
      %mul3A_131 = arith.mulf %get3A_127, %add3A_130 : vector<16xf32>
      %add3A_132 = arith.addf %add3A_112, %mul3A_131 : vector<16xf32>
      %add3A_133 = arith.constant 14336 : i32
      %add3A_134 = arith.addi %add3A_133, %mul3A_69 : i32
      %get3A_135 = arith.index_cast %add3A_134 : i32 to index
      %get3A_136 = tpu.vector_load %arg8[%get3A_135] {strides = array<i32>} : memref<16384xi32, #tpu.memory_space<vmem>>, vector<16xi32>,
      %shift_left3A_137 = arith.constant 16 : i32
      %shift_left3A_138 = vector.broadcast %shift_left3A_137 : i32 to vector<16xi32>
      %shift_left3A_139 = arith.shli %get3A_136, %shift_left3A_138 : vector<16xi32>
      %bitcast3A_140 = vector.bitcast %shift_left3A_139 : vector<16xi32> to vector<16xf32>
      %and3A_141 = vector.broadcast %scan3A_41 : i32 to vector<16xi32>
      %and3A_142 = arith.andi %get3A_136, %and3A_141 : vector<16xi32>
      %bitcast3A_143 = vector.bitcast %and3A_142 : vector<16xi32> to vector<16xf32>
      %add3A_144 = arith.constant 18432 : i32
      %add3A_145 = arith.addi %add3A_144, %mul3A_69 : i32
      %get3A_146 = arith.index_cast %add3A_145 : i32 to index
      %get3A_147 = tpu.vector_load %arg7[%get3A_146] {strides = array<i32>} : memref<24576xf32, #tpu.memory_space<vmem>>, vector<16xf32>,
      %mul3A_148 = arith.mulf %bitcast3A_140, %get3A_72 : vector<16xf32>
      %mul3A_149 = arith.mulf %bitcast3A_143, %get3A_76 : vector<16xf32>
      %add3A_150 = arith.addf %mul3A_148, %mul3A_149 : vector<16xf32>
      %mul3A_151 = arith.mulf %get3A_147, %add3A_150 : vector<16xf32>
      %add3A_152 = arith.addf %add3A_132, %mul3A_151 : vector<16xf32>
      %add3A_153 = arith.constant 2048 : i32
      %add3A_154 = arith.addi %add3A_153, %mul3A_69 : i32
      %swap3A = arith.index_cast %add3A_154 : i32 to index
      %swap3A_155 = tpu.vector_load %arg9[%swap3A] {strides = array<i32>} : memref<4096xf32, #tpu.memory_space<vmem>>, vector<16xf32>,
      tpu.vector_store %arg9[%swap3A], %add3A_152 {strides = array<i32>} : memref<4096xf32, #tpu.memory_space<vmem>>, vector<16xf32>,
      %scan3A_156 = arith.constant 1 : i32
      %scan3A_157 = arith.addi %scan3A_67, %scan3A_156 : i32
      %mul3A_158 = arith.constant 16 : i32
      %mul3A_159 = arith.muli %scan3A_157, %mul3A_158 : i32
      %add3A_160 = arith.constant 20480 : i32
      %add3A_161 = arith.addi %add3A_160, %mul3A_159 : i32
      %get3A_162 = arith.index_cast %add3A_161 : i32 to index
      %get3A_163 = tpu.vector_load %arg7[%get3A_162] {strides = array<i32>} : memref<24576xf32, #tpu.memory_space<vmem>>, vector<16xf32>,
      %add3A_164 = arith.constant 22528 : i32
      %add3A_165 = arith.addi %add3A_164, %mul3A_159 : i32
      %get3A_166 = arith.index_cast %add3A_165 : i32 to index
      %get3A_167 = tpu.vector_load %arg7[%get3A_166] {strides = array<i32>} : memref<24576xf32, #tpu.memory_space<vmem>>, vector<16xf32>,
      %add3A_168 = arith.constant 8192 : i32
      %add3A_169 = arith.addi %add3A_168, %mul3A_159 : i32
      %get3A_170 = arith.index_cast %add3A_169 : i32 to index
      %get3A_171 = tpu.vector_load %arg8[%get3A_170] {strides = array<i32>} : memref<16384xi32, #tpu.memory_space<vmem>>, vector<16xi32>,
      %shift_left3A_172 = arith.constant 16 : i32
      %shift_left3A_173 = vector.broadcast %shift_left3A_172 : i32 to vector<16xi32>
      %shift_left3A_174 = arith.shli %get3A_171, %shift_left3A_173 : vector<16xi32>
      %bitcast3A_175 = vector.bitcast %shift_left3A_174 : vector<16xi32> to vector<16xf32>
      %and3A_176 = vector.broadcast %scan3A_41 : i32 to vector<16xi32>
      %and3A_177 = arith.andi %get3A_171, %and3A_176 : vector<16xi32>
      %bitcast3A_178 = vector.bitcast %and3A_177 : vector<16xi32> to vector<16xf32>
      %add3A_179 = arith.constant 12288 : i32
      %add3A_180 = arith.addi %add3A_179, %mul3A_159 : i32
      %get3A_181 = arith.index_cast %add3A_180 : i32 to index
      %get3A_182 = tpu.vector_load %arg7[%get3A_181] {strides = array<i32>} : memref<24576xf32, #tpu.memory_space<vmem>>, vector<16xf32>,
      %mul3A_183 = arith.mulf %bitcast3A_175, %get3A_163 : vector<16xf32>
      %mul3A_184 = arith.mulf %bitcast3A_178, %get3A_167 : vector<16xf32>
      %add3A_185 = arith.addf %mul3A_183, %mul3A_184 : vector<16xf32>
      %mul3A_186 = arith.mulf %get3A_182, %add3A_185 : vector<16xf32>
      %add3A_187 = arith.constant 10240 : i32
      %add3A_188 = arith.addi %add3A_187, %mul3A_159 : i32
      %get3A_189 = arith.index_cast %add3A_188 : i32 to index
      %get3A_190 = tpu.vector_load %arg8[%get3A_189] {strides = array<i32>} : memref<16384xi32, #tpu.memory_space<vmem>>, vector<16xi32>,
      %shift_left3A_191 = arith.constant 16 : i32
      %shift_left3A_192 = vector.broadcast %shift_left3A_191 : i32 to vector<16xi32>
      %shift_left3A_193 = arith.shli %get3A_190, %shift_left3A_192 : vector<16xi32>
      %bitcast3A_194 = vector.bitcast %shift_left3A_193 : vector<16xi32> to vector<16xf32>
      %and3A_195 = vector.broadcast %scan3A_41 : i32 to vector<16xi32>
      %and3A_196 = arith.andi %get3A_190, %and3A_195 : vector<16xi32>
      %bitcast3A_197 = vector.bitcast %and3A_196 : vector<16xi32> to vector<16xf32>
      %add3A_198 = arith.constant 14336 : i32
      %add3A_199 = arith.addi %add3A_198, %mul3A_159 : i32
      %get3A_200 = arith.index_cast %add3A_199 : i32 to index
      %get3A_201 = tpu.vector_load %arg7[%get3A_200] {strides = array<i32>} : memref<24576xf32, #tpu.memory_space<vmem>>, vector<16xf32>,
      %mul3A_202 = arith.mulf %bitcast3A_194, %get3A_163 : vector<16xf32>
      %mul3A_203 = arith.mulf %bitcast3A_197, %get3A_167 : vector<16xf32>
      %add3A_204 = arith.addf %mul3A_202, %mul3A_203 : vector<16xf32>
      %mul3A_205 = arith.mulf %get3A_201, %add3A_204 : vector<16xf32>
      %add3A_206 = arith.addf %mul3A_186, %mul3A_205 : vector<16xf32>
      %add3A_207 = arith.constant 12288 : i32
      %add3A_208 = arith.addi %add3A_207, %mul3A_159 : i32
      %get3A_209 = arith.index_cast %add3A_208 : i32 to index
      %get3A_210 = tpu.vector_load %arg8[%get3A_209] {strides = array<i32>} : memref<16384xi32, #tpu.memory_space<vmem>>, vector<16xi32>,
      %shift_left3A_211 = arith.constant 16 : i32
      %shift_left3A_212 = vector.broadcast %shift_left3A_211 : i32 to vector<16xi32>
      %shift_left3A_213 = arith.shli %get3A_210, %shift_left3A_212 : vector<16xi32>
      %bitcast3A_214 = vector.bitcast %shift_left3A_213 : vector<16xi32> to vector<16xf32>
      %and3A_215 = vector.broadcast %scan3A_41 : i32 to vector<16xi32>
      %and3A_216 = arith.andi %get3A_210, %and3A_215 : vector<16xi32>
      %bitcast3A_217 = vector.bitcast %and3A_216 : vector<16xi32> to vector<16xf32>
      %add3A_218 = arith.constant 16384 : i32
      %add3A_219 = arith.addi %add3A_218, %mul3A_159 : i32
      %get3A_220 = arith.index_cast %add3A_219 : i32 to index
      %get3A_221 = tpu.vector_load %arg7[%get3A_220] {strides = array<i32>} : memref<24576xf32, #tpu.memory_space<vmem>>, vector<16xf32>,
      %mul3A_222 = arith.mulf %bitcast3A_214, %get3A_163 : vector<16xf32>
      %mul3A_223 = arith.mulf %bitcast3A_217, %get3A_167 : vector<16xf32>
      %add3A_224 = arith.addf %mul3A_222, %mul3A_223 : vector<16xf32>
      %mul3A_225 = arith.mulf %get3A_221, %add3A_224 : vector<16xf32>
      %add3A_226 = arith.addf %add3A_206, %mul3A_225 : vector<16xf32>
      %add3A_227 = arith.constant 14336 : i32
      %add3A_228 = arith.addi %add3A_227, %mul3A_159 : i32
      %get3A_229 = arith.index_cast %add3A_228 : i32 to index
      %get3A_230 = tpu.vector_load %arg8[%get3A_229] {strides = array<i32>} : memref<16384xi32, #tpu.memory_space<vmem>>, vector<16xi32>,
      %shift_left3A_231 = arith.constant 16 : i32
      %shift_left3A_232 = vector.broadcast %shift_left3A_231 : i32 to vector<16xi32>
      %shift_left3A_233 = arith.shli %get3A_230, %shift_left3A_232 : vector<16xi32>
      %bitcast3A_234 = vector.bitcast %shift_left3A_233 : vector<16xi32> to vector<16xf32>
      %and3A_235 = vector.broadcast %scan3A_41 : i32 to vector<16xi32>
      %and3A_236 = arith.andi %get3A_230, %and3A_235 : vector<16xi32>
      %bitcast3A_237 = vector.bitcast %and3A_236 : vector<16xi32> to vector<16xf32>
      %add3A_238 = arith.constant 18432 : i32
      %add3A_239 = arith.addi %add3A_238, %mul3A_159 : i32
      %get3A_240 = arith.index_cast %add3A_239 : i32 to index
      %get3A_241 = tpu.vector_load %arg7[%get3A_240] {strides = array<i32>} : memref<24576xf32, #tpu.memory_space<vmem>>, vector<16xf32>,
      %mul3A_242 = arith.mulf %bitcast3A_234, %get3A_163 : vector<16xf32>
      %mul3A_243 = arith.mulf %bitcast3A_237, %get3A_167 : vector<16xf32>
      %add3A_244 = arith.addf %mul3A_242, %mul3A_243 : vector<16xf32>
      %mul3A_245 = arith.mulf %get3A_241, %add3A_244 : vector<16xf32>
      %add3A_246 = arith.addf %add3A_226, %mul3A_245 : vector<16xf32>
      %add3A_247 = arith.constant 2048 : i32
      %add3A_248 = arith.addi %add3A_247, %mul3A_159 : i32
      %swap3A_249 = arith.index_cast %add3A_248 : i32 to index
      %swap3A_250 = tpu.vector_load %arg9[%swap3A_249] {strides = array<i32>} : memref<4096xf32, #tpu.memory_space<vmem>>, vector<16xf32>,
      tpu.vector_store %arg9[%swap3A_249], %add3A_246 {strides = array<i32>} : memref<4096xf32, #tpu.memory_space<vmem>>, vector<16xf32>,
    }
    %scan3A_46 = arith.constant 128 : i32
    %add3A_47 = arith.constant 63488 : i32
    %add3A_48 = arith.addi %mul3A_2, %add3A_47 : i32
    %dma_start3A_49 = arith.constant 2048 : i32
    %dma_start3A_50 = tpu.memref_slice %arg9[%dma_start3A_49] : memref<4096xf32, #tpu.memory_space<vmem>> -> memref<2048xf32, #tpu.memory_space<vmem>>
    %dma_start3A_51 = tpu.memref_slice %arg4[%add3A_48] : memref<2097152xf32, #tpu.memory_space<hbm>> -> memref<2048xf32, #tpu.memory_space<hbm>>
    %dma_start3A_52 = tpu.memref_slice %arg4[%add3A_48] : memref<2097152xf32, #tpu.memory_space<hbm>> -> memref<2048xf32, #tpu.memory_space<hbm>>
    %dma_start3A_53 = arith.constant 2048 : i32
    %dma_start3A_54 = tpu.memref_slice %arg9[%dma_start3A_53] : memref<4096xf32, #tpu.memory_space<vmem>> -> memref<2048xf32, #tpu.memory_space<vmem>>
    tpu.enqueue_dma source(%dma_start3A_54 : memref<2048xf32, #tpu.memory_space<vmem>>) target(%dma_start3A_52 : memref<2048xf32, #tpu.memory_space<hbm>>) target_semaphore(%arg15 : memref<!tpu.dma_semaphore, #tpu.memory_space<semaphore_mem>>)
    %dma_wait3A_55 = arith.constant 0 : i32
    %dma_wait3A_56 = tpu.memref_slice %arg9[%dma_wait3A_55] : memref<4096xf32, #tpu.memory_space<vmem>> -> memref<2048xf32, #tpu.memory_space<vmem>>
    %dma_wait3A_57 = tpu.memref_slice %arg4[%mul3A_2] : memref<2097152xf32, #tpu.memory_space<hbm>> -> memref<2048xf32, #tpu.memory_space<hbm>>
    %dma_wait3A_58 = tpu.memref_slice %arg4[%mul3A_2] : memref<2097152xf32, #tpu.memory_space<hbm>> -> memref<2048xf32, #tpu.memory_space<hbm>>
    %dma_wait3A_59 = arith.constant 0 : i32
    %dma_wait3A_60 = tpu.memref_slice %arg9[%dma_wait3A_59] : memref<4096xf32, #tpu.memory_space<vmem>> -> memref<2048xf32, #tpu.memory_space<vmem>>
    tpu.wait_dma2 semaphore(%arg14 : memref<!tpu.dma_semaphore, #tpu.memory_space<semaphore_mem>>) src(%dma_wait3A_60 : memref<2048xf32, #tpu.memory_space<vmem>>) dst(%dma_wait3A_58 : memref<2048xf32, #tpu.memory_space<hbm>>)
    %dma_wait3A_61 = arith.constant 2048 : i32
    %dma_wait3A_62 = tpu.memref_slice %arg9[%dma_wait3A_61] : memref<4096xf32, #tpu.memory_space<vmem>> -> memref<2048xf32, #tpu.memory_space<vmem>>
    %dma_wait3A_63 = tpu.memref_slice %arg4[%mul3A_2] : memref<2097152xf32, #tpu.memory_space<hbm>> -> memref<2048xf32, #tpu.memory_space<hbm>>
    %dma_wait3A_64 = tpu.memref_slice %arg4[%mul3A_2] : memref<2097152xf32, #tpu.memory_space<hbm>> -> memref<2048xf32, #tpu.memory_space<hbm>>
    %dma_wait3A_65 = arith.constant 2048 : i32
    %dma_wait3A_66 = tpu.memref_slice %arg9[%dma_wait3A_65] : memref<4096xf32, #tpu.memory_space<vmem>> -> memref<2048xf32, #tpu.memory_space<vmem>>
    tpu.wait_dma2 semaphore(%arg15 : memref<!tpu.dma_semaphore, #tpu.memory_space<semaphore_mem>>) src(%dma_wait3A_66 : memref<2048xf32, #tpu.memory_space<vmem>>) dst(%dma_wait3A_64 : memref<2048xf32, #tpu.memory_space<hbm>>)
    return
  }
}

module attributes {stable_mosaic.version = 14 : i64} {
  func.func @_pack_body(%arg0: i32, %arg1: i32, %arg2: memref<2048x128xf32, #tpu.memory_space<vmem>>, %arg3: memref<2048x128xf32, #tpu.memory_space<vmem>>, %arg4: memref<2048x128xi32, #tpu.memory_space<vmem>>) attributes {dimension_semantics = [#tpu.dimension_semantics<arbitrary>, #tpu.dimension_semantics<arbitrary>], iteration_bounds = array<i64: 32, 2>, scalar_prefetch = 0 : i64, scratch_operands = 0 : i64, tpu.core_type = #tpu.core_type<tc>, window_params = [{transform_indices = @transform_0, window_bounds = array<i64: 2048, 128>}, {transform_indices = @transform_1, window_bounds = array<i64: 2048, 128>}, {transform_indices = @transform_2, window_bounds = array<i64: 2048, 128>}]} {
    %get3A = arith.constant 0 : index
    %get3A_0 = arith.constant 0 : index
    %get3A_1 = vector.load %arg2[%get3A, %get3A_0] : memref<2048x128xf32, #tpu.memory_space<vmem>>, vector<2048x128xf32>
    %slice3A = vector.extract_strided_slice %get3A_1 {offsets = [0, 1], sizes = [2048, 127], strides = [1, 1]} : vector<2048x128xf32> to vector<2048x127xf32>
    %get3A_2 = arith.constant 0 : index
    %get3A_3 = arith.constant 0 : index
    %get3A_4 = vector.load %arg3[%get3A_2, %get3A_3] : memref<2048x128xf32, #tpu.memory_space<vmem>>, vector<2048x1xf32>
    %concatenate3A = tpu.concatenate %slice3A, %get3A_4 in 1 : vector<2048x127xf32>, vector<2048x1xf32> -> vector<2048x128xf32>
    %convert_element_type3A = arith.truncf %get3A_1 : vector<2048x128xf32> to vector<2048x128xbf16>
    %bitcast_convert_type3A = tpu.bitcast %convert_element_type3A : vector<2048x128xbf16> -> vector<2048x128xi16>
    %convert_element_type3A_5 = arith.extui %bitcast_convert_type3A : vector<2048x128xi16> to vector<2048x128xi32>
    %convert_element_type3A_6 = arith.truncf %concatenate3A : vector<2048x128xf32> to vector<2048x128xbf16>
    %bitcast_convert_type3A_7 = tpu.bitcast %convert_element_type3A_6 : vector<2048x128xbf16> -> vector<2048x128xi16>
    %convert_element_type3A_8 = arith.extui %bitcast_convert_type3A_7 : vector<2048x128xi16> to vector<2048x128xi32>
    %shift_left3A = arith.constant 16 : i32
    %shift_left3A_9 = vector.broadcast %shift_left3A : i32 to vector<2048x128xi32>
    %shift_left3A_10 = arith.shli %convert_element_type3A_8, %shift_left3A_9 : vector<2048x128xi32>
    %or3A = arith.ori %convert_element_type3A_5, %shift_left3A_10 : vector<2048x128xi32>
    %swap3A = arith.constant 0 : index
    %swap3A_11 = arith.constant 0 : index
    %swap3A_12 = vector.load %arg4[%swap3A, %swap3A_11] : memref<2048x128xi32, #tpu.memory_space<vmem>>, vector<2048x128xi32>
    tpu.vector_store %arg4[%swap3A, %swap3A_11], %or3A {strides = array<i32>} : memref<2048x128xi32, #tpu.memory_space<vmem>>, vector<2048x128xi32>,
    return
  }
  func.func @transform_0(%arg0: i32, %arg1: i32) -> (i32, i32) {
    %c0_i32 = arith.constant 0 : i32
    return %arg0, %arg1 : i32, i32
  }
  func.func @transform_1(%arg0: i32, %arg1: i32) -> (i32, i32) {
    %c1_i32 = arith.constant 1 : i32
    %c0_i32 = arith.constant 0 : i32
    return %arg0, %c1_i32 : i32, i32
  }
  func.func @transform_2(%arg0: i32, %arg1: i32) -> (i32, i32) {
    %mul3A = arith.constant 32 : i32
    %mul3A_0 = arith.muli %arg1, %mul3A : i32
    %add3A = arith.addi %mul3A_0, %arg0 : i32
    %c0_i32 = arith.constant 0 : i32
    %c0_i32_1 = arith.constant 0 : i32
    return %add3A, %c0_i32 : i32, i32
  }
}

</mosaic_0001>

<sc_bundles>
// kernel: kernel.4.cloned.1.call-start
scs
__scs_entry_jumppad:
0x0: {  	(pc) =	sbr.rel $0x88, $3  }
0x1: {  	(tag) =	ssettag $0x0;
	lr =	simm.s32 $0x1  }
0x2: {  	[smem:$0x3F9F] =	sst lr;
	_ =	strace $0xD0000000  }
0x3: {  	_ = 	snop  }
0x4: {  	_ = 	snop  }
0x5: {  	_ = 	snop  }
0x6: {  	_ = 	snop  }
0x7: {  	_ = 	snop  }
__scs_overlays_trampoline_lowered:
0x8: {  	[smem:$0x3FAE] =	sst s0  }
0x9: {  	[smem:$0x3FAF] =	sst s1  }
0xa: {  	[smem:$0x3FB0] =	sst s2  }
0xb: {  	[smem:$0x3FB1] =	sst s3  }
0xc: {  	[smem:$0x3FB2] =	sst s4  }
0xd: {  	[smem:$0x3FB3] =	sst s5  }
0xe: {  	[smem:$0x3FB4] =	sst s6  }
0xf: {  	[smem:$0x3FB5] =	sst s7  }
0x10: {  	[smem:$0x3FB6] =	sst s8  }
0x11: {  	[smem:$0x3FB7] =	sst s9;
	s0 =	simm.s32 @!p0 $0x0  }
0x12: {  	s1 =	sld [smem:$0x3F9D];
	s0 =	simm.s32 @p0 $0x1  }
0x13: {  	[smem:$0x3FB8] =	sst s0;
	s0 =	simm.s32 @!p1 $0x0  }
0x14: {  	s2 =	sld [smem:$0x3F9C];
	s0 =	simm.s32 @p1 $0x1  }
0x15: {  	[smem:$0x3FB9] =	sst s0;
	s0 =	simm.s32 @!p2 $0x0  }
0x16: {  	s3 =	sld [smem:$0x3FDB];
	s0 =	simm.s32 @p2 $0x1  }
0x17: {  	s4 =	simm.s32 $0x1BF5;
	[smem:$0x3FBB] =	sst s0  }
0x18: {  	s0 =	sld [smem:$0x3F9E];
	_ =	swait.ge [sflag:s4], $0x0  }
0x19: {  	s7 =	sld [smem:$0x3F9F]  }
0x1a: {  	s8 =	sadd.s32 $0xFFFFE003, lr  }
0x1b: {  	s9 =	sadd.s32 $0xFFFFFEF7, lr;
	s5 =	simm.s32 $0xFFFFFFFF;
	p2 =	slt.u32 s8, $0xFFFFF086  }
0x1c: {  	p1 =	slt.u32 s9, $0xF7A;
	s5 =	simm.s32 @!p2 $0x0  }
0x1d: {  	s5 =	simm.s32 @p1 $0x1;
	p0 =	seq.s32 s7, s2  }
0x1e: {  	s7 =	smul.u32 @!p0 $0xF7A, s2;
	p2 =	seq.s32 @!p0 s5, $0x0  }
0x1f: {  	s9 =	smul.u32 $0xF7A, s1;
	s8 =	simm.s32 @!p0 $0x1BF5;
	p2 =	por !p2, p0  }
0x20: {  	[sflag:s8] =	ssyncset.s32 @!p0 $0xFFFFF086;
	s6 =	sadd.s32 @!p0 s3, s7;
	s7 =	simm.s32 @!p0 $0x108  }
0x21: {  	s3 =	sadd.s32 s3, s9;
	s6 =	sadd.s32 @!p0 $0x88, s6;
	s7 =	simm.s32 @p2 $0x1082  }
0x22: {  	[simem:s7], [sflag:s8] =	dma.local @!p0 [hbm:s6], $0xF7A  }
0x23: {  	s9 =	sor.u32 $0xD0000000, s2;
	s6 =	simm.s32 $0x108;
	_ =	swait.ge @!p0 [sflag:s8], $0x0  }
0x24: {  	s3 =	sadd.s32 $0x88, s3;
	s6 =	simm.s32 @!p1 $0x1082;
	[sflag:s4] =	ssyncset.s32 $0xFFFFF086  }
0x25: {  	[simem:s6], [sflag:s4] =	dma.local [hbm:s3], $0xF7A  }
0x26: {  	[smem:$0x3F9F] =	sst s1;
	(tag) =	ssettag s2;
	_ =	strace s9  }
0x27: {  	s1 =	sld [smem:$0x3FAF]  }
0x28: {  	s2 =	sld [smem:$0x3FB0]  }
0x29: {  	s4 =	sld [smem:$0x3FB2]  }
0x2a: {  	p0 =	seq.s32 s5, $0x0;
	s5 =	sld [smem:$0x3FB3]  }
0x2b: {  	s6 =	sld [smem:$0x3FB4]  }
0x2c: {  	s7 =	sld [smem:$0x3FB5]  }
0x2d: {  	s3 =	simm.s32 $0x108;
	s8 =	sld [smem:$0x3FB6]  }
0x2e: {  	s3 =	simm.s32 @!p0 $0x1082;
	s9 =	sld [smem:$0x3FB7]  }
0x2f: {  	lr =	sadd.s32 s0, s3;
	s0 =	sld [smem:$0x3FAE]  }
0x30: {  	s3 =	sld [smem:$0x3FB1]  }
0x31: {  	[smem:$0x3FBA] =	sst s10  }
0x32: {  	s10 =	sld [smem:$0x3FB8];
	_ =	sdelay $0x3  }
0x33: {  	p0 =	seq.s32 s10, $0x1;
	s10 =	sld [smem:$0x3FBA];
	_ =	sdelay $0x3  }
0x34: {  	[smem:$0x3FBA] =	sst s10  }
0x35: {  	s10 =	sld [smem:$0x3FB9];
	_ =	sdelay $0x3  }
0x36: {  	p1 =	seq.s32 s10, $0x1;
	s10 =	sld [smem:$0x3FBA];
	_ =	sdelay $0x3  }
0x37: {  	[smem:$0x3FBA] =	sst s10  }
0x38: {  	s10 =	sld [smem:$0x3FBB]  }
0x39: {  	_ = 	snop;
	(pc) =	sbr.ind lr, $3  }
0x3a: {  	_ = 	snop  }
0x3b: {  	_ = 	snop  }
0x3c: {  	p2 =	seq.s32 s10, $0x1;
	s10 =	sld [smem:$0x3FBA]  }
0x3d: {  	_ =	shalt  }
0x3e: {  	_ =	shalt  }
0x3f: {  	_ =	shalt  }
0x40: {  	_ =	shalt  }
0x41: {  	_ =	shalt  }
0x42: {  	_ =	shalt  }
0x43: {  	_ =	shalt  }
0x44: {  	_ =	shalt  }
0x45: {  	_ =	shalt  }
0x46: {  	_ =	shalt  }
0x47: {  	_ =	shalt  }
0x48: {  	_ =	shalt  }
0x49: {  	_ =	shalt  }
0x4a: {  	_ =	shalt  }
0x4b: {  	_ =	shalt  }
0x4c: {  	_ =	shalt  }
0x4d: {  	_ =	shalt  }
0x4e: {  	_ =	shalt  }
0x4f: {  	_ =	shalt  }
0x50: {  	_ =	shalt  }
0x51: {  	_ =	shalt  }
0x52: {  	_ =	shalt  }
0x53: {  	_ =	shalt  }
0x54: {  	_ =	shalt  }
0x55: {  	_ =	shalt  }
0x56: {  	_ =	shalt  }
0x57: {  	_ =	shalt  }
0x58: {  	_ =	shalt  }
0x59: {  	_ =	shalt  }
0x5a: {  	_ =	shalt  }
0x5b: {  	_ =	shalt  }
0x5c: {  	_ =	shalt  }
0x5d: {  	_ =	shalt  }
0x5e: {  	_ =	shalt  }
0x5f: {  	_ =	shalt  }
0x60: {  	_ =	shalt  }
0x61: {  	_ =	shalt  }
0x62: {  	_ =	shalt  }
0x63: {  	_ =	shalt  }
0x64: {  	_ =	shalt  }
0x65: {  	_ =	shalt  }
0x66: {  	_ =	shalt  }
0x67: {  	_ =	shalt  }
0x68: {  	_ =	shalt  }
0x69: {  	_ =	shalt  }
0x6a: {  	_ =	shalt  }
0x6b: {  	_ =	shalt  }
0x6c: {  	_ =	shalt  }
0x6d: {  	_ =	shalt  }
0x6e: {  	_ =	shalt  }
0x6f: {  	_ =	shalt  }
0x70: {  	_ =	shalt  }
0x71: {  	_ =	shalt  }
0x72: {  	_ =	shalt  }
0x73: {  	_ =	shalt  }
0x74: {  	_ =	shalt  }
0x75: {  	_ =	shalt  }
0x76: {  	_ =	shalt  }
0x77: {  	_ =	shalt  }
0x78: {  	_ =	shalt  }
0x79: {  	_ =	shalt  }
0x7a: {  	_ =	shalt  }
0x7b: {  	_ =	shalt  }
0x7c: {  	_ =	shalt  }
0x7d: {  	_ =	shalt  }
0x7e: {  	_ =	shalt  }
0x7f: {  	_ =	shalt  }
0x80: {  	_ =	shalt  }
0x81: {  	_ =	shalt  }
0x82: {  	_ =	shalt  }
0x83: {  	_ =	shalt  }
0x84: {  	_ =	shalt  }
0x85: {  	_ =	shalt  }
0x86: {  	_ =	shalt  }
0x87: {  	_ =	shalt  }
.Lfunc_end0:
.L_simem_size_0:
called_computation_lowered:
.L_overlay_start_0:
0x88: {  	s2 =	sld [smem:$0x3FD9]  }
0x89: {  	s3 =	sld [smem:$0x3FFE];
	_ =	sdelay $0x1  }
0x8a: {  	s1 =	srdreg.scid  }
0x8b: {  	s0 =	sand.u32 $0x1, s1  }
0x8c: {  	s17 =	sshll.u32 s0, $0xA;
	s2 =	sadd.s32 s3, s2  }
0x8d: {  	s2 =	sadd.s32 s2, s17  }
0x8e: {  	[smem:$0x3FC6] =	sst s2  }
0x8f: {  	_ = 	snop  }
0x90: {  	s2 =	sld [smem:$0x3FC8]  }
0x91: {  	s18 =	sld [smem:$0x3FD0];
	(tm) =	ssettm $0x1  }
0x92: {  	s4 =	sld [smem:$0x3FFB];
	_ =	sdelay $0x3  }
0x93: {  	_ =	strace s4  }
0x94: {  	s4 =	sld [smem:$0x3FFC];
	_ =	sdelay $0x3  }
0x95: {  	_ =	strace s4  }
0x96: {  	s4 =	sld [smem:$0x3FFD];
	_ =	sdelay $0x3  }
0x97: {  	_ =	strace s4  }
0x98: {  	_ =	strace $0x8FFFFFFF  }
0x99: {  	s19 =	sld [smem:$0x3FDB];
	_ =	sdelay $0x1  }
0x9a: {  	s5 =	simm.s32 $_scs_section_size  }
0x9b: {  	s6 =	simm.s32 $_size__tile_overlayer_lowered;
	s7 =	simm.s32 $_tile_overlayer_lowered  }
0x9c: {  	s22 =	simm.s32 $0x1BFF;
	s21 =	sshll.u32 s7, $0x1;
	s4 =	sadd.s32 s5, s19  }
0x9d: {  	s8 =	simm.s32 $0x0;
	s20 =	sshll.u32 s6, $0x1;
	s6 =	sadd.s32 s21, s4  }
0x9e: {  	[timem:s8], [sflag:s22] =	dma.local [hbm:s6], s20  }
0x9f: {  	_ =	swait.ge [sflag:s22], s20  }
0xa0: {  	s5 =	ssub.s32 $0x0, s20;
	[sflag:s22] =	ssyncset.done $0x0  }
0xa1: {  	[sflag:s22] =	ssyncadd.s32 s5;
	_ =	sdelay $0x1  }
0xa2: {  	s23 =	simm.s32 $0x1B8B  }
0xa3: {  	_ =	swait.ge [sflag:s23], $0x1  }
0xa4: {  	[sflag:s23] =	ssyncset.done $0x0  }
0xa5: {  	s25 =	simm.s32 $0x1B8E;
	s24 =	sld [smem:$0x3FFE];
	[sflag:s23] =	ssyncadd.s32 $0xFFFFFFFF  }
0xa6: {  	s26 =	simm.s32 $execute0_lowered;
	[smem:$0x3FD2] =	sst s25  }
0xa7: {  	s6 =	sshll.u32 s26, $0x1;
	_ =	strace $0x80000046;
	[dreg:$0x1] =	wrdreg $0xFFFFFFFF  }
0xa8: {  	s28 =	simm.s32 $_size_execute0_lowered;
	s4 =	sadd.s32 s4, s6;
	[dreg:$0x0] =	wrdreg $0x0  }
0xa9: {  	s6 =	sshll.u32 s28, $0x1;
	[dreg:$0x2] =	wrdreg s4  }
0xaa: {  	[dreg:$0x3] =	wrdreg s6  }
0xab: {  	[dreg:$0x4] =	wrdreg $0xC0  }
0xac: {  	_ =	task [dreg:s8], $0x5FFFF  }
0xad: {  	[dreg:$0x1] =	wrdreg $0xFFFFFFFF  }
0xae: {  	[dreg:$0x0] =	wrdreg $0x60  }
0xaf: {  	[dreg:$0x2] =	wrdreg s24  }
0xb0: {  	[dreg:$0x3] =	wrdreg s2  }
0xb1: {  	[dreg:$0x4] =	wrdreg s18  }
0xb2: {  	[dreg:$0x5] =	wrdreg $0x9  }
0xb3: {  	_ =	task.clear_ibuf [dreg:s8], $0x6FFFF;
	_ =	strace $0x90000046  }
0xb4: {  	s29 =	simm.s32 $0x9;
	_ =	strace $0x80000048  }
0xb5: {  	_ =	swait.ge [sflag:s29], $0x1  }
0xb6: {  	[sflag:s29] =	ssyncadd.s32 $0xFFFFFFFF  }
0xb7: {  	_ =	strace $0x90000048  }
0xb8: {  	_ =	sfence  }
0xb9: {  	s30 =	sld [smem:$0x0];
	_ =	sdelay $0x2  }
0xba: {  	s31 =	sshll.u32 s1, $0xD;
	s1 =	sshrl.u32 s1, $0x2  }
0xbb: {  	s3 =	sand.u32 $0x4000, s31;
	s1 =	sadd.s32 s1, s30  }
0xbc: {  	s0 =	sor.u32 s3, s0;
	s1 =	sshll.u32 s1, $0x11  }
0xbd: {  	s0 =	sor.u32 s1, s0  }
0xbe: {  	s0 =	sadd.s32 $0x8F2B, s0  }
0xbf: {  	[sflag:s0] =	ssyncadd.remote.s32 $0x1  }
0xc0: {  	_ =	sfence.sel $0xFFFF  }
0xc1: {  	[dreg:$0x0] =	wrdreg $0xFFFFFFFF;
	(pc) =	sbr.abs _section_cstart, $3  }
0xc2: {  	[dreg:$0x1] =	wrdreg $0xFFFFFFFF  }
0xc3: {  	_ =	task.clear_ibuf [dreg:s8], $0x2FFFF;
	_ =	strace $0x9FFFFFFF  }
0xc4: {  	(tm) =	ssettm $0x7FFFFFFF  }
0xc5: {  	_ =	shalt  }
tec
execute0_lowered:
.L_overlay_start_1:
0x0: {  	(tag) =	ssettag $0x1  }
0x1: {  	s0 =	rddreg [dreg:$0x0]  }
0x2: {  	s1 =	rddreg [dreg:$0x1]  }
0x3: {  	s2 =	rddreg [dreg:$0x2];
	s4 =	simm.s32 $0x0  }
0x4: {  	s3 =	srdreg.scid;
	s5 =	stileid.u32;
	s18 =	simm.s32 $0x1  }
0x5: {  	s19 =	simm.s32 $0x2000;
	s23 =	simm.s32 $0x2800;
	s28 =	simm.s32 $0x2  }
0x6: {  	s29 =	simm.s32 $0x5000;
	s30 =	simm.s32 $0xF000;
	s31 =	simm.s32 $0x3  }
0x7: {  	[smem:$0x7FF] =	sst s4;
	s3 =	sand.u32 $0x1, s3;
	s6 =	sshll.u32 s5, $0x11  }
0x8: {  	s5 =	sadd.s32 $0x400, s0;
	s7 =	ssub.s32 $0x2, s3;
	s3 =	sshll.u32 s3, $0x10  }
0x9: {  	s10 =	sadd.s32 $0x80000, s1;
	s24 =	sshrl.u32 s7, $0x1;
	s6 =	sor.u32 s3, s6  }
0xa: {  	_ =	strace $0x80000047;
	s0 =	ssub.s32 s7, s24;
	s3 =	sshrl.u32 s6, $0x3  }
0xb: {  	s7 =	sadd.s32 $0x40000, s1;
	s12 =	sadd.s32 $0xFFFFF800, s6;
	s8 =	sadd.s32 s1, s3  }
0xc: {  	s13 =	sor.u32 $0x1000, s6;
	s25 =	sadd.s32 s3, s7;
	[dreg:$0x4] =	wrdreg s8  }
0xd: {  	s24 =	simm.s32 $0x6;
	s26 =	sadd.s32 s3, s10;
	[dreg:$0x5] =	wrdreg s25  }
0xe: {  	s3 =	sadd.s32 s3, s2;
	s0 =	smax.u32 s0, $0x1;
	[dreg:$0x6] =	wrdreg s26  }
0xf: {  	s3 =	sadd.s32 $0x1F00, s3;
	[dreg:$0x8] =	wrdreg s0;
	s25 =	simm.s32 $0x4  }
0x10: {  	v0 =	vimm.s32 $0x0;
	s0 =	simm.s32 $0x11000;
	s8 =	simm.s32 $0x0;
	[dreg:$0x7] =	wrdreg s3  }
.LBB2_1:
0x11: {  	[dreg:$0x9] =	wrdreg s8  }
0x12: {  	s3 =	rddreg [dreg:$0x4]  }
0x13: {  	[tilespmem:s4], [sflag:$0x1] =	stream.linear.gather [hbm4b:s3+s4], $0x800, $0x38;
	[tilespmem:$0x12000] =	vst v63  }
0x14: {  	s20 =	rddreg [dreg:$0x5];
	s21 =	simm.s32 $0x800  }
0x15: {  	[tilespmem:s21], [sflag:$0x1] =	stream.linear.gather [hbm4b:s20+s4], $0x800, $0x38;
	[tilespmem:$0x12000] =	vst v63  }
0x16: {  	s22 =	rddreg [dreg:$0x6];
	s26 =	simm.s32 $0x1000;
	s17 =	simm.s32 $0x0  }
0x17: {  	[tilespmem:s26], [sflag:$0x1] =	stream.linear.gather [hbm4b:s22+s4], $0x800, $0x38;
	[tilespmem:$0x12000] =	vst v63  }
.LBB2_2:
0x18: {  	_ =	swait.ge [sflag:s18], $0x800  }
0x19: {  	[sflag:s18] =	ssyncset.done $0x0  }
0x1a: {  	[sflag:s18] =	ssyncadd.s32 $0xFFFFF800  }
0x1b: {  	_ =	swait.ge [sflag:s18], $0x800  }
0x1c: {  	[sflag:s18] =	ssyncset.done $0x0  }
0x1d: {  	[sflag:s18] =	ssyncadd.s32 $0xFFFFF800  }
0x1e: {  	_ =	swait.ge [sflag:s18], $0x800  }
0x1f: {  	[sflag:s18] =	ssyncset.done $0x0  }
0x20: {  	s11 =	simm.s32 $0x810;
	[sflag:s18] =	ssyncadd.s32 $0xFFFFF800  }
0x21: {  	v1 =	vld [tilespmem:s11+$0xFFFFF7F0]  }
0x22: {  	v3 =	vld [tilespmem:s11+$0xFFFFFFF0]  }
0x23: {  	v2 =	vld [tilespmem:s11+$0x7F0];
	_ =	sdelay $0x3  }
0x24: {  	v1 =	vmul.f32 $1.280000000e+02, v1;
	v3 =	vmul.f32 $1.280000000e+02, v3  }
0x25: {  	v2 =	vmul.f32 $1.280000000e+02, v2  }
0x26: {  	v1 =	vadd.f32 $1.275000000e+02, v1;
	v3 =	vadd.f32 $1.275000000e+02, v3  }
0x27: {  	v2 =	vadd.f32 $1.275000000e+02, v2  }
0x28: {  	v4 =	vtrunc.f32 v1;
	v6 =	vtrunc.f32 v3  }
0x29: {  	v5 =	vcvt.f32.s32 v4;
	vm0 =	vlt.f32 v1, v4;
	v4 =	vtrunc.f32 v2  }
0x2a: {  	v8 =	vcvt.f32.s32 v6;
	v7 =	vsel vm0, $0xFFFFFFFF, v0;
	vm0 =	vlt.f32 v3, v6  }
0x2b: {  	v6 =	vcvt.f32.s32 v4;
	v5 =	vadd.s32 v5, v7;
	v7 =	vsel vm0, $0xFFFFFFFF, v0  }
0x2c: {  	vm1 =	vlt.f32 v2, v4;
	vm0 =	vgt.s32 v5, $0x0;
	v4 =	vadd.s32 v8, v7  }
0x2d: {  	v8 =	vsel vm1, $0xFFFFFFFF, v0;
	v7 =	vnsel vm0, $0x0, v5;
	v9 =	vcvt.s32.f32 v4  }
0x2e: {  	v10 =	vadd.s32 $0x1, v4;
	vm0 =	vgt.s32 v4, $0x0;
	v6 =	vadd.s32 v6, v8  }
0x2f: {  	vm1 =	vlt.u32 v4, $0x100;
	v7 =	vmin.u32 v7, $0xFF;
	v11 =	vnsel vm0, $0x0, v4  }
0x30: {  	vm0 =	vgt.s32 v10, $0x0;
	v3 =	vsub.f32 v3, v9;
	v9 =	vmin.u32 v11, $0xFF  }
0x31: {  	v11 =	vand.u32 $0x7F, v7;
	v12 =	vnsel vm0, $0x0, v10;
	v7 =	vshll.u32 v7, $0x10  }
0x32: {  	vm0 =	vlt.u32 v10, $0x100;
	v10 =	vcvt.s32.f32 v6;
	v9 =	vshll.u32 v9, $0x7  }
0x33: {  	v7 =	vand.u32 $0x800000, v7;
	v4 =	vmin.u32 v12, $0xFF;
	v8 =	vsub.f32 $1.000000000e+00, v3  }
0x34: {  	v7 =	vor.u32 v11, v7;
	v2 =	vsub.f32 v2, v10;
	v4 =	vshll.u32 v4, $0x7  }
0x35: {  	v10 =	vadd.s32 $0x1, v6;
	v8 =	vnsel vm1, $0x0, v8;
	vm1 =	vgt.s32 v6, $0x0  }
0x36: {  	v9 =	vor.u32 v9, v7;
	v12 =	vsub.f32 $1.000000000e+00, v2;
	v11 =	vnsel vm1, $0x0, v6  }
0x37: {  	v4 =	vor.u32 v4, v7;
	vm1 =	vlt.u32 v6, $0x100;
	v7 =	vmin.u32 v11, $0xFF  }
0x38: {  	v3 =	vnsel vm0, $0x0, v3;
	v6 =	vnsel vm1, $0x0, v12;
	v7 =	vshll.u32 v7, $0xF  }
0x39: {  	s8 =	simm.s32 $0x4000;
	vm1 =	vgt.s32 v10, $0x0;
	v13 =	vmul.f32 v6, v8;
	v12 =	vor.u32 v7, v9  }
0x3a: {  	s9 =	simm.s32 $0x8800;
	vm0 =	vlt.u32 v10, $0x100;
	v11 =	vnsel vm1, $0x0, v10;
	[tilespmem:s8+$0xFFFFF000] =	vst v12;
	v12 =	vcvt.s32.f32 v5  }
0x3b: {  	v6 =	vmul.f32 v6, v3;
	v11 =	vmin.u32 v11, $0xFF;
	v7 =	vor.u32 v7, v4;
	[tilespmem:s9+$0xFFFFE800] =	vst v13  }
0x3c: {  	v2 =	vnsel vm0, $0x0, v2;
	v10 =	vshll.u32 v11, $0xF;
	v1 =	vsub.f32 v1, v12;
	[tilespmem:s8+$0xFFFFF800] =	vst v7  }
0x3d: {  	v8 =	vmul.f32 v8, v2;
	v7 =	vor.u32 v10, v9;
	[tilespmem:s9+$0xFFFFF000] =	vst v6  }
0x3e: {  	vm0 =	vlt.u32 v5, $0x100;
	v6 =	vadd.s32 $0x1, v5;
	v9 =	vsub.f32 $1.000000000e+00, v1;
	[tilespmem:s8+$0x0] =	vst v7  }
0x3f: {  	v2 =	vmul.f32 v2, v3;
	v4 =	vor.u32 v10, v4;
	vm1 =	vlt.u32 v6, $0x100;
	[tilespmem:s9+$0xFFFFF800] =	vst v8  }
0x40: {  	s3 =	simm.s32 $0x0;
	v1 =	vnsel vm1, $0x0, v1;
	v3 =	vnsel vm0, $0x0, v9;
	vm0 =	vgt.s32 v5, $0xFFFFFFFF;
	[tilespmem:s8+$0x800] =	vst v4  }
0x41: {  	s14 =	sand.u32 $0x7E0, s3;
	v3 =	vsel vm0, v3, v1;
	[tilespmem:s9+$0x0] =	vst v2  }
0x42: {  	v1 =	vnsel vm0, $0x0, v1;
	[tilespmem:s14+$0x9000] =	vst v3  }
0x43: {  	[tilespmem:s14+$0x9800] =	vst v1  }
0x44: {  	v1 =	vld [tilespmem:s11+$0xFFFFF800]  }
0x45: {  	v2 =	vld [tilespmem:s11+$0x0]  }
0x46: {  	v3 =	vld [tilespmem:s11+$0x800];
	_ =	sdelay $0x2  }
0x47: {  	v1 =	vmul.f32 $1.280000000e+02, v1  }
0x48: {  	v2 =	vmul.f32 $1.280000000e+02, v2  }
0x49: {  	v4 =	vmul.f32 $1.280000000e+02, v3;
	v1 =	vadd.f32 $1.275000000e+02, v1  }
0x4a: {  	v3 =	vadd.f32 $1.275000000e+02, v2  }
0x4b: {  	v4 =	vadd.f32 $1.275000000e+02, v4;
	v2 =	vtrunc.f32 v1  }
0x4c: {  	v5 =	vcvt.f32.s32 v2;
	vm0 =	vlt.f32 v1, v2;
	v2 =	vtrunc.f32 v3  }
0x4d: {  	v6 =	vsel vm0, $0xFFFFFFFF, v0;
	v7 =	vcvt.f32.s32 v2;
	vm0 =	vlt.f32 v3, v2  }
0x4e: {  	v2 =	vadd.s32 v5, v6;
	v5 =	vsel vm0, $0xFFFFFFFF, v0;
	v6 =	vtrunc.f32 v4  }
0x4f: {  	vm0 =	vgt.s32 v2, $0x0;
	v10 =	vcvt.f32.s32 v6;
	vm1 =	vlt.f32 v4, v6  }
0x50: {  	v8 =	vadd.s32 v7, v5;
	v6 =	vnsel vm0, $0x0, v2;
	v5 =	vsel vm1, $0xFFFFFFFF, v0  }
0x51: {  	v7 =	vcvt.s32.f32 v8;
	v9 =	vmin.u32 v6, $0xFF;
	v11 =	vadd.s32 v10, v5  }
0x52: {  	s15 =	simm.s32 $0x4020;
	v6 =	vadd.s32 $0x1, v8;
	v10 =	vcvt.s32.f32 v11;
	v12 =	vshll.u32 v9, $0x10  }
0x53: {  	s16 =	simm.s32 $0x830;
	s14 =	simm.s32 $0x0;
	s11 =	simm.s32 $0x8800;
	vm0 =	vlt.u32 v11, $0x100;
	v5 =	vadd.s32 $0x1, v11;
	v12 =	vand.u32 $0x800000, v12  }
.LBB2_3:
0x54: {  	s14 =	sadd.s32 $0x2, s14;
	vm1 =	vlt.u32 v8, $0x100;
	vm2 =	vgt.s32 v8, $0x0;
	vm3 =	vgt.s32 v11, $0x0;
	s3 =	sadd.s32 $0x20, s3;
	s9 =	sadd.s32 $0x20, s9  }
0x55: {  	v9 =	vand.u32 $0x7F, v9;
	p0 =	slt.u32 s14, $0x7E;
	v8 =	vnsel vm2, $0x0, v8;
	v11 =	vnsel vm3, $0x0, v11  }
0x56: {  	v4 =	vsub.f32 v4, v10;
	v9 =	vor.u32 v9, v12;
	v8 =	vmin.u32 v8, $0xFF  }
0x57: {  	v3 =	vsub.f32 v3, v7;
	vm2 =	vgt.s32 v6, $0x0;
	v7 =	vmin.u32 v11, $0xFF  }
0x58: {  	v10 =	vcvt.s32.f32 v2;
	v11 =	vsub.f32 $1.000000000e+00, v4;
	v8 =	vshll.u32 v8, $0x7  }
0x59: {  	v12 =	vnsel vm2, $0x0, v6;
	v7 =	vshll.u32 v7, $0xF;
	v8 =	vor.u32 v8, v9  }
0x5a: {  	v13 =	vsub.f32 $1.000000000e+00, v3;
	v11 =	vnsel vm0, $0x0, v11;
	v14 =	vor.u32 v7, v8  }
0x5b: {  	vm2 =	vlt.u32 v5, $0x100;
	vm0 =	vlt.u32 v6, $0x100;
	v6 =	vmin.u32 v12, $0xFF;
	[tilespmem:s8+$0xFFFFF010] =	vst v14  }
0x5c: {  	v12 =	vnsel vm1, $0x0, v13;
	vm1 =	vgt.s32 v5, $0x0;
	v6 =	vshll.u32 v6, $0x7  }
0x5d: {  	v5 =	vnsel vm1, $0x0, v5;
	v13 =	vmul.f32 v11, v12;
	v6 =	vor.u32 v6, v9  }
0x5e: {  	v4 =	vnsel vm2, $0x0, v4;
	v5 =	vmin.u32 v5, $0xFF;
	v7 =	vor.u32 v7, v6  }
0x5f: {  	v3 =	vnsel vm0, $0x0, v3;
	v9 =	vmul.f32 v12, v4;
	v5 =	vshll.u32 v5, $0xF;
	[tilespmem:s11+$0xFFFFE810] =	vst v13  }
0x60: {  	v11 =	vmul.f32 v11, v3;
	v3 =	vmul.f32 v4, v3;
	v8 =	vor.u32 v5, v8;
	[tilespmem:s8+$0xFFFFF810] =	vst v7  }
0x61: {  	v1 =	vsub.f32 v1, v10;
	v4 =	vadd.s32 $0x1, v2  }
0x62: {  	v5 =	vor.u32 v5, v6;
	[tilespmem:s11+$0xFFFFF010] =	vst v11  }
0x63: {  	v6 =	vsub.f32 $1.000000000e+00, v1;
	[tilespmem:s8+$0x10] =	vst v8  }
0x64: {  	vm0 =	vlt.u32 v2, $0x100;
	vm1 =	vlt.u32 v4, $0x100;
	[tilespmem:s11+$0xFFFFF810] =	vst v9  }
0x65: {  	vm2 =	vgt.s32 v2, $0xFFFFFFFF;
	v1 =	vnsel vm1, $0x0, v1;
	v2 =	vnsel vm0, $0x0, v6;
	[tilespmem:s8+$0x810] =	vst v5;
	s8 =	smov.u32 s15  }
0x66: {  	v2 =	vsel vm2, v2, v1;
	v1 =	vnsel vm2, $0x0, v1;
	[tilespmem:s11+$0x10] =	vst v3  }
0x67: {  	[tilespmem:s11+$0x1010] =	vst v1  }
0x68: {  	[tilespmem:s11+$0x810] =	vst v2;
	s11 =	smov.u32 s9  }
0x69: {  	v1 =	vld [tilespmem:s16+$0xFFFFF7F0]  }
0x6a: {  	v2 =	vld [tilespmem:s16+$0x7F0]  }
0x6b: {  	v3 =	vld [tilespmem:s16+$0xFFFFFFF0];
	_ =	sdelay $0x2  }
0x6c: {  	v1 =	vmul.f32 $1.280000000e+02, v1  }
0x6d: {  	v2 =	vmul.f32 $1.280000000e+02, v2  }
0x6e: {  	v1 =	vadd.f32 $1.275000000e+02, v1;
	v3 =	vmul.f32 $1.280000000e+02, v3  }
0x6f: {  	v2 =	vadd.f32 $1.275000000e+02, v2  }
0x70: {  	v4 =	vtrunc.f32 v1;
	v3 =	vadd.f32 $1.275000000e+02, v3  }
0x71: {  	v5 =	vcvt.f32.s32 v4;
	vm0 =	vlt.f32 v1, v4;
	v4 =	vtrunc.f32 v2  }
0x72: {  	v6 =	vsel vm0, $0xFFFFFFFF, v0;
	v7 =	vtrunc.f32 v3;
	v8 =	vcvt.f32.s32 v4  }
0x73: {  	v5 =	vadd.s32 v5, v6;
	v6 =	vcvt.f32.s32 v7;
	vm0 =	vlt.f32 v3, v7  }
0x74: {  	vm1 =	vgt.s32 v5, $0x0;
	v7 =	vsel vm0, $0xFFFFFFFF, v0;
	vm0 =	vlt.f32 v2, v4  }
0x75: {  	v4 =	vnsel vm1, $0x0, v5;
	v6 =	vadd.s32 v6, v7;
	v7 =	vsel vm0, $0xFFFFFFFF, v0  }
0x76: {  	v9 =	vadd.s32 $0x1, v6;
	v10 =	vcvt.s32.f32 v6;
	vm0 =	vgt.s32 v6, $0x0  }
0x77: {  	v4 =	vmin.u32 v4, $0xFF;
	v11 =	vnsel vm0, $0x0, v6;
	vm0 =	vgt.s32 v9, $0x0  }
0x78: {  	v3 =	vsub.f32 v3, v10;
	v10 =	vmin.u32 v11, $0xFF;
	v11 =	vand.u32 $0x7F, v4  }
0x79: {  	v12 =	vnsel vm0, $0x0, v9;
	v4 =	vshll.u32 v4, $0x10;
	v10 =	vshll.u32 v10, $0x7  }
0x7a: {  	vm0 =	vlt.u32 v9, $0x100;
	v4 =	vand.u32 $0x800000, v4;
	v13 =	vsub.f32 $1.000000000e+00, v3  }
0x7b: {  	vm1 =	vlt.u32 v6, $0x100;
	v6 =	vmin.u32 v12, $0xFF;
	v3 =	vnsel vm0, $0x0, v3  }
0x7c: {  	v7 =	vadd.s32 v8, v7;
	v4 =	vor.u32 v11, v4;
	v9 =	vnsel vm1, $0x0, v13  }
0x7d: {  	vm0 =	vgt.s32 v7, $0x0;
	v6 =	vshll.u32 v6, $0x7;
	v8 =	vor.u32 v10, v4  }
0x7e: {  	v10 =	vadd.s32 $0x1, v7;
	v11 =	vnsel vm0, $0x0, v7;
	v4 =	vor.u32 v6, v4  }
0x7f: {  	v6 =	vcvt.s32.f32 v7;
	v11 =	vmin.u32 v11, $0xFF;
	vm0 =	vgt.s32 v10, $0x0  }
0x80: {  	v12 =	vcvt.s32.f32 v5;
	v13 =	vnsel vm0, $0x0, v10;
	v11 =	vshll.u32 v11, $0xF  }
0x81: {  	v2 =	vsub.f32 v2, v6;
	v6 =	vmin.u32 v13, $0xFF;
	v13 =	vor.u32 v11, v8  }
0x82: {  	vm1 =	vlt.u32 v10, $0x100;
	vm0 =	vlt.u32 v7, $0x100;
	v6 =	vshll.u32 v6, $0xF;
	[tilespmem:s15+$0xFFFFF000] =	vst v13  }
0x83: {  	v7 =	vsub.f32 $1.000000000e+00, v2;
	v2 =	vnsel vm1, $0x0, v2;
	v8 =	vor.u32 v6, v8  }
0x84: {  	v10 =	vmul.f32 v9, v2;
	v6 =	vor.u32 v6, v4;
	v2 =	vmul.f32 v2, v3  }
0x85: {  	v1 =	vsub.f32 v1, v12;
	v12 =	vadd.s32 $0x1, v5;
	v7 =	vnsel vm0, $0x0, v7  }
0x86: {  	v4 =	vor.u32 v11, v4;
	v9 =	vmul.f32 v7, v9;
	v3 =	vmul.f32 v7, v3  }
0x87: {  	v7 =	vsub.f32 $1.000000000e+00, v1  }
0x88: {  	vm0 =	vlt.u32 v5, $0x100;
	[tilespmem:s9+$0xFFFFE800] =	vst v9  }
0x89: {  	v7 =	vnsel vm0, $0x0, v7;
	[tilespmem:s15+$0xFFFFF800] =	vst v4  }
0x8a: {  	[tilespmem:s9+$0xFFFFF000] =	vst v3  }
0x8b: {  	[tilespmem:s15+$0x0] =	vst v8  }
0x8c: {  	vm0 =	vlt.u32 v12, $0x100;
	[tilespmem:s9+$0xFFFFF800] =	vst v10  }
0x8d: {  	vm1 =	vgt.s32 v5, $0xFFFFFFFF;
	v1 =	vnsel vm0, $0x0, v1;
	[tilespmem:s15+$0x800] =	vst v6  }
0x8e: {  	s20 =	sand.u32 $0x7E0, s3;
	v3 =	vsel vm1, v7, v1;
	[tilespmem:s9+$0x0] =	vst v2  }
0x8f: {  	v1 =	vnsel vm1, $0x0, v1;
	[tilespmem:s20+$0x9000] =	vst v3  }
0x90: {  	[tilespmem:s20+$0x9800] =	vst v1  }
0x91: {  	v1 =	vld [tilespmem:s16+$0xFFFFF800]  }
0x92: {  	v2 =	vld [tilespmem:s16+$0x0]  }
0x93: {  	v3 =	vld [tilespmem:s16+$0x800];
	_ =	sdelay $0x2  }
0x94: {  	v1 =	vmul.f32 $1.280000000e+02, v1  }
0x95: {  	v2 =	vmul.f32 $1.280000000e+02, v2  }
0x96: {  	v1 =	vadd.f32 $1.275000000e+02, v1;
	v4 =	vmul.f32 $1.280000000e+02, v3  }
0x97: {  	v3 =	vadd.f32 $1.275000000e+02, v2  }
0x98: {  	v2 =	vtrunc.f32 v1;
	v4 =	vadd.f32 $1.275000000e+02, v4  }
0x99: {  	v5 =	vcvt.f32.s32 v2;
	vm0 =	vlt.f32 v1, v2;
	v2 =	vtrunc.f32 v3  }
0x9a: {  	v6 =	vsel vm0, $0xFFFFFFFF, v0;
	v7 =	vcvt.f32.s32 v2;
	vm0 =	vlt.f32 v3, v2  }
0x9b: {  	v2 =	vadd.s32 v5, v6;
	v5 =	vsel vm0, $0xFFFFFFFF, v0;
	v6 =	vtrunc.f32 v4  }
.Ltmp0:
0x9c: {  	vm0 =	vgt.s32 v2, $0x0;
	v10 =	vcvt.f32.s32 v6;
	vm1 =	vlt.f32 v4, v6;
	(pc) =	sbr.rel @p0 .LBB2_3-.Ltmp0, $4  }
0x9d: {  	v8 =	vadd.s32 v7, v5;
	v6 =	vnsel vm0, $0x0, v2;
	v5 =	vsel vm1, $0xFFFFFFFF, v0  }
0x9e: {  	v7 =	vcvt.s32.f32 v8;
	v9 =	vmin.u32 v6, $0xFF;
	v11 =	vadd.s32 v10, v5  }
0x9f: {  	v10 =	vcvt.s32.f32 v11;
	vm0 =	vlt.u32 v11, $0x100;
	v12 =	vshll.u32 v9, $0x10  }
0xa0: {  	s15 =	sadd.s32 $0x20, s15;
	s16 =	sadd.s32 $0x20, s16;
	v6 =	vadd.s32 $0x1, v8;
	v5 =	vadd.s32 $0x1, v11;
	v12 =	vand.u32 $0x800000, v12  }
0xa1: {  	vm1 =	vgt.s32 v8, $0x0  }
0xa2: {  	vm2 =	vlt.u32 v8, $0x100;
	vm3 =	vgt.s32 v11, $0x0;
	v9 =	vand.u32 $0x7F, v9  }
0xa3: {  	v4 =	vsub.f32 v4, v10;
	v3 =	vsub.f32 v3, v7;
	vm9 =	vgt.s32 v6, $0x0  }
0xa4: {  	v54 =	vcvt.s32.f32 v2;
	vm10 =	vlt.u32 v6, $0x100;
	vm11 =	vlt.u32 v5, $0x100  }
0xa5: {  	vm12 =	vgt.s32 v5, $0x0;
	v52 =	vnsel vm1, $0x0, v8;
	v11 =	vnsel vm3, $0x0, v11  }
0xa6: {  	v9 =	vor.u32 v9, v12;
	v56 =	vnsel vm9, $0x0, v6;
	v8 =	vmin.u32 v52, $0xFF  }
0xa7: {  	v53 =	vmin.u32 v11, $0xFF;
	v55 =	vsub.f32 $1.000000000e+00, v4;
	v13 =	vsub.f32 $1.000000000e+00, v3  }
0xa8: {  	v57 =	vmin.u32 v56, $0xFF;
	v8 =	vshll.u32 v8, $0x7;
	v7 =	vshll.u32 v53, $0xF  }
0xa9: {  	v8 =	vor.u32 v8, v9;
	v11 =	vnsel vm0, $0x0, v55;
	v58 =	vnsel vm2, $0x0, v13  }
0xaa: {  	v6 =	vshll.u32 v57, $0x7;
	v14 =	vor.u32 v7, v8;
	v13 =	vmul.f32 v11, v58  }
0xab: {  	v5 =	vnsel vm12, $0x0, v5;
	v3 =	vnsel vm10, $0x0, v3;
	v6 =	vor.u32 v6, v9;
	[tilespmem:s8+$0xFFFFF010] =	vst v14  }
0xac: {  	v5 =	vmin.u32 v5, $0xFF;
	v7 =	vor.u32 v7, v6;
	v59 =	vmul.f32 v11, v3;
	[tilespmem:s11+$0xFFFFE810] =	vst v13  }
0xad: {  	v61 =	vadd.s32 $0x1, v2;
	v4 =	vnsel vm11, $0x0, v4;
	v5 =	vshll.u32 v5, $0xF;
	[tilespmem:s8+$0xFFFFF810] =	vst v7  }
0xae: {  	v1 =	vsub.f32 v1, v54;
	v60 =	vmul.f32 v58, v4;
	v8 =	vor.u32 v5, v8;
	[tilespmem:s11+$0xFFFFF010] =	vst v59  }
0xaf: {  	vm13 =	vlt.u32 v61, $0x100;
	[tilespmem:s8+$0x10] =	vst v8  }
0xb0: {  	v62 =	vsub.f32 $1.000000000e+00, v1;
	v3 =	vmul.f32 v4, v3;
	v5 =	vor.u32 v5, v6;
	[tilespmem:s11+$0xFFFFF810] =	vst v60  }
0xb1: {  	vm14 =	vlt.u32 v2, $0x100;
	vm15 =	vgt.s32 v2, $0xFFFFFFFF;
	v1 =	vnsel vm13, $0x0, v1;
	[tilespmem:s8+$0x810] =	vst v5  }
0xb2: {  	s9 =	sshll.u32 s17, $0xC;
	v63 =	vnsel vm15, $0x0, v1;
	v2 =	vnsel vm14, $0x0, v62;
	[tilespmem:s11+$0x10] =	vst v3  }
0xb3: {  	s21 =	sor.u32 s9, s6;
	v1 =	vsel vm15, v2, v1;
	[tilespmem:s11+$0x1010] =	vst v63  }
0xb4: {  	s3 =	simm.s32 $0x3000;
	s20 =	simm.s32 $0xD000;
	s8 =	sshrl.u32 s21, $0x3;
	[tilespmem:s11+$0x810] =	vst v1  }
0xb5: {  	[tilespmem:s20], [sflag:$0x3] =	stream.indirect.gather [hbm4b:s5+s19], $0x1, s3, s19, $0xb8;
	[tilespmem:$0x12000] =	vst v63  }
0xb6: {  	s3 =	sor.u32 $0x100, s8  }
0xb7: {  	s14 =	simm.s32 $0x1800;
	p0 =	slt.u32 s17, $0x2;
	s22 =	sadd.s32 s1, s3  }
0xb8: {  	[tilespmem:s14], [sflag:$0x2] =	stream.linear.gather [hbm4b:s22+s4], $0x800, $0x38;
	[tilespmem:$0x12000] =	vst v63  }
.Ltmp1:
0xb9: {  	_ = 	snop;
	(pc) =	sbr.rel @p0 .LBB2_9-.Ltmp1, $4  }
0xba: {  	s26 =	sadd.s32 s3, s7  }
0xbb: {  	[tilespmem:s19], [sflag:$0x2] =	stream.linear.gather [hbm4b:s26+s4], $0x800, $0x38;
	[tilespmem:$0x12000] =	vst v63  }
0xbc: {  	s3 =	sadd.s32 s3, s10  }
0xbd: {  	[tilespmem:s23], [sflag:$0x2] =	stream.linear.gather [hbm4b:s3+s4], $0x800, $0x38;
	[tilespmem:$0x12000] =	vst v63  }
.Ltmp2:
0xbe: {  	(pc) =	sbr.rel .LBB2_6-.Ltmp2, $4  }
0xbf: {  	_ = 	snop  }
0xc0: {  	_ =	swait.ge [sflag:s24], $0x800  }
0xc1: {  	[sflag:s24] =	ssyncset.done $0x0  }
0xc2: {  	[sflag:s24] =	ssyncadd.s32 $0xFFFFF800  }
.LBB2_9:
0xc3: {  	p0 =	seq.s32 s17, $0x0  }
.Ltmp3:
0xc4: {  	_ = 	snop;
	(pc) =	sbr.rel @p0 .LBB2_10-.Ltmp3, $1  }
0xc5: {  	_ =	sdelay $0x3  }
.LBB2_6:
0xc6: {  	_ =	swait.ge [sflag:s25], $0x2000  }
0xc7: {  	s11 =	simm.s32 $0x0;
	[sflag:s25] =	ssyncset.done $0x0  }
0xc8: {  	s20 =	sand.u32 $0x7E0, s11;
	[sflag:s25] =	ssyncadd.s32 $0xFFFFE000  }
0xc9: {  	v1 =	vld [tilespmem:s20+$0xF800]  }
0xca: {  	v2 =	vld [tilespmem:s20+$0xC800]  }
0xcb: {  	v3 =	vld [tilespmem:s20+$0xF000]  }
0xcc: {  	s3 =	simm.s32 $0x10810;
	v4 =	vld [tilespmem:s20+$0xC000]  }
0xcd: {  	v5 =	vld [tilespmem:s3+$0xFFFFF7F0];
	_ =	sdelay $0x1  }
0xce: {  	v6 =	vld [tilespmem:s3+$0xFFFFFFF0]  }
0xcf: {  	s15 =	simm.s32 $0xC810;
	v7 =	vand.u32 $0xFFFF0000, v1  }
0xd0: {  	v9 =	vld [tilespmem:s15+$0xFFFFDFF0];
	v8 =	vshll.u32 v3, $0x10;
	v1 =	vshll.u32 v1, $0x10;
	v3 =	vand.u32 $0xFFFF0000, v3  }
0xd1: {  	v10 =	vld [tilespmem:s15+$0xFFFFD7F0];
	v11 =	vshll.u32 v5, $0x10;
	v7 =	vmul.f32 v7, v2;
	v1 =	vmul.f32 v1, v4  }
0xd2: {  	v5 =	vand.u32 $0xFFFF0000, v5;
	v8 =	vmul.f32 v8, v4;
	v3 =	vmul.f32 v3, v2  }
0xd3: {  	v61 =	vld [tilespmem:s20+$0xB000];
	v62 =	vand.u32 $0xFFFF0000, v6;
	v6 =	vshll.u32 v6, $0x10;
	v11 =	vmul.f32 v11, v4  }
0xd4: {  	v5 =	vmul.f32 v5, v2;
	v1 =	vadd.f32 v7, v1;
	v3 =	vadd.f32 v3, v8  }
0xd5: {  	v63 =	vld [tilespmem:s20+$0xB800];
	v2 =	vmul.f32 v62, v2;
	v4 =	vmul.f32 v6, v4  }
0xd6: {  	v5 =	vadd.f32 v5, v11;
	v1 =	vmul.f32 v1, v9;
	v3 =	vmul.f32 v3, v10;
	_ =	sdelay $0x1  }
0xd7: {  	v2 =	vadd.f32 v2, v4;
	v1 =	vadd.f32 v1, v3;
	v3 =	vmul.f32 v5, v61;
	_ =	sdelay $0x1  }
0xd8: {  	v2 =	vmul.f32 v2, v63;
	v1 =	vadd.f32 v3, v1;
	_ =	sdelay $0x1  }
0xd9: {  	s14 =	simm.s32 $0x11810;
	s26 =	simm.s32 $0x0;
	v1 =	vadd.f32 v2, v1  }
0xda: {  	s21 =	simm.s32 $0x10830;
	s22 =	simm.s32 $0x11830;
	s16 =	simm.s32 $0xC810  }
.LBB2_7:
0xdb: {  	s26 =	sadd.s32 $0x2, s26;
	[tilespmem:s20+$0x11800] =	vst v1;
	s15 =	sadd.s32 $0x20, s15;
	s11 =	sadd.s32 $0x20, s11  }
0xdc: {  	p0 =	slt.u32 s26, $0x7E;
	v1 =	vld [tilespmem:s3+$0xFFFFE800]  }
0xdd: {  	v2 =	vld [tilespmem:s16+$0xFFFFF800]  }
0xde: {  	v3 =	vld [tilespmem:s3+$0xFFFFF800]  }
0xdf: {  	v4 =	vld [tilespmem:s3+$0xFFFFF000]  }
0xe0: {  	v5 =	vld [tilespmem:s16+$0x0]  }
0xe1: {  	v6 =	vshll.u32 v1, $0x10;
	v1 =	vand.u32 $0xFFFF0000, v1;
	v7 =	vld [tilespmem:s3+$0x0];
	s3 =	smov.u32 s21  }
0xe2: {  	s20 =	sand.u32 $0x7E0, s11;
	v6 =	vmul.f32 v6, v2  }
0xe3: {  	v8 =	vshll.u32 v3, $0x10;
	v3 =	vand.u32 $0xFFFF0000, v3;
	v9 =	vld [tilespmem:s16+$0xFFFFE800]  }
0xe4: {  	v10 =	vld [tilespmem:s16+$0xFFFFD800];
	v11 =	vshll.u32 v4, $0x10;
	v4 =	vand.u32 $0xFFFF0000, v4;
	v8 =	vmul.f32 v8, v2  }
0xe5: {  	v1 =	vmul.f32 v1, v5;
	v12 =	vld [tilespmem:s16+$0xFFFFE000];
	v3 =	vmul.f32 v3, v5  }
0xe6: {  	v11 =	vmul.f32 v11, v2;
	v4 =	vmul.f32 v4, v5;
	v13 =	vshll.u32 v7, $0x10  }
0xe7: {  	v1 =	vadd.f32 v1, v6;
	v3 =	vadd.f32 v3, v8;
	v6 =	vand.u32 $0xFFFF0000, v7  }
0xe8: {  	v4 =	vadd.f32 v4, v11;
	v2 =	vmul.f32 v13, v2;
	v5 =	vmul.f32 v6, v5  }
0xe9: {  	v1 =	vmul.f32 v1, v10;
	v3 =	vmul.f32 v3, v9;
	v6 =	vld [tilespmem:s16+$0xFFFFF000];
	s16 =	smov.u32 s15  }
0xea: {  	v4 =	vmul.f32 v4, v12;
	v2 =	vadd.f32 v5, v2;
	_ =	sdelay $0x1  }
0xeb: {  	v1 =	vadd.f32 v4, v1;
	_ =	sdelay $0x1  }
0xec: {  	v1 =	vadd.f32 v3, v1;
	v2 =	vmul.f32 v2, v6;
	_ =	sdelay $0x1  }
0xed: {  	v1 =	vadd.f32 v2, v1;
	_ =	sdelay $0x1  }
0xee: {  	[tilespmem:s14+$0x0] =	vst v1;
	s14 =	smov.u32 s22  }
0xef: {  	v1 =	vld [tilespmem:s20+$0xF800]  }
0xf0: {  	v2 =	vld [tilespmem:s20+$0xC800]  }
0xf1: {  	v3 =	vld [tilespmem:s20+$0xF000]  }
0xf2: {  	v4 =	vld [tilespmem:s20+$0xC000]  }
0xf3: {  	v5 =	vld [tilespmem:s21+$0xFFFFF7F0]  }
0xf4: {  	v6 =	vand.u32 $0xFFFF0000, v1  }
0xf5: {  	v7 =	vld [tilespmem:s21+$0xFFFFFFF0]  }
0xf6: {  	v1 =	vshll.u32 v1, $0x10;
	v6 =	vmul.f32 v6, v2;
	v8 =	vshll.u32 v3, $0x10;
	v9 =	vld [tilespmem:s15+$0xFFFFDFF0]  }
0xf7: {  	v3 =	vand.u32 $0xFFFF0000, v3;
	v10 =	vld [tilespmem:s15+$0xFFFFD7F0];
	v8 =	vmul.f32 v8, v4;
	v1 =	vmul.f32 v1, v4  }
0xf8: {  	v3 =	vmul.f32 v3, v2;
	v11 =	vshll.u32 v5, $0x10;
	v5 =	vand.u32 $0xFFFF0000, v5  }
0xf9: {  	v1 =	vadd.f32 v6, v1;
	v6 =	vld [tilespmem:s20+$0xB000];
	v11 =	vmul.f32 v11, v4;
	v5 =	vmul.f32 v5, v2  }
0xfa: {  	v3 =	vadd.f32 v3, v8;
	v8 =	vshll.u32 v7, $0x10;
	v7 =	vand.u32 $0xFFFF0000, v7  }
0xfb: {  	v1 =	vmul.f32 v1, v9;
	v5 =	vadd.f32 v5, v11;
	v9 =	vld [tilespmem:s20+$0xB800];
	v2 =	vmul.f32 v7, v2  }
0xfc: {  	v4 =	vmul.f32 v8, v4;
	v3 =	vmul.f32 v3, v10;
	_ =	sdelay $0x1  }
0xfd: {  	v2 =	vadd.f32 v2, v4;
	v1 =	vadd.f32 v1, v3;
	v3 =	vmul.f32 v5, v6  }
.Ltmp4:
0xfe: {  	(pc) =	sbr.rel @p0 .LBB2_7-.Ltmp4, $3  }
0xff: {  	v1 =	vadd.f32 v3, v1;
	v2 =	vmul.f32 v2, v9;
	_ =	sdelay $0x1  }
0x100: {  	v1 =	vadd.f32 v2, v1  }
0x101: {  	s22 =	sadd.s32 $0x20, s22;
	s21 =	sadd.s32 $0x20, s21  }
0x102: {  	[tilespmem:s20+$0x11800] =	vst v1  }
0x103: {  	v1 =	vld [tilespmem:s3+$0xFFFFE800]  }
0x104: {  	v2 =	vld [tilespmem:s16+$0xFFFFF800]  }
0x105: {  	v3 =	vld [tilespmem:s3+$0xFFFFF800]  }
0x106: {  	v4 =	vld [tilespmem:s3+$0xFFFFF000]  }
0x107: {  	v5 =	vld [tilespmem:s16+$0x0];
	_ =	sdelay $0x1  }
0x108: {  	v6 =	vld [tilespmem:s3+$0x0]  }
0x109: {  	v7 =	vshll.u32 v1, $0x10  }
0x10a: {  	v9 =	vld [tilespmem:s16+$0xFFFFD800];
	v1 =	vand.u32 $0xFFFF0000, v1;
	v8 =	vshll.u32 v3, $0x10;
	v10 =	vshll.u32 v4, $0x10  }
0x10b: {  	v11 =	vld [tilespmem:s16+$0xFFFFE000];
	v4 =	vand.u32 $0xFFFF0000, v4;
	v7 =	vmul.f32 v7, v2;
	v1 =	vmul.f32 v1, v5  }
0x10c: {  	v3 =	vand.u32 $0xFFFF0000, v3;
	v10 =	vmul.f32 v10, v2;
	v4 =	vmul.f32 v4, v5  }
0x10d: {  	v12 =	vld [tilespmem:s16+$0xFFFFE800];
	v13 =	vshll.u32 v6, $0x10;
	v6 =	vand.u32 $0xFFFF0000, v6;
	v8 =	vmul.f32 v8, v2  }
0x10e: {  	v3 =	vmul.f32 v3, v5;
	v1 =	vadd.f32 v1, v7;
	v4 =	vadd.f32 v4, v10  }
0x10f: {  	v63 =	vld [tilespmem:s16+$0xFFFFF000];
	v2 =	vmul.f32 v13, v2;
	v5 =	vmul.f32 v6, v5  }
0x110: {  	v3 =	vadd.f32 v3, v8;
	v1 =	vmul.f32 v1, v9;
	v4 =	vmul.f32 v4, v11;
	_ =	sdelay $0x1  }
0x111: {  	v2 =	vadd.f32 v5, v2;
	v3 =	vmul.f32 v3, v12;
	v1 =	vadd.f32 v4, v1;
	_ =	sdelay $0x1  }
0x112: {  	v2 =	vmul.f32 v2, v63;
	v1 =	vadd.f32 v3, v1;
	_ =	sdelay $0x1  }
0x113: {  	s26 =	sadd.s32 s9, s12;
	v1 =	vadd.f32 v2, v1  }
0x114: {  	s3 =	sshrl.u32 s26, $0x3  }
0x115: {  	s11 =	simm.s32 $0x11800;
	p0 =	por $0x0, $0x0;
	s3 =	sadd.s32 s2, s3;
	[tilespmem:s14+$0x0] =	vst v1  }
0x116: {  	[hbm4b:s3+s4] =	stream.linear.scatter [tilespmem:s11], [sflag:$0x6], $0x800, $0x38;
	[tilespmem:$0x12000] =	vst v63  }
.LBB2_11:
0x117: {  	_ =	swait.ge [sflag:s28], $0x800  }
0x118: {  	[sflag:s28] =	ssyncset.done $0x0  }
0x119: {  	[sflag:s28] =	ssyncadd.s32 $0xFFFFF800  }
0x11a: {  	_ =	swait.ge [sflag:s28], $0x800  }
0x11b: {  	[sflag:s28] =	ssyncset.done $0x0  }
0x11c: {  	[sflag:s28] =	ssyncadd.s32 $0xFFFFF800  }
0x11d: {  	_ =	swait.ge [sflag:s28], $0x800  }
0x11e: {  	[sflag:s28] =	ssyncset.done $0x0  }
0x11f: {  	s3 =	simm.s32 $0x2810;
	[sflag:s28] =	ssyncadd.s32 $0xFFFFF800  }
0x120: {  	s11 =	simm.s32 $0x0;
	v1 =	vld [tilespmem:s3+$0xFFFFFFF0]  }
0x121: {  	s16 =	sand.u32 $0x7E0, s11;
	v2 =	vld [tilespmem:s3+$0xFFFFF7F0]  }
0x122: {  	v3 =	vld [tilespmem:s16+$0x1800];
	_ =	sdelay $0x3  }
0x123: {  	v1 =	vmul.f32 $1.280000000e+02, v1  }
0x124: {  	v2 =	vmul.f32 $1.280000000e+02, v2;
	v3 =	vmul.f32 $1.280000000e+02, v3  }
0x125: {  	v1 =	vadd.f32 $1.275000000e+02, v1  }
0x126: {  	v2 =	vadd.f32 $1.275000000e+02, v2;
	v3 =	vadd.f32 $1.275000000e+02, v3  }
0x127: {  	v4 =	vtrunc.f32 v1  }
0x128: {  	v5 =	vtrunc.f32 v2;
	v7 =	vtrunc.f32 v3  }
0x129: {  	v6 =	vcvt.f32.s32 v4;
	v8 =	vcvt.f32.s32 v5  }
0x12a: {  	vm0 =	vlt.f32 v2, v5;
	v5 =	vcvt.f32.s32 v7;
	vm1 =	vlt.f32 v3, v7  }
0x12b: {  	vm2 =	vlt.f32 v1, v4;
	v4 =	vsel vm0, $0xFFFFFFFF, v0;
	v7 =	vsel vm1, $0xFFFFFFFF, v0  }
0x12c: {  	v4 =	vadd.s32 v8, v4;
	v8 =	vsel vm2, $0xFFFFFFFF, v0;
	v5 =	vadd.s32 v5, v7  }
0x12d: {  	vm0 =	vgt.s32 v4, $0x0;
	v6 =	vadd.s32 v6, v8;
	vm1 =	vgt.s32 v5, $0x0  }
0x12e: {  	v7 =	vadd.s32 $0x1, v4;
	v12 =	vcvt.s32.f32 v4;
	v8 =	vcvt.s32.f32 v6  }
0x12f: {  	v9 =	vnsel vm1, $0x0, v5;
	v10 =	vnsel vm0, $0x0, v4;
	v11 =	vadd.s32 $0x1, v6  }
0x130: {  	vm0 =	vgt.s32 v6, $0x0;
	vm1 =	vlt.u32 v7, $0x100;
	v9 =	vmin.u32 v9, $0xFF  }
0x131: {  	v10 =	vmin.u32 v10, $0xFF;
	v13 =	vnsel vm0, $0x0, v6;
	v2 =	vsub.f32 v2, v12  }
0x132: {  	vm0 =	vgt.s32 v11, $0x0;
	v14 =	vshll.u32 v9, $0x10;
	v9 =	vand.u32 $0x7F, v9  }
0x133: {  	v13 =	vmin.u32 v13, $0xFF;
	v62 =	vnsel vm0, $0x0, v11;
	v10 =	vshll.u32 v10, $0x7  }
0x134: {  	v1 =	vsub.f32 v1, v8;
	vm0 =	vgt.s32 v7, $0x0;
	v61 =	vand.u32 $0x800000, v14  }
0x135: {  	v8 =	vsub.f32 $1.000000000e+00, v2;
	v2 =	vnsel vm1, $0x0, v2;
	v13 =	vshll.u32 v13, $0xF  }
0x136: {  	v7 =	vnsel vm0, $0x0, v7;
	vm0 =	vlt.u32 v4, $0x100;
	v63 =	vsub.f32 $1.000000000e+00, v1  }
0x137: {  	vm1 =	vlt.u32 v6, $0x100;
	v9 =	vor.u32 v9, v61;
	v6 =	vmin.u32 v7, $0xFF  }
0x138: {  	v10 =	vor.u32 v10, v9;
	v4 =	vnsel vm0, $0x0, v8;
	v7 =	vnsel vm1, $0x0, v63  }
0x139: {  	s14 =	simm.s32 $0x6810;
	v6 =	vshll.u32 v6, $0x7;
	v8 =	vor.u32 v13, v10;
	v14 =	vmul.f32 v7, v4  }
0x13a: {  	s15 =	simm.s32 $0xC810;
	v15 =	vcvt.s32.f32 v5;
	v12 =	vmin.u32 v62, $0xFF;
	v6 =	vor.u32 v6, v9;
	[tilespmem:s14+$0xFFFFE7F0] =	vst v8  }
0x13b: {  	vm0 =	vlt.u32 v11, $0x100;
	v7 =	vmul.f32 v7, v2;
	v8 =	vor.u32 v13, v6;
	[tilespmem:s15+$0xFFFFD7F0] =	vst v14  }
0x13c: {  	v3 =	vsub.f32 v3, v15;
	v1 =	vnsel vm0, $0x0, v1;
	v9 =	vshll.u32 v12, $0xF;
	[tilespmem:s14+$0xFFFFEFF0] =	vst v8  }
0x13d: {  	v4 =	vmul.f32 v4, v1;
	v8 =	vor.u32 v9, v10;
	[tilespmem:s15+$0xFFFFDFF0] =	vst v7  }
0x13e: {  	v1 =	vmul.f32 v1, v2;
	v2 =	vsub.f32 $1.000000000e+00, v3;
	v7 =	vadd.s32 $0x1, v5;
	[tilespmem:s14+$0xFFFFF7F0] =	vst v8  }
0x13f: {  	vm0 =	vlt.u32 v5, $0x100;
	v6 =	vor.u32 v9, v6;
	vm1 =	vlt.u32 v7, $0x100;
	[tilespmem:s16+$0xB000] =	vst v4  }
0x140: {  	vm2 =	vgt.s32 v5, $0xFFFFFFFF;
	v2 =	vnsel vm0, $0x0, v2;
	v3 =	vnsel vm1, $0x0, v3;
	[tilespmem:s14+$0xFFFFFFF0] =	vst v6  }
0x141: {  	v2 =	vsel vm2, v2, v3;
	[tilespmem:s16+$0xB800] =	vst v1  }
0x142: {  	[tilespmem:s16+$0xC000] =	vst v2;
	v1 =	vnsel vm2, $0x0, v3  }
0x143: {  	[tilespmem:s16+$0xC800] =	vst v1  }
0x144: {  	v1 =	vld [tilespmem:s3+$0xFFFFF000]  }
0x145: {  	v2 =	vld [tilespmem:s3+$0xFFFFF800]  }
0x146: {  	v3 =	vld [tilespmem:s3+$0x0];
	_ =	sdelay $0x2  }
0x147: {  	v1 =	vmul.f32 $1.280000000e+02, v1  }
0x148: {  	v2 =	vmul.f32 $1.280000000e+02, v2  }
0x149: {  	v3 =	vmul.f32 $1.280000000e+02, v3;
	v1 =	vadd.f32 $1.275000000e+02, v1  }
0x14a: {  	v4 =	vadd.f32 $1.275000000e+02, v2  }
0x14b: {  	v10 =	vadd.f32 $1.275000000e+02, v3;
	v2 =	vtrunc.f32 v1  }
0x14c: {  	v3 =	vcvt.f32.s32 v2;
	vm0 =	vlt.f32 v1, v2;
	v2 =	vtrunc.f32 v4  }
0x14d: {  	v5 =	vcvt.f32.s32 v2;
	vm1 =	vlt.f32 v4, v2;
	v2 =	vtrunc.f32 v10  }
0x14e: {  	v6 =	vsel vm1, $0xFFFFFFFF, v0;
	v7 =	vcvt.f32.s32 v2;
	vm1 =	vlt.f32 v10, v2  }
0x14f: {  	v2 =	vsel vm0, $0xFFFFFFFF, v0;
	v8 =	vadd.s32 v5, v6;
	v5 =	vsel vm1, $0xFFFFFFFF, v0  }
0x150: {  	v2 =	vadd.s32 v3, v2;
	v6 =	vcvt.s32.f32 v8;
	v7 =	vadd.s32 v7, v5  }
0x151: {  	v3 =	vcvt.s32.f32 v2;
	vm0 =	vgt.s32 v8, $0x0;
	v11 =	vcvt.s32.f32 v7  }
0x152: {  	s26 =	simm.s32 $0x6830;
	v5 =	vsub.f32 v4, v6;
	v4 =	vnsel vm0, $0x0, v8;
	v6 =	vadd.s32 $0x1, v7  }
0x153: {  	s20 =	simm.s32 $0x2830;
	s16 =	simm.s32 $0x0;
	s3 =	simm.s32 $0xC810;
	vm0 =	vgt.s32 v2, $0x0;
	v9 =	vmin.u32 v4, $0xFF;
	v4 =	vsub.f32 v10, v11  }
.LBB2_12:
0x154: {  	s16 =	sadd.s32 $0x2, s16;
	v10 =	vadd.s32 $0x1, v8;
	vm1 =	vlt.u32 v8, $0x100;
	vm2 =	vgt.s32 v7, $0x0;
	s11 =	sadd.s32 $0x20, s11;
	s15 =	sadd.s32 $0x20, s15  }
0x155: {  	v8 =	vsub.f32 $1.000000000e+00, v5;
	p1 =	slt.u32 s16, $0x7E;
	vm3 =	vgt.s32 v10, $0x0;
	v11 =	vsub.f32 $1.000000000e+00, v4  }
0x156: {  	v9 =	vshll.u32 v9, $0x7;
	v12 =	vnsel vm3, $0x0, v10;
	vm3 =	vlt.u32 v7, $0x100  }
0x157: {  	v13 =	vnsel vm0, $0x0, v2;
	v8 =	vnsel vm1, $0x0, v8;
	v11 =	vnsel vm3, $0x0, v11  }
0x158: {  	v13 =	vmin.u32 v13, $0xFF;
	v7 =	vnsel vm2, $0x0, v7;
	v14 =	vmul.f32 v11, v8  }
0x159: {  	v15 =	vand.u32 $0x7F, v13;
	v13 =	vshll.u32 v13, $0x10;
	v12 =	vmin.u32 v12, $0xFF  }
0x15a: {  	v7 =	vmin.u32 v7, $0xFF;
	v13 =	vand.u32 $0x800000, v13;
	v12 =	vshll.u32 v12, $0x7  }
0x15b: {  	vm0 =	vgt.s32 v6, $0x0;
	v13 =	vor.u32 v15, v13;
	v7 =	vshll.u32 v7, $0xF  }
0x15c: {  	vm1 =	vlt.u32 v10, $0x100;
	v9 =	vor.u32 v9, v13;
	v10 =	vor.u32 v12, v13  }
0x15d: {  	v12 =	vnsel vm0, $0x0, v6;
	v13 =	vor.u32 v7, v9;
	v7 =	vor.u32 v7, v10  }
0x15e: {  	v5 =	vnsel vm1, $0x0, v5;
	vm0 =	vlt.u32 v6, $0x100;
	v6 =	vmin.u32 v12, $0xFF;
	[tilespmem:s14+$0xFFFFE800] =	vst v13  }
0x15f: {  	v1 =	vsub.f32 v1, v3;
	v3 =	vnsel vm0, $0x0, v4;
	v4 =	vmul.f32 v11, v5;
	[tilespmem:s3+$0xFFFFD800] =	vst v14  }
0x160: {  	v11 =	vadd.s32 $0x1, v2;
	v6 =	vshll.u32 v6, $0xF;
	v8 =	vmul.f32 v8, v3;
	[tilespmem:s14+$0xFFFFF000] =	vst v7  }
0x161: {  	v9 =	vor.u32 v6, v9;
	v6 =	vor.u32 v6, v10;
	v7 =	vsub.f32 $1.000000000e+00, v1;
	[tilespmem:s3+$0xFFFFE000] =	vst v4  }
0x162: {  	vm0 =	vlt.u32 v2, $0x100;
	[tilespmem:s14+$0xFFFFF800] =	vst v9  }
0x163: {  	vm1 =	vlt.u32 v11, $0x100;
	v3 =	vmul.f32 v3, v5;
	v4 =	vnsel vm0, $0x0, v7;
	[tilespmem:s3+$0xFFFFE800] =	vst v8  }
0x164: {  	v1 =	vnsel vm1, $0x0, v1;
	vm0 =	vgt.s32 v2, $0xFFFFFFFF;
	[tilespmem:s14+$0x0] =	vst v6;
	s14 =	smov.u32 s26  }
0x165: {  	v2 =	vsel vm0, v4, v1;
	[tilespmem:s3+$0xFFFFF000] =	vst v3  }
0x166: {  	v1 =	vnsel vm0, $0x0, v1;
	[tilespmem:s3+$0xFFFFF800] =	vst v2  }
0x167: {  	[tilespmem:s3+$0x0] =	vst v1;
	s3 =	smov.u32 s15;
	_ =	sdelay $0x1  }
0x168: {  	v1 =	vld [tilespmem:s20+$0xFFFFFFF0]  }
0x169: {  	s21 =	sand.u32 $0x7E0, s11;
	v2 =	vld [tilespmem:s20+$0xFFFFF7F0]  }
0x16a: {  	v3 =	vld [tilespmem:s21+$0x1800];
	_ =	sdelay $0x2  }
0x16b: {  	v1 =	vmul.f32 $1.280000000e+02, v1  }
0x16c: {  	v2 =	vmul.f32 $1.280000000e+02, v2  }
0x16d: {  	v3 =	vmul.f32 $1.280000000e+02, v3;
	v1 =	vadd.f32 $1.275000000e+02, v1  }
0x16e: {  	v2 =	vadd.f32 $1.275000000e+02, v2  }
0x16f: {  	v3 =	vadd.f32 $1.275000000e+02, v3;
	v4 =	vtrunc.f32 v1  }
0x170: {  	v5 =	vtrunc.f32 v2;
	v6 =	vcvt.f32.s32 v4;
	vm0 =	vlt.f32 v1, v4  }
0x171: {  	v4 =	vtrunc.f32 v3;
	v7 =	vcvt.f32.s32 v5;
	vm1 =	vlt.f32 v2, v5  }
0x172: {  	v5 =	vcvt.f32.s32 v4;
	vm2 =	vlt.f32 v3, v4;
	v4 =	vsel vm1, $0xFFFFFFFF, v0  }
0x173: {  	v8 =	vsel vm2, $0xFFFFFFFF, v0;
	v4 =	vadd.s32 v7, v4;
	v7 =	vsel vm0, $0xFFFFFFFF, v0  }
0x174: {  	v5 =	vadd.s32 v5, v8;
	vm0 =	vgt.s32 v4, $0x0;
	v6 =	vadd.s32 v6, v7  }
0x175: {  	v7 =	vadd.s32 $0x1, v4;
	vm1 =	vgt.s32 v5, $0x0;
	v8 =	vcvt.s32.f32 v6  }
0x176: {  	v10 =	vnsel vm0, $0x0, v4;
	v11 =	vadd.s32 $0x1, v6;
	v9 =	vnsel vm1, $0x0, v5  }
0x177: {  	v12 =	vcvt.s32.f32 v4;
	vm0 =	vgt.s32 v6, $0x0;
	v9 =	vmin.u32 v9, $0xFF  }
0x178: {  	v10 =	vmin.u32 v10, $0xFF;
	v13 =	vnsel vm0, $0x0, v6;
	v14 =	vshll.u32 v9, $0x10  }
0x179: {  	v2 =	vsub.f32 v2, v12;
	v9 =	vand.u32 $0x7F, v9;
	v12 =	vand.u32 $0x800000, v14  }
0x17a: {  	vm0 =	vgt.s32 v11, $0x0;
	v13 =	vmin.u32 v13, $0xFF;
	v9 =	vor.u32 v9, v12  }
0x17b: {  	vm1 =	vlt.u32 v7, $0x100;
	v10 =	vshll.u32 v10, $0x7;
	v12 =	vnsel vm0, $0x0, v11  }
0x17c: {  	v1 =	vsub.f32 v1, v8;
	v14 =	vsub.f32 $1.000000000e+00, v2;
	v2 =	vnsel vm1, $0x0, v2  }
0x17d: {  	v8 =	vshll.u32 v13, $0xF;
	vm0 =	vgt.s32 v7, $0x0;
	v10 =	vor.u32 v10, v9  }
0x17e: {  	v13 =	vsub.f32 $1.000000000e+00, v1;
	v7 =	vnsel vm0, $0x0, v7;
	v15 =	vor.u32 v8, v10  }
0x17f: {  	vm1 =	vlt.u32 v6, $0x100;
	vm0 =	vlt.u32 v4, $0x100;
	v4 =	vmin.u32 v12, $0xFF  }
0x180: {  	v12 =	vnsel vm1, $0x0, v13;
	v6 =	vnsel vm0, $0x0, v14;
	v7 =	vmin.u32 v7, $0xFF  }
0x181: {  	v7 =	vshll.u32 v7, $0x7;
	v13 =	vmul.f32 v12, v6;
	v12 =	vmul.f32 v12, v2  }
0x182: {  	v16 =	vadd.s32 $0x1, v5;
	v14 =	vcvt.s32.f32 v5;
	v7 =	vor.u32 v7, v9;
	[tilespmem:s26+$0xFFFFE7F0] =	vst v15  }
0x183: {  	vm0 =	vlt.u32 v11, $0x100;
	v8 =	vor.u32 v8, v7;
	[tilespmem:s15+$0xFFFFD7F0] =	vst v13  }
0x184: {  	v4 =	vshll.u32 v4, $0xF;
	v1 =	vnsel vm0, $0x0, v1;
	v3 =	vsub.f32 v3, v14;
	[tilespmem:s26+$0xFFFFEFF0] =	vst v8  }
0x185: {  	v6 =	vmul.f32 v6, v1;
	v1 =	vmul.f32 v1, v2;
	v8 =	vor.u32 v4, v10;
	[tilespmem:s15+$0xFFFFDFF0] =	vst v12  }
0x186: {  	v2 =	vsub.f32 $1.000000000e+00, v3;
	[tilespmem:s26+$0xFFFFF7F0] =	vst v8  }
0x187: {  	vm1 =	vlt.u32 v16, $0x100;
	vm0 =	vlt.u32 v5, $0x100;
	v4 =	vor.u32 v4, v7;
	[tilespmem:s21+$0xB000] =	vst v6  }
0x188: {  	vm2 =	vgt.s32 v5, $0xFFFFFFFF;
	v3 =	vnsel vm1, $0x0, v3;
	v2 =	vnsel vm0, $0x0, v2;
	[tilespmem:s26+$0xFFFFFFF0] =	vst v4  }
0x189: {  	v2 =	vsel vm2, v2, v3;
	[tilespmem:s21+$0xB800] =	vst v1  }
0x18a: {  	[tilespmem:s21+$0xC000] =	vst v2;
	_ =	sdelay $0x2  }
0x18b: {  	v1 =	vnsel vm2, $0x0, v3  }
0x18c: {  	[tilespmem:s21+$0xC800] =	vst v1  }
0x18d: {  	v1 =	vld [tilespmem:s20+$0xFFFFF000]  }
0x18e: {  	v2 =	vld [tilespmem:s20+$0xFFFFF800]  }
0x18f: {  	v3 =	vld [tilespmem:s20+$0x0];
	_ =	sdelay $0x2  }
0x190: {  	v1 =	vmul.f32 $1.280000000e+02, v1  }
0x191: {  	v2 =	vmul.f32 $1.280000000e+02, v2  }
0x192: {  	v1 =	vadd.f32 $1.275000000e+02, v1;
	v3 =	vmul.f32 $1.280000000e+02, v3  }
0x193: {  	v4 =	vadd.f32 $1.275000000e+02, v2  }
0x194: {  	v2 =	vtrunc.f32 v1;
	v10 =	vadd.f32 $1.275000000e+02, v3  }
0x195: {  	v3 =	vcvt.f32.s32 v2;
	vm0 =	vlt.f32 v1, v2;
	v2 =	vtrunc.f32 v4  }
0x196: {  	v5 =	vcvt.f32.s32 v2;
	vm1 =	vlt.f32 v4, v2;
	v2 =	vtrunc.f32 v10  }
0x197: {  	v6 =	vsel vm1, $0xFFFFFFFF, v0;
	v7 =	vcvt.f32.s32 v2;
	vm1 =	vlt.f32 v10, v2  }
.Ltmp5:
0x198: {  	v2 =	vsel vm0, $0xFFFFFFFF, v0;
	v8 =	vadd.s32 v5, v6;
	v5 =	vsel vm1, $0xFFFFFFFF, v0;
	(pc) =	sbr.rel @p1 .LBB2_12-.Ltmp5, $4  }
0x199: {  	v2 =	vadd.s32 v3, v2;
	v6 =	vcvt.s32.f32 v8;
	v7 =	vadd.s32 v7, v5  }
0x19a: {  	v3 =	vcvt.s32.f32 v2;
	vm0 =	vgt.s32 v8, $0x0;
	v11 =	vcvt.s32.f32 v7  }
0x19b: {  	v5 =	vsub.f32 v4, v6;
	v4 =	vnsel vm0, $0x0, v8;
	v6 =	vadd.s32 $0x1, v7  }
0x19c: {  	s26 =	sadd.s32 $0x20, s26;
	s20 =	sadd.s32 $0x20, s20;
	vm0 =	vgt.s32 v2, $0x0;
	v9 =	vmin.u32 v4, $0xFF;
	v4 =	vsub.f32 v10, v11  }
0x19d: {  	v10 =	vadd.s32 $0x1, v8  }
0x19e: {  	vm1 =	vlt.u32 v8, $0x100;
	vm2 =	vgt.s32 v7, $0x0;
	v46 =	vsub.f32 $1.000000000e+00, v5  }
0x19f: {  	vm9 =	vlt.u32 v7, $0x100;
	v9 =	vshll.u32 v9, $0x7;
	v13 =	vnsel vm0, $0x0, v2  }
0x1a0: {  	vm10 =	vgt.s32 v6, $0x0;
	vm12 =	vlt.u32 v6, $0x100;
	vm3 =	vgt.s32 v10, $0x0  }
0x1a1: {  	v11 =	vsub.f32 $1.000000000e+00, v4;
	v13 =	vmin.u32 v13, $0xFF;
	v7 =	vnsel vm2, $0x0, v7  }
0x1a2: {  	vm11 =	vlt.u32 v10, $0x100;
	v12 =	vnsel vm3, $0x0, v10;
	v15 =	vshll.u32 v13, $0x10  }
0x1a3: {  	v8 =	vnsel vm1, $0x0, v46;
	v13 =	vand.u32 $0x7F, v13;
	v15 =	vand.u32 $0x800000, v15  }
0x1a4: {  	v7 =	vmin.u32 v7, $0xFF;
	v11 =	vnsel vm9, $0x0, v11;
	v13 =	vor.u32 v13, v15  }
0x1a5: {  	v12 =	vmin.u32 v12, $0xFF;
	v7 =	vshll.u32 v7, $0xF;
	v9 =	vor.u32 v9, v13  }
0x1a6: {  	v14 =	vmul.f32 v11, v8;
	v12 =	vshll.u32 v12, $0x7;
	v48 =	vor.u32 v7, v9  }
0x1a7: {  	v49 =	vnsel vm10, $0x0, v6;
	v5 =	vnsel vm11, $0x0, v5;
	v47 =	vor.u32 v12, v13;
	[tilespmem:s14+$0xFFFFE800] =	vst v48  }
0x1a8: {  	v6 =	vmin.u32 v49, $0xFF;
	v11 =	vmul.f32 v11, v5;
	v7 =	vor.u32 v7, v47;
	[tilespmem:s3+$0xFFFFD800] =	vst v14  }
0x1a9: {  	v1 =	vsub.f32 v1, v3;
	v3 =	vnsel vm12, $0x0, v4;
	v4 =	vshll.u32 v6, $0xF;
	[tilespmem:s14+$0xFFFFF000] =	vst v7  }
0x1aa: {  	v6 =	vmul.f32 v8, v3;
	v7 =	vor.u32 v4, v9;
	[tilespmem:s3+$0xFFFFE000] =	vst v11  }
0x1ab: {  	v50 =	vadd.s32 $0x1, v2;
	vm13 =	vlt.u32 v2, $0x100;
	v51 =	vsub.f32 $1.000000000e+00, v1;
	[tilespmem:s14+$0xFFFFF800] =	vst v7  }
0x1ac: {  	vm14 =	vlt.u32 v50, $0x100;
	v3 =	vmul.f32 v3, v5;
	v4 =	vor.u32 v4, v47;
	[tilespmem:s3+$0xFFFFE800] =	vst v6  }
0x1ad: {  	vm15 =	vgt.s32 v2, $0xFFFFFFFF;
	v1 =	vnsel vm14, $0x0, v1;
	v5 =	vnsel vm13, $0x0, v51;
	[tilespmem:s14+$0x0] =	vst v4  }
0x1ae: {  	v2 =	vsel vm15, v5, v1;
	[tilespmem:s3+$0xFFFFF000] =	vst v3  }
0x1af: {  	p1 =	sgt.u32 s17, $0xE;
	v1 =	vnsel vm15, $0x0, v1;
	[tilespmem:s3+$0xFFFFF800] =	vst v2  }
0x1b0: {  	[tilespmem:s3+$0x0] =	vst v1;
	s3 =	sadd.s32 @!p1 s9, s13  }
0x1b1: {  	[tilespmem:s30], [sflag:$0x4] =	stream.indirect.gather [hbm4b:s5+s19], $0x1, s29, s19, $0xb8;
	[tilespmem:$0x12000] =	vst v63  }
0x1b2: {  	s3 =	sshrl.u32 @!p1 s3, $0x3  }
0x1b3: {  	s11 =	simm.s32 @!p1 $0x0;
	s9 =	sadd.s32 @!p1 s1, s3  }
0x1b4: {  	[tilespmem:s11], [sflag:$0x1] =	stream.linear.gather @!p1 [hbm4b:s9+s11], $0x800, $0x38;
	[tilespmem:$0x12000] =	vst v63  }
0x1b5: {  	s14 =	simm.s32 @!p1 $0x800;
	s9 =	sadd.s32 @!p1 $0x40000, s9  }
0x1b6: {  	[tilespmem:s14], [sflag:$0x1] =	stream.linear.gather @!p1 [hbm4b:s9+s11], $0x800, $0x38;
	[tilespmem:$0x12000] =	vst v63  }
0x1b7: {  	s3 =	sadd.s32 @!p1 s3, s10;
	s9 =	simm.s32 @!p1 $0x1000  }
0x1b8: {  	[tilespmem:s9], [sflag:$0x1] =	stream.linear.gather @!p1 [hbm4b:s3+s11], $0x800, $0x38;
	[tilespmem:$0x12000] =	vst v63  }
0x1b9: {  	s3 =	simm.s32 @!p0 $0x5  }
0x1ba: {  	_ =	swait.ge @!p0 [sflag:s3], $0x800  }
0x1bb: {  	[sflag:s3] =	ssyncset.done @!p0 $0x0  }
0x1bc: {  	[sflag:s3] =	ssyncadd.s32 @!p0 $0xFFFFF800  }
0x1bd: {  	_ =	swait.ge [sflag:s31], $0x2000  }
0x1be: {  	[sflag:s31] =	ssyncset.done $0x0  }
0x1bf: {  	s22 =	simm.s32 $0xE000;
	[sflag:s31] =	ssyncadd.s32 $0xFFFFE000  }
0x1c0: {  	v1 =	vld [tilespmem:s22+$0xFFFFF000]  }
0x1c1: {  	s3 =	simm.s32 $0x0;
	v2 =	vld [tilespmem:s22+$0xFFFFF800]  }
0x1c2: {  	s26 =	sand.u32 $0x7E0, s3;
	v3 =	vld [tilespmem:s22+$0x0]  }
0x1c3: {  	v4 =	vld [tilespmem:s26+$0x9800]  }
0x1c4: {  	v5 =	vld [tilespmem:s26+$0x9000]  }
0x1c5: {  	v6 =	vld [tilespmem:s22+$0x800]  }
0x1c6: {  	s9 =	simm.s32 $0x8800;
	v7 =	vand.u32 $0xFFFF0000, v2  }
0x1c7: {  	v53 =	vld [tilespmem:s9+$0xFFFFF000];
	v52 =	vshll.u32 v1, $0x10;
	v1 =	vand.u32 $0xFFFF0000, v1;
	v2 =	vshll.u32 v2, $0x10  }
0x1c8: {  	v55 =	vld [tilespmem:s9+$0xFFFFE800];
	v54 =	vand.u32 $0xFFFF0000, v3;
	v1 =	vmul.f32 v1, v4;
	v7 =	vmul.f32 v7, v4  }
0x1c9: {  	v3 =	vshll.u32 v3, $0x10;
	v8 =	vmul.f32 v52, v5;
	v2 =	vmul.f32 v2, v5  }
0x1ca: {  	v57 =	vld [tilespmem:s9+$0xFFFFF800];
	v56 =	vshll.u32 v6, $0x10;
	v6 =	vand.u32 $0xFFFF0000, v6;
	v10 =	vmul.f32 v54, v4  }
0x1cb: {  	v3 =	vmul.f32 v3, v5;
	v1 =	vadd.f32 v1, v8;
	v2 =	vadd.f32 v7, v2  }
0x1cc: {  	v5 =	vmul.f32 v56, v5;
	v4 =	vmul.f32 v6, v4;
	v6 =	vld [tilespmem:s9+$0x0]  }
0x1cd: {  	v3 =	vadd.f32 v10, v3;
	v1 =	vmul.f32 v1, v55;
	v2 =	vmul.f32 v2, v53;
	_ =	sdelay $0x1  }
0x1ce: {  	v4 =	vadd.f32 v4, v5;
	v1 =	vadd.f32 v2, v1;
	v2 =	vmul.f32 v3, v57;
	_ =	sdelay $0x1  }
0x1cf: {  	v1 =	vadd.f32 v2, v1;
	v2 =	vmul.f32 v4, v6;
	_ =	sdelay $0x1  }
0x1d0: {  	v1 =	vadd.f32 v2, v1  }
0x1d1: {  	s11 =	simm.s32 $0x11010  }
0x1d2: {  	[tilespmem:s11+$0xFFFFFFF0] =	vst v1  }
0x1d3: {  	v1 =	vld [tilespmem:s22+$0xFFFFF810]  }
0x1d4: {  	v2 =	vld [tilespmem:s9+$0x1010]  }
0x1d5: {  	v3 =	vld [tilespmem:s22+$0xFFFFF010]  }
0x1d6: {  	v4 =	vld [tilespmem:s22+$0x10]  }
0x1d7: {  	v5 =	vld [tilespmem:s9+$0x810];
	_ =	sdelay $0x1  }
0x1d8: {  	v6 =	vld [tilespmem:s22+$0x810]  }
0x1d9: {  	v7 =	vand.u32 $0xFFFF0000, v1  }
0x1da: {  	v59 =	vld [tilespmem:s9+$0xFFFFF010];
	v1 =	vshll.u32 v1, $0x10;
	v58 =	vand.u32 $0xFFFF0000, v3;
	v3 =	vshll.u32 v3, $0x10  }
0x1db: {  	v60 =	vld [tilespmem:s9+$0xFFFFE810];
	v61 =	vand.u32 $0xFFFF0000, v4;
	v7 =	vmul.f32 v7, v2;
	v1 =	vmul.f32 v1, v5  }
0x1dc: {  	v4 =	vshll.u32 v4, $0x10;
	v8 =	vmul.f32 v58, v2;
	v3 =	vmul.f32 v3, v5  }
0x1dd: {  	v62 =	vld [tilespmem:s9+$0xFFFFF810];
	v63 =	vshll.u32 v6, $0x10;
	v6 =	vand.u32 $0xFFFF0000, v6;
	v1 =	vadd.f32 v7, v1  }
0x1de: {  	v4 =	vmul.f32 v4, v5;
	v11 =	vmul.f32 v61, v2;
	v3 =	vadd.f32 v8, v3  }
0x1df: {  	v2 =	vmul.f32 v6, v2;
	v6 =	vmul.f32 v1, v59;
	v1 =	vld [tilespmem:s9+$0x10]  }
0x1e0: {  	v5 =	vmul.f32 v63, v5;
	v4 =	vadd.f32 v11, v4;
	v3 =	vmul.f32 v3, v60;
	_ =	sdelay $0x1  }
0x1e1: {  	s15 =	simm.s32 $0x11030;
	s16 =	simm.s32 $0xE020;
	s14 =	simm.s32 $0x0;
	v2 =	vadd.f32 v2, v5;
	v4 =	vmul.f32 v4, v62;
	v3 =	vadd.f32 v6, v3  }
.LBB2_14:
0x1e2: {  	s14 =	sadd.s32 $0x2, s14;
	s3 =	sadd.s32 $0x20, s3;
	s9 =	sadd.s32 $0x20, s9  }
0x1e3: {  	p0 =	slt.u32 s14, $0x7E;
	v3 =	vadd.f32 v4, v3;
	v1 =	vmul.f32 v2, v1;
	_ =	sdelay $0x1  }
0x1e4: {  	v1 =	vadd.f32 v1, v3;
	_ =	sdelay $0x1  }
0x1e5: {  	[tilespmem:s11+$0x0] =	vst v1;
	s11 =	smov.u32 s15  }
0x1e6: {  	v1 =	vld [tilespmem:s16+$0xFFFFF000]  }
0x1e7: {  	v2 =	vld [tilespmem:s16+$0xFFFFF800]  }
0x1e8: {  	s20 =	sand.u32 $0x7E0, s3;
	v3 =	vld [tilespmem:s16+$0x0]  }
0x1e9: {  	v4 =	vld [tilespmem:s20+$0x9800]  }
0x1ea: {  	v5 =	vld [tilespmem:s20+$0x9000]  }
0x1eb: {  	v6 =	vld [tilespmem:s16+$0x800]  }
0x1ec: {  	v7 =	vand.u32 $0xFFFF0000, v2  }
0x1ed: {  	v8 =	vshll.u32 v1, $0x10;
	v1 =	vand.u32 $0xFFFF0000, v1;
	v2 =	vshll.u32 v2, $0x10  }
0x1ee: {  	v10 =	vand.u32 $0xFFFF0000, v3;
	v1 =	vmul.f32 v1, v4;
	v9 =	vld [tilespmem:s9+$0xFFFFF000];
	v7 =	vmul.f32 v7, v4  }
0x1ef: {  	v3 =	vshll.u32 v3, $0x10;
	v10 =	vmul.f32 v10, v4;
	v11 =	vld [tilespmem:s9+$0xFFFFE800];
	v8 =	vmul.f32 v8, v5  }
0x1f0: {  	v2 =	vmul.f32 v2, v5;
	v3 =	vmul.f32 v3, v5;
	v12 =	vshll.u32 v6, $0x10  }
0x1f1: {  	v6 =	vand.u32 $0xFFFF0000, v6;
	v1 =	vadd.f32 v1, v8;
	v8 =	vld [tilespmem:s9+$0xFFFFF800];
	v5 =	vmul.f32 v12, v5  }
0x1f2: {  	v2 =	vadd.f32 v7, v2;
	v3 =	vadd.f32 v10, v3;
	v4 =	vmul.f32 v6, v4  }
0x1f3: {  	v6 =	vld [tilespmem:s9+$0x0]  }
0x1f4: {  	v2 =	vmul.f32 v2, v9;
	v4 =	vadd.f32 v4, v5;
	v1 =	vmul.f32 v1, v11;
	_ =	sdelay $0x1  }
0x1f5: {  	v1 =	vadd.f32 v2, v1;
	v2 =	vmul.f32 v3, v8;
	_ =	sdelay $0x1  }
0x1f6: {  	v1 =	vadd.f32 v2, v1;
	v2 =	vmul.f32 v4, v6;
	_ =	sdelay $0x1  }
0x1f7: {  	v1 =	vadd.f32 v2, v1;
	_ =	sdelay $0x1  }
0x1f8: {  	[tilespmem:s15+$0xFFFFFFF0] =	vst v1  }
0x1f9: {  	v1 =	vld [tilespmem:s16+$0xFFFFF810]  }
0x1fa: {  	v2 =	vld [tilespmem:s9+$0x1010]  }
0x1fb: {  	v3 =	vld [tilespmem:s16+$0xFFFFF010]  }
0x1fc: {  	v4 =	vld [tilespmem:s16+$0x10]  }
0x1fd: {  	v5 =	vld [tilespmem:s9+$0x810]  }
0x1fe: {  	v6 =	vshll.u32 v1, $0x10;
	v1 =	vand.u32 $0xFFFF0000, v1;
	v7 =	vld [tilespmem:s16+$0x810]  }
0x1ff: {  	v1 =	vmul.f32 v1, v2  }
0x200: {  	v8 =	vand.u32 $0xFFFF0000, v3;
	v9 =	vld [tilespmem:s9+$0xFFFFF010]  }
0x201: {  	v3 =	vshll.u32 v3, $0x10;
	v10 =	vld [tilespmem:s9+$0xFFFFE810];
	v8 =	vmul.f32 v8, v2;
	v11 =	vand.u32 $0xFFFF0000, v4  }
0x202: {  	v4 =	vshll.u32 v4, $0x10;
	v3 =	vmul.f32 v3, v5;
	v6 =	vmul.f32 v6, v5  }
0x203: {  	v4 =	vmul.f32 v4, v5;
	v11 =	vmul.f32 v11, v2;
	v12 =	vld [tilespmem:s9+$0xFFFFF810];
	v13 =	vshll.u32 v7, $0x10  }
.Ltmp6:
0x204: {  	v7 =	vand.u32 $0xFFFF0000, v7;
	v3 =	vadd.f32 v8, v3;
	v6 =	vadd.f32 v1, v6;
	(pc) =	sbr.rel @p0 .LBB2_14-.Ltmp6, $4  }
0x205: {  	v4 =	vadd.f32 v11, v4;
	v5 =	vmul.f32 v13, v5;
	v2 =	vmul.f32 v7, v2;
	v1 =	vld [tilespmem:s9+$0x10]  }
0x206: {  	v3 =	vmul.f32 v3, v10;
	v6 =	vmul.f32 v6, v9  }
0x207: {  	v2 =	vadd.f32 v2, v5  }
0x208: {  	s15 =	sadd.s32 $0x20, s15;
	s16 =	sadd.s32 $0x20, s16;
	v3 =	vadd.f32 v6, v3;
	v4 =	vmul.f32 v4, v12  }
0x209: {  	s17 =	sadd.s32 $0x1, s17  }
0x20a: {  	v3 =	vadd.f32 v4, v3;
	v1 =	vmul.f32 v2, v1;
	p0 =	sne.s32 s17, $0x10  }
.Ltmp7:
0x20b: {  	_ = 	snop;
	(pc) =	sbr.rel @p0 .LBB2_2-.Ltmp7, $4  }
.Ltmp8:
0x20c: {  	v1 =	vadd.f32 v1, v3;
	(pc) =	sbr.rel @!p0 .LBB2_16-.Ltmp8, $4  }
0x20d: {  	_ = 	snop  }
0x20e: {  	s3 =	sadd.s32 s2, s8;
	[tilespmem:s11+$0x0] =	vst v1  }
0x20f: {  	[hbm4b:s3+s4] =	stream.linear.scatter [tilespmem:s0], [sflag:$0x5], $0x800, $0x38;
	[tilespmem:$0x12000] =	vst v63  }
0x210: {  	_ = 	snop  }
.LBB2_10:
.Ltmp9:
0x211: {  	(pc) =	sbr.rel .LBB2_11-.Ltmp9, $2  }
0x212: {  	_ =	sdelay $0x2  }
0x213: {  	p0 =	por $0x1, $0x1  }
.LBB2_16:
0x214: {  	_ =	swait.ge [sflag:s25], $0x2000  }
0x215: {  	s8 =	simm.s32 $0x0;
	[sflag:s25] =	ssyncset.done $0x0  }
0x216: {  	s15 =	sand.u32 $0x7E0, s8;
	[sflag:s25] =	ssyncadd.s32 $0xFFFFE000  }
0x217: {  	v1 =	vld [tilespmem:s15+$0xF800]  }
0x218: {  	v2 =	vld [tilespmem:s15+$0xC800]  }
0x219: {  	v3 =	vld [tilespmem:s15+$0xF000]  }
0x21a: {  	s3 =	simm.s32 $0x10810;
	v4 =	vld [tilespmem:s15+$0xC000]  }
0x21b: {  	v5 =	vld [tilespmem:s3+$0xFFFFF7F0];
	_ =	sdelay $0x1  }
0x21c: {  	v6 =	vld [tilespmem:s3+$0xFFFFFFF0]  }
0x21d: {  	s11 =	simm.s32 $0xC810;
	v7 =	vand.u32 $0xFFFF0000, v1  }
0x21e: {  	v9 =	vld [tilespmem:s11+$0xFFFFDFF0];
	v8 =	vshll.u32 v3, $0x10;
	v1 =	vshll.u32 v1, $0x10;
	v3 =	vand.u32 $0xFFFF0000, v3  }
0x21f: {  	v10 =	vld [tilespmem:s11+$0xFFFFD7F0];
	v11 =	vshll.u32 v5, $0x10;
	v7 =	vmul.f32 v7, v2;
	v1 =	vmul.f32 v1, v4  }
0x220: {  	v5 =	vand.u32 $0xFFFF0000, v5;
	v8 =	vmul.f32 v8, v4;
	v3 =	vmul.f32 v3, v2  }
0x221: {  	v61 =	vld [tilespmem:s15+$0xB000];
	v62 =	vand.u32 $0xFFFF0000, v6;
	v6 =	vshll.u32 v6, $0x10;
	v11 =	vmul.f32 v11, v4  }
0x222: {  	v5 =	vmul.f32 v5, v2;
	v1 =	vadd.f32 v7, v1;
	v3 =	vadd.f32 v3, v8  }
0x223: {  	v63 =	vld [tilespmem:s15+$0xB800];
	v2 =	vmul.f32 v62, v2;
	v4 =	vmul.f32 v6, v4  }
0x224: {  	v5 =	vadd.f32 v5, v11;
	v1 =	vmul.f32 v1, v9;
	v3 =	vmul.f32 v3, v10;
	_ =	sdelay $0x1  }
0x225: {  	v2 =	vadd.f32 v2, v4;
	v1 =	vadd.f32 v1, v3;
	v3 =	vmul.f32 v5, v61;
	_ =	sdelay $0x1  }
0x226: {  	v2 =	vmul.f32 v2, v63;
	v1 =	vadd.f32 v3, v1;
	_ =	sdelay $0x1  }
0x227: {  	s9 =	simm.s32 $0x11810;
	s16 =	simm.s32 $0x0;
	v1 =	vadd.f32 v2, v1  }
0x228: {  	s17 =	simm.s32 $0x10830;
	s20 =	simm.s32 $0x11830;
	s14 =	simm.s32 $0xC810  }
.LBB2_17:
0x229: {  	s16 =	sadd.s32 $0x2, s16;
	[tilespmem:s15+$0x11800] =	vst v1;
	s11 =	sadd.s32 $0x20, s11;
	s8 =	sadd.s32 $0x20, s8  }
0x22a: {  	p0 =	slt.u32 s16, $0x7E;
	v1 =	vld [tilespmem:s3+$0xFFFFE800]  }
0x22b: {  	v2 =	vld [tilespmem:s14+$0xFFFFF800]  }
0x22c: {  	v3 =	vld [tilespmem:s3+$0xFFFFF800]  }
0x22d: {  	v4 =	vld [tilespmem:s3+$0xFFFFF000]  }
0x22e: {  	v5 =	vld [tilespmem:s14+$0x0]  }
0x22f: {  	v6 =	vshll.u32 v1, $0x10;
	v1 =	vand.u32 $0xFFFF0000, v1;
	v7 =	vld [tilespmem:s3+$0x0];
	s3 =	smov.u32 s17  }
0x230: {  	s15 =	sand.u32 $0x7E0, s8;
	v6 =	vmul.f32 v6, v2  }
0x231: {  	v8 =	vshll.u32 v3, $0x10;
	v3 =	vand.u32 $0xFFFF0000, v3;
	v9 =	vld [tilespmem:s14+$0xFFFFE800]  }
0x232: {  	v10 =	vld [tilespmem:s14+$0xFFFFD800];
	v11 =	vshll.u32 v4, $0x10;
	v4 =	vand.u32 $0xFFFF0000, v4;
	v8 =	vmul.f32 v8, v2  }
0x233: {  	v1 =	vmul.f32 v1, v5;
	v12 =	vld [tilespmem:s14+$0xFFFFE000];
	v3 =	vmul.f32 v3, v5  }
0x234: {  	v11 =	vmul.f32 v11, v2;
	v4 =	vmul.f32 v4, v5;
	v13 =	vshll.u32 v7, $0x10  }
0x235: {  	v1 =	vadd.f32 v1, v6;
	v3 =	vadd.f32 v3, v8;
	v6 =	vand.u32 $0xFFFF0000, v7  }
0x236: {  	v4 =	vadd.f32 v4, v11;
	v2 =	vmul.f32 v13, v2;
	v5 =	vmul.f32 v6, v5  }
0x237: {  	v1 =	vmul.f32 v1, v10;
	v3 =	vmul.f32 v3, v9;
	v6 =	vld [tilespmem:s14+$0xFFFFF000];
	s14 =	smov.u32 s11  }
0x238: {  	v4 =	vmul.f32 v4, v12;
	v2 =	vadd.f32 v5, v2;
	_ =	sdelay $0x1  }
0x239: {  	v1 =	vadd.f32 v4, v1;
	_ =	sdelay $0x1  }
0x23a: {  	v1 =	vadd.f32 v3, v1;
	v2 =	vmul.f32 v2, v6;
	_ =	sdelay $0x1  }
0x23b: {  	v1 =	vadd.f32 v2, v1;
	_ =	sdelay $0x1  }
0x23c: {  	[tilespmem:s9+$0x0] =	vst v1;
	s9 =	smov.u32 s20  }
0x23d: {  	v1 =	vld [tilespmem:s15+$0xF800]  }
0x23e: {  	v2 =	vld [tilespmem:s15+$0xC800]  }
0x23f: {  	v3 =	vld [tilespmem:s15+$0xF000]  }
0x240: {  	v4 =	vld [tilespmem:s15+$0xC000]  }
0x241: {  	v5 =	vld [tilespmem:s17+$0xFFFFF7F0]  }
0x242: {  	v6 =	vand.u32 $0xFFFF0000, v1  }
0x243: {  	v7 =	vld [tilespmem:s17+$0xFFFFFFF0]  }
0x244: {  	v1 =	vshll.u32 v1, $0x10;
	v6 =	vmul.f32 v6, v2;
	v8 =	vshll.u32 v3, $0x10;
	v9 =	vld [tilespmem:s11+$0xFFFFDFF0]  }
0x245: {  	v3 =	vand.u32 $0xFFFF0000, v3;
	v10 =	vld [tilespmem:s11+$0xFFFFD7F0];
	v8 =	vmul.f32 v8, v4;
	v1 =	vmul.f32 v1, v4  }
0x246: {  	v3 =	vmul.f32 v3, v2;
	v11 =	vshll.u32 v5, $0x10;
	v5 =	vand.u32 $0xFFFF0000, v5  }
0x247: {  	v1 =	vadd.f32 v6, v1;
	v6 =	vld [tilespmem:s15+$0xB000];
	v11 =	vmul.f32 v11, v4;
	v5 =	vmul.f32 v5, v2  }
0x248: {  	v3 =	vadd.f32 v3, v8;
	v8 =	vshll.u32 v7, $0x10;
	v7 =	vand.u32 $0xFFFF0000, v7  }
0x249: {  	v1 =	vmul.f32 v1, v9;
	v5 =	vadd.f32 v5, v11;
	v9 =	vld [tilespmem:s15+$0xB800];
	v2 =	vmul.f32 v7, v2  }
0x24a: {  	v4 =	vmul.f32 v8, v4;
	v3 =	vmul.f32 v3, v10;
	_ =	sdelay $0x1  }
0x24b: {  	v2 =	vadd.f32 v2, v4;
	v1 =	vadd.f32 v1, v3;
	v3 =	vmul.f32 v5, v6  }
.Ltmp10:
0x24c: {  	(pc) =	sbr.rel @p0 .LBB2_17-.Ltmp10, $3  }
0x24d: {  	v1 =	vadd.f32 v3, v1;
	v2 =	vmul.f32 v2, v9;
	_ =	sdelay $0x1  }
0x24e: {  	v1 =	vadd.f32 v2, v1  }
0x24f: {  	s20 =	sadd.s32 $0x20, s20;
	s17 =	sadd.s32 $0x20, s17  }
0x250: {  	[tilespmem:s15+$0x11800] =	vst v1  }
0x251: {  	v1 =	vld [tilespmem:s3+$0xFFFFE800]  }
0x252: {  	v2 =	vld [tilespmem:s14+$0xFFFFF800]  }
0x253: {  	v3 =	vld [tilespmem:s3+$0xFFFFF800]  }
0x254: {  	v4 =	vld [tilespmem:s3+$0xFFFFF000]  }
0x255: {  	v5 =	vld [tilespmem:s14+$0x0];
	_ =	sdelay $0x1  }
0x256: {  	v6 =	vld [tilespmem:s3+$0x0]  }
0x257: {  	v7 =	vshll.u32 v1, $0x10  }
0x258: {  	v9 =	vld [tilespmem:s14+$0xFFFFD800];
	v1 =	vand.u32 $0xFFFF0000, v1;
	v8 =	vshll.u32 v3, $0x10;
	v10 =	vshll.u32 v4, $0x10  }
0x259: {  	v11 =	vld [tilespmem:s14+$0xFFFFE000];
	v4 =	vand.u32 $0xFFFF0000, v4;
	v7 =	vmul.f32 v7, v2;
	v1 =	vmul.f32 v1, v5  }
0x25a: {  	v3 =	vand.u32 $0xFFFF0000, v3;
	v10 =	vmul.f32 v10, v2;
	v4 =	vmul.f32 v4, v5  }
0x25b: {  	v12 =	vld [tilespmem:s14+$0xFFFFE800];
	v13 =	vshll.u32 v6, $0x10;
	v6 =	vand.u32 $0xFFFF0000, v6;
	v8 =	vmul.f32 v8, v2  }
0x25c: {  	v3 =	vmul.f32 v3, v5;
	v1 =	vadd.f32 v1, v7;
	v4 =	vadd.f32 v4, v10  }
0x25d: {  	v63 =	vld [tilespmem:s14+$0xFFFFF000];
	v2 =	vmul.f32 v13, v2;
	v5 =	vmul.f32 v6, v5  }
0x25e: {  	v3 =	vadd.f32 v3, v8;
	v1 =	vmul.f32 v1, v9;
	v4 =	vmul.f32 v4, v11;
	_ =	sdelay $0x1  }
0x25f: {  	v2 =	vadd.f32 v5, v2;
	v3 =	vmul.f32 v3, v12;
	v1 =	vadd.f32 v4, v1;
	_ =	sdelay $0x1  }
0x260: {  	v2 =	vmul.f32 v2, v63;
	v1 =	vadd.f32 v3, v1;
	_ =	sdelay $0x1  }
0x261: {  	v1 =	vadd.f32 v2, v1;
	_ =	sdelay $0x1  }
0x262: {  	s20 =	rddreg [dreg:$0x7];
	s8 =	simm.s32 $0x11800;
	s21 =	simm.s32 $0x5;
	[tilespmem:s9+$0x0] =	vst v1  }
0x263: {  	[hbm4b:s20+s4] =	stream.linear.scatter [tilespmem:s8], [sflag:$0x6], $0x800, $0x38;
	[tilespmem:$0x12000] =	vst v63  }
0x264: {  	_ =	swait.ge [sflag:s21], $0x800  }
0x265: {  	[sflag:s21] =	ssyncset.done $0x0  }
0x266: {  	[sflag:s21] =	ssyncadd.s32 $0xFFFFF800  }
0x267: {  	_ =	swait.ge [sflag:s24], $0x800  }
0x268: {  	s22 =	rddreg [dreg:$0x9]  }
0x269: {  	s26 =	rddreg [dreg:$0x8];
	s8 =	sadd.s32 $0x1, s22  }
0x26a: {  	p0 =	sne.s32 s8, s26  }
.Ltmp11:
0x26b: {  	_ = 	snop;
	(pc) =	sbr.rel @p0 .LBB2_1-.Ltmp11, $3  }
0x26c: {  	_ =	sdelay $0x1  }
0x26d: {  	[sflag:s24] =	ssyncset.done $0x0  }
0x26e: {  	[sflag:s24] =	ssyncadd.s32 $0xFFFFF800  }
0x26f: {  	_ =	sfence.sel $0x180000  }
0x270: {  	[bflag:$0x0] =	sbarrier.arrive $0xFFFF  }
0x271: {  	_ =	strace $0x90000047  }
0x272: {  	s0 =	stileid.u32;
	[bflag:$0x2] =	sbarrier.arrive $0xFFFF  }
0x273: {  	p0 =	sne.s32 s0, $0x0;
	s0 =	rddreg [dreg:$0x3]  }
0x274: {  	s0 =	sadd.s32 @!p0 $0x100000, s0  }
0x275: {  	[sflag:s0] =	ssyncadd.tile.s32 @!p0 $0x1;
	_ =	shalt  }
.Lfunc_end2:
_tile_overlayer_lowered:
.L_overlay_start_2:
0x276: {  	(tag) =	ssettag $0x2  }
0x277: {  	s0 =	rddreg [dreg:$0x0];
	s2 =	stileid.u32  }
0x278: {  	s1 =	rddreg [dreg:$0x1];
	p0 =	sne.s32 s2, $0x0  }
0x279: {  	s3 =	rddreg [dreg:$0x2];
	[bflag:$0x3] =	sbarrier.arrive $0xFFFF;
	s2 =	simm.s32 @!p0 $0x1C07  }
0x27a: {  	[timem:s3], [sflag:s2] =	dma.local @!p0 [hbm:s0], s1  }
0x27b: {  	s0 =	simm.s32 @!p0 $0x7  }
0x27c: {  	_ =	swait.ge @!p0 [sflag:s0], s1  }
0x27d: {  	s1 =	ssub.s32 @!p0 $0x0, s1;
	[sflag:s0] =	ssyncset.done @!p0 $0x0  }
0x27e: {  	[sflag:s0] =	ssyncadd.s32 @!p0 s1  }
0x27f: {  	[bflag:$0x3] =	sbarrier.arrive $0xFFFF  }
0x280: {  	_ =	shalt  }

</sc_bundles>
